<compile_context>
chip_gen: v7x
topology: tpu7x:2x2x1
jax: 0.10.2.dev20260603
libtpu: 0.0.44.dev20260713+nightly
codegen_flags: <defaults>
</compile_context>

<pallas_src>
import functools

import jax
import jax.numpy as jnp
from jax import lax
from jax.experimental import pallas as pl
from jax.experimental.pallas import tpu as pltpu
from jax.experimental.pallas import tpu_sc as plsc

N_ATOMS = 40000
N_BLOCKS = 10000
N_GRAPHS = 256
E = 320000
H_DIM = 128
T_DIM = 144



def _silu(x):
    return x * jax.nn.sigmoid(x)


def _mask3(rows):
    return (jax.lax.broadcasted_iota(jnp.int32, (1, 16), 1) < 3).astype(jnp.float32)


def _onehot3(rows):
    return (jax.lax.broadcasted_iota(jnp.int32, (1, 16), 1) == 3).astype(jnp.float32)


def _k2_body(s_ref, emb_w_ref, emb_b_ref, wa_ref, wb_ref, b1_ref,
             hb_ref, xp_ref, h_ref, ta_ref, tb_ref):
    s = jnp.sum(s_ref[...], axis=0)
    cnt = jnp.maximum(s[:, 131:132], 1.0)
    hb = s[:, :H_DIM] / cnt
    xp = (s[:, H_DIM:] / cnt) * _mask3(s.shape[0])
    hb_ref[...] = hb
    xp_ref[...] = xp
    h = jnp.dot(hb, emb_w_ref[...], preferred_element_type=jnp.float32) + emb_b_ref[...]
    h_ref[...] = h
    a = jnp.dot(h, wa_ref[...], preferred_element_type=jnp.float32) + b1_ref[...]
    b = jnp.dot(h, wb_ref[...], preferred_element_type=jnp.float32)
    ta_ref[...] = jnp.concatenate([a, xp], axis=1)
    tb_ref[...] = jnp.concatenate([b, xp], axis=1)


def _k2(s, emb_w, emb_b, wa, wb, b1):
    B = 1000
    grid = (N_BLOCKS // B,)
    w_spec = pl.BlockSpec((H_DIM, H_DIM), lambda i: (0, 0))
    bias_spec = pl.BlockSpec((1, H_DIM), lambda i: (0, 0))
    return pl.pallas_call(
        _k2_body,
        grid=grid,
        in_specs=[
            pl.BlockSpec((s.shape[0], B, T_DIM), lambda i: (0, i, 0)),
            w_spec, bias_spec, w_spec, w_spec, bias_spec,
        ],
        out_specs=[
            pl.BlockSpec((B, H_DIM), lambda i: (i, 0)),
            pl.BlockSpec((B, 16), lambda i: (i, 0)),
            pl.BlockSpec((B, H_DIM), lambda i: (i, 0)),
            pl.BlockSpec((B, T_DIM), lambda i: (i, 0)),
            pl.BlockSpec((B, T_DIM), lambda i: (i, 0)),
        ],
        out_shape=[
            jax.ShapeDtypeStruct((N_BLOCKS, H_DIM), jnp.float32),
            jax.ShapeDtypeStruct((N_BLOCKS, 16), jnp.float32),
            jax.ShapeDtypeStruct((N_BLOCKS, H_DIM), jnp.float32),
            jax.ShapeDtypeStruct((N_BLOCKS, T_DIM), jnp.float32),
            jax.ShapeDtypeStruct((N_BLOCKS, T_DIM), jnp.float32),
        ],
    )(s, emb_w, emb_b.reshape(1, -1), wa, wb, b1.reshape(1, -1))


def _k4_body(ra_ref, rb_ref, ea_ref, we_ref, wr_ref, w2_ref, b2_ref,
             c1_ref, cb1_ref, c2_ref, out_ref):
    ra = ra_ref[...]
    rb = rb_ref[...]
    h1 = ra[:, :H_DIM] + rb[:, :H_DIM]
    d = ra[:, H_DIM:] - rb[:, H_DIM:]
    radial = jnp.sum(d * d, axis=1, keepdims=True)
    m1 = h1 + radial * wr_ref[...] + jnp.dot(
        ea_ref[...], we_ref[...], preferred_element_type=jnp.float32)
    m1 = _silu(m1).astype(jnp.bfloat16)
    m = _silu(jnp.dot(m1, w2_ref[...], preferred_element_type=jnp.float32) + b2_ref[...])
    p = _silu(jnp.dot(m.astype(jnp.bfloat16), c1_ref[...],
                      preferred_element_type=jnp.float32) + cb1_ref[...])
    phi = jnp.dot(p, c2_ref[...], preferred_element_type=jnp.float32)
    tp = d * phi + _onehot3(d.shape[0])
    out_ref[...] = jnp.concatenate([m, tp], axis=1)


def _k4(ra, rb, ea, we, wr, w2, b2, c1, cb1, c2):
    B = 4000
    grid = (E // B,)
    return pl.pallas_call(
        _k4_body,
        grid=grid,
        in_specs=[
            pl.BlockSpec((B, T_DIM), lambda i: (i, 0)),
            pl.BlockSpec((B, T_DIM), lambda i: (i, 0)),
            pl.BlockSpec((B, 16), lambda i: (i, 0)),
            pl.BlockSpec((16, H_DIM), lambda i: (0, 0)),
            pl.BlockSpec((1, H_DIM), lambda i: (0, 0)),
            pl.BlockSpec((H_DIM, H_DIM), lambda i: (0, 0)),
            pl.BlockSpec((1, H_DIM), lambda i: (0, 0)),
            pl.BlockSpec((H_DIM, H_DIM), lambda i: (0, 0)),
            pl.BlockSpec((1, H_DIM), lambda i: (0, 0)),
            pl.BlockSpec((H_DIM, 1), lambda i: (0, 0)),
        ],
        out_specs=pl.BlockSpec((B, T_DIM), lambda i: (i, 0)),
        out_shape=jax.ShapeDtypeStruct((E, T_DIM), jnp.float32),
    )(ra, rb, ea, we, wr.reshape(1, -1), w2, b2.reshape(1, -1),
      c1, cb1.reshape(1, -1), c2)


def _k6_body(last, s_ref, h_ref, xp_ref, wn1a_ref, wn1b_ref, nb1_ref,
             wn2_ref, nb2_ref, nwa_ref, nwb_ref, nb1n_ref,
             h_out, xp_out, ta_ref, tb_ref):
    s = jnp.sum(s_ref[...], axis=0)
    cnt = jnp.maximum(s[:, 131:132], 1.0)
    aggm = s[:, :H_DIM]
    xp = xp_ref[...] + (s[:, H_DIM:] * _mask3(s.shape[0])) / cnt
    h = h_ref[...]
    hid = _silu(jnp.dot(h, wn1a_ref[...], preferred_element_type=jnp.float32)
                + jnp.dot(aggm, wn1b_ref[...], preferred_element_type=jnp.float32)
                + nb1_ref[...])
    h = h + jnp.dot(hid, wn2_ref[...], preferred_element_type=jnp.float32) + nb2_ref[...]
    h_out[...] = h
    xp_out[...] = xp
    a = jnp.dot(h, nwa_ref[...], preferred_element_type=jnp.float32) + nb1n_ref[...]
    if last:
        nrm = jax.lax.rsqrt(jnp.maximum(jnp.sum(a * a, axis=1, keepdims=True), 1e-24))
        ta_ref[...] = jnp.concatenate([a * nrm, xp], axis=1)
        tb_ref[...] = jnp.zeros(tb_ref.shape, tb_ref.dtype)
    else:
        b = jnp.dot(h, nwb_ref[...], preferred_element_type=jnp.float32)
        ta_ref[...] = jnp.concatenate([a, xp], axis=1)
        tb_ref[...] = jnp.concatenate([b, xp], axis=1)


def _k6(s, h, xp, wn1a, wn1b, nb1, wn2, nb2, nwa, nwb, nb1n, last):
    B = 1000
    grid = (N_BLOCKS // B,)
    w_spec = pl.BlockSpec((H_DIM, H_DIM), lambda i: (0, 0))
    bias_spec = pl.BlockSpec((1, H_DIM), lambda i: (0, 0))
    return pl.pallas_call(
        functools.partial(_k6_body, last),
        grid=grid,
        in_specs=[
            pl.BlockSpec((s.shape[0], B, T_DIM), lambda i: (0, i, 0)),
            pl.BlockSpec((B, H_DIM), lambda i: (i, 0)),
            pl.BlockSpec((B, 16), lambda i: (i, 0)),
            w_spec, w_spec, bias_spec, w_spec, bias_spec,
            w_spec, w_spec, bias_spec,
        ],
        out_specs=[
            pl.BlockSpec((B, H_DIM), lambda i: (i, 0)),
            pl.BlockSpec((B, 16), lambda i: (i, 0)),
            pl.BlockSpec((B, T_DIM), lambda i: (i, 0)),
            pl.BlockSpec((B, T_DIM), lambda i: (i, 0)),
        ],
        out_shape=[
            jax.ShapeDtypeStruct((N_BLOCKS, H_DIM), jnp.float32),
            jax.ShapeDtypeStruct((N_BLOCKS, 16), jnp.float32),
            jax.ShapeDtypeStruct((N_BLOCKS, T_DIM), jnp.float32),
            jax.ShapeDtypeStruct((N_BLOCKS, T_DIM), jnp.float32),
        ],
    )(s, h, xp, wn1a, wn1b, nb1.reshape(1, -1), wn2, nb2.reshape(1, -1),
      nwa, nwb, nb1n.reshape(1, -1))


def _k7_body(br_ref, bid_ref, acc_ref, out_ref):
    i = pl.program_id(0)
    bid = bid_ref[0]
    onehot = (jax.lax.broadcasted_iota(jnp.int32, (N_GRAPHS, bid.shape[1]), 0)
              == bid).astype(jnp.float32)
    part = jnp.dot(onehot, br_ref[...], preferred_element_type=jnp.float32)

    @pl.when(i == 0)
    def _init():
        acc_ref[...] = part

    @pl.when(i > 0)
    def _acc():
        acc_ref[...] = acc_ref[...] + part

    @pl.when(i == pl.num_programs(0) - 1)
    def _fin():
        g = acc_ref[...]
        nrm = jax.lax.rsqrt(jnp.maximum(jnp.sum(g * g, axis=1, keepdims=True), 1e-24))
        out_ref[...] = g * nrm


def _k7(br, bid2d):
    B = 2000
    grid = (N_BLOCKS // B,)
    bid3 = bid2d.reshape(N_BLOCKS // B, 1, B)
    return pl.pallas_call(
        _k7_body,
        grid=grid,
        in_specs=[
            pl.BlockSpec((B, H_DIM), lambda i: (i, 0)),
            pl.BlockSpec((1, 1, B), lambda i: (i, 0, 0)),
        ],
        out_specs=[
            pl.BlockSpec((N_GRAPHS, H_DIM), lambda i: (0, 0)),
            pl.BlockSpec((N_GRAPHS, H_DIM), lambda i: (0, 0)),
        ],
        out_shape=[
            jax.ShapeDtypeStruct((N_GRAPHS, H_DIM), jnp.float32),
            jax.ShapeDtypeStruct((N_GRAPHS, H_DIM), jnp.float32),
        ],
    )(br, bid3)[1]


def _sc_scatter(vals, idx, n):
    N = vals.shape[0]
    K = 800
    nchunks = N // K
    assert nchunks * K == N
    NS = 16
    CD = T_DIM // 2
    ZROWS = 1000
    assert n % ZROWS == 0
    mesh = plsc.VectorSubcoreMesh(core_axis_name="c", subcore_axis_name="s")

    @functools.partial(
        pl.kernel,
        out_type=jax.ShapeDtypeStruct((1, n, T_DIM), jnp.float32),
        mesh=mesh,
        scratch_types=[
            pltpu.VMEM((K,), jnp.int32),
            pltpu.VMEM((K, CD), jnp.float32),
            pltpu.VMEM_SHARED((n, CD), jnp.float32),
        ],
        compiler_params=pltpu.CompilerParams(use_tc_tiling_on_sc=False),
    )
    def _scatter_kernel(vals_hbm, idx_hbm, zeros_hbm, out_hbm, idx_v, vals_v, accum):
        cid = lax.axis_index("c")
        sid = lax.axis_index("s")

        @pl.when(sid == 0)
        def _zero():
            def zbody(j, carry):
                pltpu.sync_copy(zeros_hbm, accum.at[pl.ds(j * ZROWS, ZROWS)])
                return carry
            lax.fori_loop(0, n // ZROWS, zbody, 0)

        plsc.subcore_barrier()
        my_chunks = nchunks // NS + jnp.where(sid < nchunks % NS, 1, 0)

        def body(i, carry):
            base = (sid + i * NS) * K
            pltpu.sync_copy(idx_hbm.at[pl.ds(base, K)], idx_v)
            pltpu.sync_copy(vals_hbm.at[pl.ds(base, K), pl.ds(cid * CD, CD)], vals_v)
            pltpu.sync_copy(vals_v, accum.at[idx_v], add=True)
            return carry

        lax.fori_loop(0, my_chunks, body, 0)
        plsc.subcore_barrier()

        @pl.when(sid == 0)
        def _writeout():
            pltpu.sync_copy(accum, out_hbm.at[0, :, pl.ds(cid * CD, CD)])

    zeros = jnp.zeros((ZROWS, CD), jnp.float32)
    return _scatter_kernel(vals, idx, zeros)


def _sc_gather(ta, tb, row, col):
    G = 800
    nchunks = E // G
    NS = 16
    assert nchunks % NS == 0
    mesh = plsc.VectorSubcoreMesh(core_axis_name="c", subcore_axis_name="s")

    @functools.partial(
        pl.kernel,
        out_type=[jax.ShapeDtypeStruct((E, T_DIM), jnp.float32),
                  jax.ShapeDtypeStruct((E, T_DIM), jnp.float32)],
        mesh=mesh,
        scratch_types=[
            pltpu.VMEM((G,), jnp.int32),
            pltpu.VMEM((G, T_DIM), jnp.float32),
            pltpu.SemaphoreType.DMA,
        ],
        compiler_params=pltpu.CompilerParams(use_tc_tiling_on_sc=False),
    )
    def _gather_kernel(ta_hbm, tb_hbm, row_hbm, col_hbm, ra_hbm, rb_hbm,
                       idx_v, buf, sem):
        cid = lax.axis_index("c")
        sid = lax.axis_index("s")

        def run(idx_hbm, tab, out):
            def body(i, carry):
                base = (sid + i * NS) * G
                pltpu.sync_copy(idx_hbm.at[pl.ds(base, G)], idx_v)
                pltpu.async_copy(tab.at[idx_v], buf, sem).wait()
                pltpu.sync_copy(buf, out.at[pl.ds(base, G)])
                return carry
            lax.fori_loop(0, nchunks // NS, body, 0)

        @pl.when(cid == 0)
        def _core0():
            run(row_hbm, ta_hbm, ra_hbm)

        @pl.when(cid == 1)
        def _core1():
            run(col_hbm, tb_hbm, rb_hbm)

    return _gather_kernel(ta, tb, row, col)


def kernel(H, Z, block_id, batch_id, edges, edge_attr,
           emb_in_w, emb_in_b, emb_out_w, emb_out_b,
           edge_w1, edge_b1, edge_w2, edge_b2,
           node_w1, node_b1, node_w2, node_b2,
           coord_w1, coord_b1, coord_w2):
    row, col = edges[0], edges[1]

    zp = jnp.pad(jnp.squeeze(Z, 1), ((0, 0), (0, 13)))
    ones3 = (jax.lax.broadcasted_iota(jnp.int32, (1, 16), 1) == 3).astype(jnp.float32)
    atab = jnp.concatenate([H, zp + ones3], axis=1)
    s_atoms = _sc_scatter(atab, block_id, N_BLOCKS)

    wa = [edge_w1[i, :H_DIM] for i in range(3)]
    wb = [edge_w1[i, H_DIM:2 * H_DIM] for i in range(3)]
    wr = [edge_w1[i, 2 * H_DIM] for i in range(3)]
    we = [edge_w1[i, 2 * H_DIM + 1:] for i in range(3)]

    hb, xp, h, ta, tb = _k2(s_atoms, emb_in_w, emb_in_b, wa[0], wb[0], edge_b1[0])

    for i in range(3):
        ra, rb = _sc_gather(ta, tb, row, col)
        out_e = _k4(ra, rb, edge_attr, we[i], wr[i],
                    edge_w2[i].astype(jnp.bfloat16), edge_b2[i],
                    coord_w1[i].astype(jnp.bfloat16), coord_b1[i], coord_w2[i])
        s_e = _sc_scatter(out_e, row, N_BLOCKS)
        last = i == 2
        if last:
            nwa, nwb, nb1n = emb_out_w, emb_out_w, emb_out_b
        else:
            nwa, nwb, nb1n = wa[i + 1], wb[i + 1], edge_b1[i + 1]
        h, xp, ta, tb = _k6(s_e, h, xp,
                            node_w1[i, :H_DIM], node_w1[i, H_DIM:],
                            node_b1[i], node_w2[i], node_b2[i],
                            nwa, nwb, nb1n, last)

    block_repr = ta[:, :H_DIM]
    graph_repr = _k7(block_repr, batch_id.reshape(1, -1))
    return (hb, block_repr, graph_repr)

# --- scband reference (transcript-rebuilt; emitter-appended) ---
"""Pipeline reference for scband-egnnencoder-79714593014003 (READ-ONLY COPY).

The authoritative reference and input builder live on the scoring server;
editing this copy changes nothing except your own understanding.
"""

import jax, jax.numpy as jnp
import numpy as np

N_ATOMS = 40000
N_BLOCKS = 10000
N_GRAPHS = 256
E = 320000
H_DIM = 128
E_DIM = 16
N_LAYERS = 3


def _silu(x):
    return x * jax.nn.sigmoid(x)


def _seg_mean(src, idx, n):
    s = jax.ops.segment_sum(src, idx, num_segments=n)
    ones = jnp.ones((src.shape[0],) + (1,) * (src.ndim - 1), src.dtype)
    c = jax.ops.segment_sum(ones, idx, num_segments=n)
    return s / jnp.clip(c, 1.0, None)


def _normalize(x, eps=1e-12):
    n = jnp.linalg.norm(x, axis=-1, keepdims=True)
    return x / jnp.clip(n, eps, None)


def setup_inputs(seed: int = 0) -> dict:
    key = jax.random.key(seed)
    ks = jax.random.split(key, 24)
    s = 0.05
    ein = 2 * H_DIM + 1 + E_DIM
    inp = {}
    inp['H'] = jax.random.normal(ks[0], (N_ATOMS, H_DIM), jnp.float32)
    inp['Z'] = jax.random.normal(ks[1], (N_ATOMS, 1, 3), jnp.float32)
    inp['block_id'] = jnp.sort(jax.random.randint(ks[2], (N_ATOMS,), 0, N_BLOCKS, dtype=jnp.int32))
    inp['batch_id'] = jnp.sort(jax.random.randint(ks[3], (N_BLOCKS,), 0, N_GRAPHS, dtype=jnp.int32))
    inp['edges'] = jax.random.randint(ks[4], (2, E), 0, N_BLOCKS, dtype=jnp.int32)
    inp['edge_attr'] = jax.random.normal(ks[5], (E, E_DIM), jnp.float32)
    inp['emb_in_w'] = jax.random.normal(ks[6], (H_DIM, H_DIM), jnp.float32) * s
    inp['emb_in_b'] = jnp.zeros((H_DIM,), jnp.float32)
    inp['emb_out_w'] = jax.random.normal(ks[7], (H_DIM, H_DIM), jnp.float32) * s
    inp['emb_out_b'] = jnp.zeros((H_DIM,), jnp.float32)
    inp['edge_w1'] = jax.random.normal(ks[8], (N_LAYERS, ein, H_DIM), jnp.float32) * s
    inp['edge_b1'] = jnp.zeros((N_LAYERS, H_DIM), jnp.float32)
    inp['edge_w2'] = jax.random.normal(ks[9], (N_LAYERS, H_DIM, H_DIM), jnp.float32) * s
    inp['edge_b2'] = jnp.zeros((N_LAYERS, H_DIM), jnp.float32)
    inp['node_w1'] = jax.random.normal(ks[10], (N_LAYERS, 2 * H_DIM, H_DIM), jnp.float32) * s
    inp['node_b1'] = jnp.zeros((N_LAYERS, H_DIM), jnp.float32)
    inp['node_w2'] = jax.random.normal(ks[11], (N_LAYERS, H_DIM, H_DIM), jnp.float32) * s
    inp['node_b2'] = jnp.zeros((N_LAYERS, H_DIM), jnp.float32)
    inp['coord_w1'] = jax.random.normal(ks[12], (N_LAYERS, H_DIM, H_DIM), jnp.float32) * s
    inp['coord_b1'] = jnp.zeros((N_LAYERS, H_DIM), jnp.float32)
    inp['coord_w2'] = jax.random.normal(ks[13], (N_LAYERS, H_DIM, 1), jnp.float32) * 0.001
    return inp


def reference(H, Z, block_id, batch_id, edges, edge_attr,
              emb_in_w, emb_in_b, emb_out_w, emb_out_b,
              edge_w1, edge_b1, edge_w2, edge_b2,
              node_w1, node_b1, node_w2, node_b2,
              coord_w1, coord_b1, coord_w2):
    # scatter_mean atoms -> blocks
    Hb = _seg_mean(H, block_id, N_BLOCKS)
    Zb = _seg_mean(Z, block_id, N_BLOCKS)
    x = jnp.squeeze(Zb, axis=1)  # [N_BLOCKS, 3]
    row, col = edges[0], edges[1]
    # EGNN (Satorras egnn_clean): embedding_in -> n_layers of E_GCL -> embedding_out
    h = Hb @ emb_in_w + emb_in_b
    for i in range(N_LAYERS):
        coord_diff = x[row] - x[col]
        radial = jnp.sum(coord_diff ** 2, axis=1, keepdims=True)
        # edge model
        m = jnp.concatenate([h[row], h[col], radial, edge_attr], axis=1)
        m = _silu(m @ edge_w1[i] + edge_b1[i])
        m = _silu(m @ edge_w2[i] + edge_b2[i])
        # coord model (coords_agg='mean')
        phi = _silu(m @ coord_w1[i] + coord_b1[i]) @ coord_w2[i]
        trans = coord_diff * phi
        x = x + _seg_mean(trans, row, N_BLOCKS)
        # node model (residual)
        aggm = jax.ops.segment_sum(m, row, num_segments=N_BLOCKS)
        hn = jnp.concatenate([h, aggm], axis=1)
        h = h + (_silu(hn @ node_w1[i] + node_b1[i]) @ node_w2[i] + node_b2[i])
    block_repr = h @ emb_out_w + emb_out_b
    block_repr = _normalize(block_repr)
    graph_repr = jax.ops.segment_sum(block_repr, batch_id, num_segments=N_GRAPHS)
    graph_repr = _normalize(graph_repr)
    return (Hb, block_repr, graph_repr)

if __name__ == "__main__":
    import jax
    _d = setup_inputs()
    print(jax.jit(kernel)(*tuple(_d.values())))

</pallas_src>

<mosaic_0001>
#map = affine_map<(d0, d1) -> (0, 0)>
#map1 = affine_map<(d0, d1) -> (0)>
#map2 = affine_map<(d0, d1) -> (0, 0, 0)>
module attributes {stable_mosaic.version = 14 : i64} {
  func.func @_scatter_kernel(%arg0: i32, %arg1: i32, %arg2: memref<320000x144xf32, #tpu.memory_space<hbm>>, %arg3: memref<320000xi32, #tpu.memory_space<hbm>>, %arg4: memref<1000x72xf32, #tpu.memory_space<hbm>>, %arg5: memref<1x10000x144xf32, #tpu.memory_space<hbm>>, %arg6: memref<800xi32, #tpu.memory_space<vmem>>, %arg7: memref<800x72xf32, #tpu.memory_space<vmem>>, %arg8: memref<10000x72xf32, #tpu.memory_space<vmem_shared>>) attributes {dimension_semantics = [#tpu.dimension_semantics<core_parallel>, #tpu.dimension_semantics<subcore_parallel>], iteration_bounds = array<i64: 2, 16>, scalar_prefetch = 0 : i64, scratch_operands = 3 : i64, tpu.core_type = #tpu.core_type<sc_vector_subcore>, window_params = [{transform_indices = #map}, {transform_indices = #map1}, {transform_indices = #map}, {transform_indices = #map2}]} {
    %eq3A = arith.constant 0 : i32
    %eq3A_0 = arith.cmpi eq, %arg1, %eq3A : i32
    %convert_element_type3A = arith.extui %eq3A_0 : i1 to i32
    %cond3A = arith.constant 0 : i32
    %cond3A_1 = arith.cmpi ne, %convert_element_type3A, %cond3A : i32
    scf.if %cond3A_1 {
      %scan3A = arith.constant 0 : i32
      %scan3A_20 = arith.constant 0 : i32
      %scan3A_21 = arith.constant 10 : i32
      %scan3A_22 = arith.addi %scan3A_20, %scan3A_21 : i32
      %scan3A_23 = arith.constant 1 : i32
      scf.for %scan3A_25 = %scan3A_20 to %scan3A_22 step %scan3A_23  : i32 {
        %mul3A = arith.constant 1000 : i32
        %mul3A_26 = arith.muli %scan3A_25, %mul3A : i32
        "tpu.region"() ({
          %run_scoped3A = tpu.sem_alloc : memref<!tpu.dma_semaphore, #tpu.memory_space<semaphore_mem>>
          %dma_start3A = arith.constant 0 : i32
          %dma_start3A_27 = tpu.memref_slice %arg8[%mul3A_26, %dma_start3A] : memref<10000x72xf32, #tpu.memory_space<vmem_shared>> -> memref<1000x72xf32, #tpu.memory_space<vmem_shared>>
          tpu.enqueue_dma source(%arg4 : memref<1000x72xf32, #tpu.memory_space<hbm>>) target(%dma_start3A_27 : memref<1000x72xf32, #tpu.memory_space<vmem_shared>>) target_semaphore(%run_scoped3A : memref<!tpu.dma_semaphore, #tpu.memory_space<semaphore_mem>>)
          %dma_wait3A = arith.constant 0 : i32
          %dma_wait3A_28 = tpu.memref_slice %arg8[%mul3A_26, %dma_wait3A] : memref<10000x72xf32, #tpu.memory_space<vmem_shared>> -> memref<1000x72xf32, #tpu.memory_space<vmem_shared>>
          tpu.wait_dma2 semaphore(%run_scoped3A : memref<!tpu.dma_semaphore, #tpu.memory_space<semaphore_mem>>) src(%arg4 : memref<1000x72xf32, #tpu.memory_space<hbm>>) dst(%dma_wait3A_28 : memref<1000x72xf32, #tpu.memory_space<vmem_shared>>)
          tpu.yield
        }) : () -> ()
      }
      %scan3A_24 = arith.constant 10 : i32
    } else {
    }
    %barrier3A = arith.constant 0 : index
    tpu.barrier barrier_id(%barrier3A)
    %lt3A = arith.constant 0 : i32
    %lt3A_2 = arith.cmpi slt, %arg1, %lt3A : i32
    %jit3A = arith.constant 1 : i32
    %jit3A_3 = arith.constant 0 : i32
    %select_n3A = arith.select %lt3A_2, %jit3A, %jit3A_3 : i32
    %add3A = arith.constant 25 : i32
    %add3A_4 = arith.addi %add3A, %select_n3A : i32
    %while3A = arith.constant 0 : i32
    %while3A_5 = arith.constant 0 : i32
    %while3A_6 = arith.subi %add3A_4, %while3A_5 : i32
    %while3A_7 = arith.addi %while3A_5, %while3A_6 : i32
    %while3A_8 = arith.constant 1 : i32
    %while3A_9 = arith.divsi %while3A_6, %while3A_8 : i32
    %while3A_10 = arith.muli %while3A_9, %while3A_8 : i32
    %while3A_11 = arith.addi %while3A_5, %while3A_10 : i32
    %while3A_12 = arith.constant 1 : i32
    scf.for %while3A_20 = %while3A_5 to %while3A_11 step %while3A_12  : i32 {
      %mul3A = arith.constant 16 : i32
      %mul3A_21 = arith.muli %while3A_20, %mul3A : i32
      %add3A_22 = arith.addi %arg1, %mul3A_21 : i32
      %mul3A_23 = arith.constant 800 : i32
      %mul3A_24 = arith.muli %add3A_22, %mul3A_23 : i32
      "tpu.region"() ({
        %run_scoped3A = tpu.sem_alloc : memref<!tpu.dma_semaphore, #tpu.memory_space<semaphore_mem>>
        %dma_start3A = tpu.memref_slice %arg3[%mul3A_24] : memref<320000xi32, #tpu.memory_space<hbm>> -> memref<800xi32, #tpu.memory_space<hbm>>
        %dma_start3A_27 = tpu.memref_slice %arg3[%mul3A_24] : memref<320000xi32, #tpu.memory_space<hbm>> -> memref<800xi32, #tpu.memory_space<hbm>>
        tpu.enqueue_dma source(%dma_start3A_27 : memref<800xi32, #tpu.memory_space<hbm>>) target(%arg6 : memref<800xi32, #tpu.memory_space<vmem>>) target_semaphore(%run_scoped3A : memref<!tpu.dma_semaphore, #tpu.memory_space<semaphore_mem>>)
        %dma_wait3A = tpu.memref_slice %arg3[%mul3A_24] : memref<320000xi32, #tpu.memory_space<hbm>> -> memref<800xi32, #tpu.memory_space<hbm>>
        %dma_wait3A_28 = tpu.memref_slice %arg3[%mul3A_24] : memref<320000xi32, #tpu.memory_space<hbm>> -> memref<800xi32, #tpu.memory_space<hbm>>
        tpu.wait_dma2 semaphore(%run_scoped3A : memref<!tpu.dma_semaphore, #tpu.memory_space<semaphore_mem>>) src(%dma_wait3A_28 : memref<800xi32, #tpu.memory_space<hbm>>) dst(%arg6 : memref<800xi32, #tpu.memory_space<vmem>>)
        tpu.yield
      }) : () -> ()
      %mul3A_25 = arith.constant 72 : i32
      %mul3A_26 = arith.muli %arg0, %mul3A_25 : i32
      "tpu.region"() ({
        %run_scoped3A = tpu.sem_alloc : memref<!tpu.dma_semaphore, #tpu.memory_space<semaphore_mem>>
        %dma_start3A = tpu.memref_slice %arg2[%mul3A_24, %mul3A_26] : memref<320000x144xf32, #tpu.memory_space<hbm>> -> memref<800x72xf32, #tpu.memory_space<hbm>>
        %dma_start3A_27 = tpu.memref_slice %arg2[%mul3A_24, %mul3A_26] : memref<320000x144xf32, #tpu.memory_space<hbm>> -> memref<800x72xf32, #tpu.memory_space<hbm>>
        tpu.enqueue_dma source(%dma_start3A_27 : memref<800x72xf32, #tpu.memory_space<hbm>>) target(%arg7 : memref<800x72xf32, #tpu.memory_space<vmem>>) target_semaphore(%run_scoped3A : memref<!tpu.dma_semaphore, #tpu.memory_space<semaphore_mem>>)
        %dma_wait3A = tpu.memref_slice %arg2[%mul3A_24, %mul3A_26] : memref<320000x144xf32, #tpu.memory_space<hbm>> -> memref<800x72xf32, #tpu.memory_space<hbm>>
        %dma_wait3A_28 = tpu.memref_slice %arg2[%mul3A_24, %mul3A_26] : memref<320000x144xf32, #tpu.memory_space<hbm>> -> memref<800x72xf32, #tpu.memory_space<hbm>>
        tpu.wait_dma2 semaphore(%run_scoped3A : memref<!tpu.dma_semaphore, #tpu.memory_space<semaphore_mem>>) src(%dma_wait3A_28 : memref<800x72xf32, #tpu.memory_space<hbm>>) dst(%arg7 : memref<800x72xf32, #tpu.memory_space<vmem>>)
        tpu.yield
      }) : () -> ()
      "tpu.region"() ({
        %run_scoped3A = tpu.sem_alloc : memref<!tpu.dma_semaphore, #tpu.memory_space<semaphore_mem>>
        %dma_start3A = arith.constant 0 : i32
        %dma_start3A_27 = arith.constant 0 : i32
        %dma_start3A_28 = tpu.memref_slice %arg8[%dma_start3A, %dma_start3A_27] : memref<10000x72xf32, #tpu.memory_space<vmem_shared>> -> memref<10000x72xf32, #tpu.memory_space<vmem_shared>>
        tpu.enqueue_indirect_dma source(%arg7 : memref<800x72xf32, #tpu.memory_space<vmem>>) target(%dma_start3A_28 : memref<10000x72xf32, #tpu.memory_space<vmem_shared>>) offsets(%arg6 : memref<800xi32, #tpu.memory_space<vmem>>) semaphore(%run_scoped3A : memref<!tpu.dma_semaphore, #tpu.memory_space<semaphore_mem>>) {add = true}
        %dma_wait3A = arith.constant 0 : i32
        %dma_wait3A_29 = arith.constant 0 : i32
        %dma_wait3A_30 = tpu.memref_slice %arg8[%dma_wait3A, %dma_wait3A_29] : memref<10000x72xf32, #tpu.memory_space<vmem_shared>> -> memref<10000x72xf32, #tpu.memory_space<vmem_shared>>
        tpu.wait_indirect_dma semaphore(%run_scoped3A : memref<!tpu.dma_semaphore, #tpu.memory_space<semaphore_mem>>) src(%arg7 : memref<800x72xf32, #tpu.memory_space<vmem>>) dst(%dma_wait3A_30 : memref<10000x72xf32, #tpu.memory_space<vmem_shared>>)
        tpu.yield
      }) : () -> ()
    }
    %while3A_13 = arith.constant 1 : i32
    scf.for %while3A_20 = %while3A_11 to %while3A_7 step %while3A_13  : i32 {
      %mul3A = arith.constant 16 : i32
      %mul3A_21 = arith.muli %while3A_20, %mul3A : i32
      %add3A_22 = arith.addi %arg1, %mul3A_21 : i32
      %mul3A_23 = arith.constant 800 : i32
      %mul3A_24 = arith.muli %add3A_22, %mul3A_23 : i32
      "tpu.region"() ({
        %run_scoped3A = tpu.sem_alloc : memref<!tpu.dma_semaphore, #tpu.memory_space<semaphore_mem>>
        %dma_start3A = tpu.memref_slice %arg3[%mul3A_24] : memref<320000xi32, #tpu.memory_space<hbm>> -> memref<800xi32, #tpu.memory_space<hbm>>
        %dma_start3A_27 = tpu.memref_slice %arg3[%mul3A_24] : memref<320000xi32, #tpu.memory_space<hbm>> -> memref<800xi32, #tpu.memory_space<hbm>>
        tpu.enqueue_dma source(%dma_start3A_27 : memref<800xi32, #tpu.memory_space<hbm>>) target(%arg6 : memref<800xi32, #tpu.memory_space<vmem>>) target_semaphore(%run_scoped3A : memref<!tpu.dma_semaphore, #tpu.memory_space<semaphore_mem>>)
        %dma_wait3A = tpu.memref_slice %arg3[%mul3A_24] : memref<320000xi32, #tpu.memory_space<hbm>> -> memref<800xi32, #tpu.memory_space<hbm>>
        %dma_wait3A_28 = tpu.memref_slice %arg3[%mul3A_24] : memref<320000xi32, #tpu.memory_space<hbm>> -> memref<800xi32, #tpu.memory_space<hbm>>
        tpu.wait_dma2 semaphore(%run_scoped3A : memref<!tpu.dma_semaphore, #tpu.memory_space<semaphore_mem>>) src(%dma_wait3A_28 : memref<800xi32, #tpu.memory_space<hbm>>) dst(%arg6 : memref<800xi32, #tpu.memory_space<vmem>>)
        tpu.yield
      }) : () -> ()
      %mul3A_25 = arith.constant 72 : i32
      %mul3A_26 = arith.muli %arg0, %mul3A_25 : i32
      "tpu.region"() ({
        %run_scoped3A = tpu.sem_alloc : memref<!tpu.dma_semaphore, #tpu.memory_space<semaphore_mem>>
        %dma_start3A = tpu.memref_slice %arg2[%mul3A_24, %mul3A_26] : memref<320000x144xf32, #tpu.memory_space<hbm>> -> memref<800x72xf32, #tpu.memory_space<hbm>>
        %dma_start3A_27 = tpu.memref_slice %arg2[%mul3A_24, %mul3A_26] : memref<320000x144xf32, #tpu.memory_space<hbm>> -> memref<800x72xf32, #tpu.memory_space<hbm>>
        tpu.enqueue_dma source(%dma_start3A_27 : memref<800x72xf32, #tpu.memory_space<hbm>>) target(%arg7 : memref<800x72xf32, #tpu.memory_space<vmem>>) target_semaphore(%run_scoped3A : memref<!tpu.dma_semaphore, #tpu.memory_space<semaphore_mem>>)
        %dma_wait3A = tpu.memref_slice %arg2[%mul3A_24, %mul3A_26] : memref<320000x144xf32, #tpu.memory_space<hbm>> -> memref<800x72xf32, #tpu.memory_space<hbm>>
        %dma_wait3A_28 = tpu.memref_slice %arg2[%mul3A_24, %mul3A_26] : memref<320000x144xf32, #tpu.memory_space<hbm>> -> memref<800x72xf32, #tpu.memory_space<hbm>>
        tpu.wait_dma2 semaphore(%run_scoped3A : memref<!tpu.dma_semaphore, #tpu.memory_space<semaphore_mem>>) src(%dma_wait3A_28 : memref<800x72xf32, #tpu.memory_space<hbm>>) dst(%arg7 : memref<800x72xf32, #tpu.memory_space<vmem>>)
        tpu.yield
      }) : () -> ()
      "tpu.region"() ({
        %run_scoped3A = tpu.sem_alloc : memref<!tpu.dma_semaphore, #tpu.memory_space<semaphore_mem>>
        %dma_start3A = arith.constant 0 : i32
        %dma_start3A_27 = arith.constant 0 : i32
        %dma_start3A_28 = tpu.memref_slice %arg8[%dma_start3A, %dma_start3A_27] : memref<10000x72xf32, #tpu.memory_space<vmem_shared>> -> memref<10000x72xf32, #tpu.memory_space<vmem_shared>>
        tpu.enqueue_indirect_dma source(%arg7 : memref<800x72xf32, #tpu.memory_space<vmem>>) target(%dma_start3A_28 : memref<10000x72xf32, #tpu.memory_space<vmem_shared>>) offsets(%arg6 : memref<800xi32, #tpu.memory_space<vmem>>) semaphore(%run_scoped3A : memref<!tpu.dma_semaphore, #tpu.memory_space<semaphore_mem>>) {add = true}
        %dma_wait3A = arith.constant 0 : i32
        %dma_wait3A_29 = arith.constant 0 : i32
        %dma_wait3A_30 = tpu.memref_slice %arg8[%dma_wait3A, %dma_wait3A_29] : memref<10000x72xf32, #tpu.memory_space<vmem_shared>> -> memref<10000x72xf32, #tpu.memory_space<vmem_shared>>
        tpu.wait_indirect_dma semaphore(%run_scoped3A : memref<!tpu.dma_semaphore, #tpu.memory_space<semaphore_mem>>) src(%arg7 : memref<800x72xf32, #tpu.memory_space<vmem>>) dst(%dma_wait3A_30 : memref<10000x72xf32, #tpu.memory_space<vmem_shared>>)
        tpu.yield
      }) : () -> ()
    }
    %barrier3A_14 = arith.constant 0 : index
    tpu.barrier barrier_id(%barrier3A_14)
    %eq3A_15 = arith.constant 0 : i32
    %eq3A_16 = arith.cmpi eq, %arg1, %eq3A_15 : i32
    %convert_element_type3A_17 = arith.extui %eq3A_16 : i1 to i32
    %cond3A_18 = arith.constant 0 : i32
    %cond3A_19 = arith.cmpi ne, %convert_element_type3A_17, %cond3A_18 : i32
    scf.if %cond3A_19 {
      %mul3A = arith.constant 72 : i32
      %mul3A_20 = arith.muli %arg0, %mul3A : i32
      %run_scoped3A = arith.constant 0 : i32
      "tpu.region"() ({
        %run_scoped3A_21 = tpu.sem_alloc : memref<!tpu.dma_semaphore, #tpu.memory_space<semaphore_mem>>
        %dma_start3A = arith.constant 0 : i32
        %dma_start3A_22 = tpu.memref_slice %arg5[%run_scoped3A, %dma_start3A, %mul3A_20] : memref<1x10000x144xf32, #tpu.memory_space<hbm>> -> memref<1x10000x72xf32, #tpu.memory_space<hbm>>
        %dma_start3A_23 = tpu.memref_squeeze %dma_start3A_22 : memref<1x10000x72xf32, #tpu.memory_space<hbm>> -> memref<10000x72xf32, #tpu.memory_space<hbm>>
        tpu.enqueue_dma source(%arg8 : memref<10000x72xf32, #tpu.memory_space<vmem_shared>>) target(%dma_start3A_23 : memref<10000x72xf32, #tpu.memory_space<hbm>>) target_semaphore(%run_scoped3A_21 : memref<!tpu.dma_semaphore, #tpu.memory_space<semaphore_mem>>)
        %dma_wait3A = arith.constant 0 : i32
        %dma_wait3A_24 = tpu.memref_slice %arg5[%run_scoped3A, %dma_wait3A, %mul3A_20] : memref<1x10000x144xf32, #tpu.memory_space<hbm>> -> memref<1x10000x72xf32, #tpu.memory_space<hbm>>
        %dma_wait3A_25 = tpu.memref_squeeze %dma_wait3A_24 : memref<1x10000x72xf32, #tpu.memory_space<hbm>> -> memref<10000x72xf32, #tpu.memory_space<hbm>>
        tpu.wait_dma2 semaphore(%run_scoped3A_21 : memref<!tpu.dma_semaphore, #tpu.memory_space<semaphore_mem>>) src(%arg8 : memref<10000x72xf32, #tpu.memory_space<vmem_shared>>) dst(%dma_wait3A_25 : memref<10000x72xf32, #tpu.memory_space<hbm>>)
        tpu.yield
      }) : () -> ()
    } else {
    }
    return
  }
}

#map = affine_map<(d0, d1) -> (0, 0)>
#map1 = affine_map<(d0, d1) -> (0)>
#map2 = affine_map<(d0, d1) -> (0, 0, 0)>
module attributes {stable_mosaic.version = 14 : i64} {
  func.func @_scatter_kernel(%arg0: i32, %arg1: i32, %arg2: memref<40000x144xf32, #tpu.memory_space<hbm>>, %arg3: memref<40000xi32, #tpu.memory_space<hbm>>, %arg4: memref<1000x72xf32, #tpu.memory_space<hbm>>, %arg5: memref<1x10000x144xf32, #tpu.memory_space<hbm>>, %arg6: memref<800xi32, #tpu.memory_space<vmem>>, %arg7: memref<800x72xf32, #tpu.memory_space<vmem>>, %arg8: memref<10000x72xf32, #tpu.memory_space<vmem_shared>>) attributes {dimension_semantics = [#tpu.dimension_semantics<core_parallel>, #tpu.dimension_semantics<subcore_parallel>], iteration_bounds = array<i64: 2, 16>, scalar_prefetch = 0 : i64, scratch_operands = 3 : i64, tpu.core_type = #tpu.core_type<sc_vector_subcore>, window_params = [{transform_indices = #map}, {transform_indices = #map1}, {transform_indices = #map}, {transform_indices = #map2}]} {
    %eq3A = arith.constant 0 : i32
    %eq3A_0 = arith.cmpi eq, %arg1, %eq3A : i32
    %convert_element_type3A = arith.extui %eq3A_0 : i1 to i32
    %cond3A = arith.constant 0 : i32
    %cond3A_1 = arith.cmpi ne, %convert_element_type3A, %cond3A : i32
    scf.if %cond3A_1 {
      %scan3A = arith.constant 0 : i32
      %scan3A_20 = arith.constant 0 : i32
      %scan3A_21 = arith.constant 10 : i32
      %scan3A_22 = arith.addi %scan3A_20, %scan3A_21 : i32
      %scan3A_23 = arith.constant 1 : i32
      scf.for %scan3A_25 = %scan3A_20 to %scan3A_22 step %scan3A_23  : i32 {
        %mul3A = arith.constant 1000 : i32
        %mul3A_26 = arith.muli %scan3A_25, %mul3A : i32
        "tpu.region"() ({
          %run_scoped3A = tpu.sem_alloc : memref<!tpu.dma_semaphore, #tpu.memory_space<semaphore_mem>>
          %dma_start3A = arith.constant 0 : i32
          %dma_start3A_27 = tpu.memref_slice %arg8[%mul3A_26, %dma_start3A] : memref<10000x72xf32, #tpu.memory_space<vmem_shared>> -> memref<1000x72xf32, #tpu.memory_space<vmem_shared>>
          tpu.enqueue_dma source(%arg4 : memref<1000x72xf32, #tpu.memory_space<hbm>>) target(%dma_start3A_27 : memref<1000x72xf32, #tpu.memory_space<vmem_shared>>) target_semaphore(%run_scoped3A : memref<!tpu.dma_semaphore, #tpu.memory_space<semaphore_mem>>)
          %dma_wait3A = arith.constant 0 : i32
          %dma_wait3A_28 = tpu.memref_slice %arg8[%mul3A_26, %dma_wait3A] : memref<10000x72xf32, #tpu.memory_space<vmem_shared>> -> memref<1000x72xf32, #tpu.memory_space<vmem_shared>>
          tpu.wait_dma2 semaphore(%run_scoped3A : memref<!tpu.dma_semaphore, #tpu.memory_space<semaphore_mem>>) src(%arg4 : memref<1000x72xf32, #tpu.memory_space<hbm>>) dst(%dma_wait3A_28 : memref<1000x72xf32, #tpu.memory_space<vmem_shared>>)
          tpu.yield
        }) : () -> ()
      }
      %scan3A_24 = arith.constant 10 : i32
    } else {
    }
    %barrier3A = arith.constant 0 : index
    tpu.barrier barrier_id(%barrier3A)
    %lt3A = arith.constant 2 : i32
    %lt3A_2 = arith.cmpi slt, %arg1, %lt3A : i32
    %jit3A = arith.constant 1 : i32
    %jit3A_3 = arith.constant 0 : i32
    %select_n3A = arith.select %lt3A_2, %jit3A, %jit3A_3 : i32
    %add3A = arith.constant 3 : i32
    %add3A_4 = arith.addi %add3A, %select_n3A : i32
    %while3A = arith.constant 0 : i32
    %while3A_5 = arith.constant 0 : i32
    %while3A_6 = arith.subi %add3A_4, %while3A_5 : i32
    %while3A_7 = arith.addi %while3A_5, %while3A_6 : i32
    %while3A_8 = arith.constant 1 : i32
    %while3A_9 = arith.divsi %while3A_6, %while3A_8 : i32
    %while3A_10 = arith.muli %while3A_9, %while3A_8 : i32
    %while3A_11 = arith.addi %while3A_5, %while3A_10 : i32
    %while3A_12 = arith.constant 1 : i32
    scf.for %while3A_20 = %while3A_5 to %while3A_11 step %while3A_12  : i32 {
      %mul3A = arith.constant 16 : i32
      %mul3A_21 = arith.muli %while3A_20, %mul3A : i32
      %add3A_22 = arith.addi %arg1, %mul3A_21 : i32
      %mul3A_23 = arith.constant 800 : i32
      %mul3A_24 = arith.muli %add3A_22, %mul3A_23 : i32
      "tpu.region"() ({
        %run_scoped3A = tpu.sem_alloc : memref<!tpu.dma_semaphore, #tpu.memory_space<semaphore_mem>>
        %dma_start3A = tpu.memref_slice %arg3[%mul3A_24] : memref<40000xi32, #tpu.memory_space<hbm>> -> memref<800xi32, #tpu.memory_space<hbm>>
        %dma_start3A_27 = tpu.memref_slice %arg3[%mul3A_24] : memref<40000xi32, #tpu.memory_space<hbm>> -> memref<800xi32, #tpu.memory_space<hbm>>
        tpu.enqueue_dma source(%dma_start3A_27 : memref<800xi32, #tpu.memory_space<hbm>>) target(%arg6 : memref<800xi32, #tpu.memory_space<vmem>>) target_semaphore(%run_scoped3A : memref<!tpu.dma_semaphore, #tpu.memory_space<semaphore_mem>>)
        %dma_wait3A = tpu.memref_slice %arg3[%mul3A_24] : memref<40000xi32, #tpu.memory_space<hbm>> -> memref<800xi32, #tpu.memory_space<hbm>>
        %dma_wait3A_28 = tpu.memref_slice %arg3[%mul3A_24] : memref<40000xi32, #tpu.memory_space<hbm>> -> memref<800xi32, #tpu.memory_space<hbm>>
        tpu.wait_dma2 semaphore(%run_scoped3A : memref<!tpu.dma_semaphore, #tpu.memory_space<semaphore_mem>>) src(%dma_wait3A_28 : memref<800xi32, #tpu.memory_space<hbm>>) dst(%arg6 : memref<800xi32, #tpu.memory_space<vmem>>)
        tpu.yield
      }) : () -> ()
      %mul3A_25 = arith.constant 72 : i32
      %mul3A_26 = arith.muli %arg0, %mul3A_25 : i32
      "tpu.region"() ({
        %run_scoped3A = tpu.sem_alloc : memref<!tpu.dma_semaphore, #tpu.memory_space<semaphore_mem>>
        %dma_start3A = tpu.memref_slice %arg2[%mul3A_24, %mul3A_26] : memref<40000x144xf32, #tpu.memory_space<hbm>> -> memref<800x72xf32, #tpu.memory_space<hbm>>
        %dma_start3A_27 = tpu.memref_slice %arg2[%mul3A_24, %mul3A_26] : memref<40000x144xf32, #tpu.memory_space<hbm>> -> memref<800x72xf32, #tpu.memory_space<hbm>>
        tpu.enqueue_dma source(%dma_start3A_27 : memref<800x72xf32, #tpu.memory_space<hbm>>) target(%arg7 : memref<800x72xf32, #tpu.memory_space<vmem>>) target_semaphore(%run_scoped3A : memref<!tpu.dma_semaphore, #tpu.memory_space<semaphore_mem>>)
        %dma_wait3A = tpu.memref_slice %arg2[%mul3A_24, %mul3A_26] : memref<40000x144xf32, #tpu.memory_space<hbm>> -> memref<800x72xf32, #tpu.memory_space<hbm>>
        %dma_wait3A_28 = tpu.memref_slice %arg2[%mul3A_24, %mul3A_26] : memref<40000x144xf32, #tpu.memory_space<hbm>> -> memref<800x72xf32, #tpu.memory_space<hbm>>
        tpu.wait_dma2 semaphore(%run_scoped3A : memref<!tpu.dma_semaphore, #tpu.memory_space<semaphore_mem>>) src(%dma_wait3A_28 : memref<800x72xf32, #tpu.memory_space<hbm>>) dst(%arg7 : memref<800x72xf32, #tpu.memory_space<vmem>>)
        tpu.yield
      }) : () -> ()
      "tpu.region"() ({
        %run_scoped3A = tpu.sem_alloc : memref<!tpu.dma_semaphore, #tpu.memory_space<semaphore_mem>>
        %dma_start3A = arith.constant 0 : i32
        %dma_start3A_27 = arith.constant 0 : i32
        %dma_start3A_28 = tpu.memref_slice %arg8[%dma_start3A, %dma_start3A_27] : memref<10000x72xf32, #tpu.memory_space<vmem_shared>> -> memref<10000x72xf32, #tpu.memory_space<vmem_shared>>
        tpu.enqueue_indirect_dma source(%arg7 : memref<800x72xf32, #tpu.memory_space<vmem>>) target(%dma_start3A_28 : memref<10000x72xf32, #tpu.memory_space<vmem_shared>>) offsets(%arg6 : memref<800xi32, #tpu.memory_space<vmem>>) semaphore(%run_scoped3A : memref<!tpu.dma_semaphore, #tpu.memory_space<semaphore_mem>>) {add = true}
        %dma_wait3A = arith.constant 0 : i32
        %dma_wait3A_29 = arith.constant 0 : i32
        %dma_wait3A_30 = tpu.memref_slice %arg8[%dma_wait3A, %dma_wait3A_29] : memref<10000x72xf32, #tpu.memory_space<vmem_shared>> -> memref<10000x72xf32, #tpu.memory_space<vmem_shared>>
        tpu.wait_indirect_dma semaphore(%run_scoped3A : memref<!tpu.dma_semaphore, #tpu.memory_space<semaphore_mem>>) src(%arg7 : memref<800x72xf32, #tpu.memory_space<vmem>>) dst(%dma_wait3A_30 : memref<10000x72xf32, #tpu.memory_space<vmem_shared>>)
        tpu.yield
      }) : () -> ()
    }
    %while3A_13 = arith.constant 1 : i32
    scf.for %while3A_20 = %while3A_11 to %while3A_7 step %while3A_13  : i32 {
      %mul3A = arith.constant 16 : i32
      %mul3A_21 = arith.muli %while3A_20, %mul3A : i32
      %add3A_22 = arith.addi %arg1, %mul3A_21 : i32
      %mul3A_23 = arith.constant 800 : i32
      %mul3A_24 = arith.muli %add3A_22, %mul3A_23 : i32
      "tpu.region"() ({
        %run_scoped3A = tpu.sem_alloc : memref<!tpu.dma_semaphore, #tpu.memory_space<semaphore_mem>>
        %dma_start3A = tpu.memref_slice %arg3[%mul3A_24] : memref<40000xi32, #tpu.memory_space<hbm>> -> memref<800xi32, #tpu.memory_space<hbm>>
        %dma_start3A_27 = tpu.memref_slice %arg3[%mul3A_24] : memref<40000xi32, #tpu.memory_space<hbm>> -> memref<800xi32, #tpu.memory_space<hbm>>
        tpu.enqueue_dma source(%dma_start3A_27 : memref<800xi32, #tpu.memory_space<hbm>>) target(%arg6 : memref<800xi32, #tpu.memory_space<vmem>>) target_semaphore(%run_scoped3A : memref<!tpu.dma_semaphore, #tpu.memory_space<semaphore_mem>>)
        %dma_wait3A = tpu.memref_slice %arg3[%mul3A_24] : memref<40000xi32, #tpu.memory_space<hbm>> -> memref<800xi32, #tpu.memory_space<hbm>>
        %dma_wait3A_28 = tpu.memref_slice %arg3[%mul3A_24] : memref<40000xi32, #tpu.memory_space<hbm>> -> memref<800xi32, #tpu.memory_space<hbm>>
        tpu.wait_dma2 semaphore(%run_scoped3A : memref<!tpu.dma_semaphore, #tpu.memory_space<semaphore_mem>>) src(%dma_wait3A_28 : memref<800xi32, #tpu.memory_space<hbm>>) dst(%arg6 : memref<800xi32, #tpu.memory_space<vmem>>)
        tpu.yield
      }) : () -> ()
      %mul3A_25 = arith.constant 72 : i32
      %mul3A_26 = arith.muli %arg0, %mul3A_25 : i32
      "tpu.region"() ({
        %run_scoped3A = tpu.sem_alloc : memref<!tpu.dma_semaphore, #tpu.memory_space<semaphore_mem>>
        %dma_start3A = tpu.memref_slice %arg2[%mul3A_24, %mul3A_26] : memref<40000x144xf32, #tpu.memory_space<hbm>> -> memref<800x72xf32, #tpu.memory_space<hbm>>
        %dma_start3A_27 = tpu.memref_slice %arg2[%mul3A_24, %mul3A_26] : memref<40000x144xf32, #tpu.memory_space<hbm>> -> memref<800x72xf32, #tpu.memory_space<hbm>>
        tpu.enqueue_dma source(%dma_start3A_27 : memref<800x72xf32, #tpu.memory_space<hbm>>) target(%arg7 : memref<800x72xf32, #tpu.memory_space<vmem>>) target_semaphore(%run_scoped3A : memref<!tpu.dma_semaphore, #tpu.memory_space<semaphore_mem>>)
        %dma_wait3A = tpu.memref_slice %arg2[%mul3A_24, %mul3A_26] : memref<40000x144xf32, #tpu.memory_space<hbm>> -> memref<800x72xf32, #tpu.memory_space<hbm>>
        %dma_wait3A_28 = tpu.memref_slice %arg2[%mul3A_24, %mul3A_26] : memref<40000x144xf32, #tpu.memory_space<hbm>> -> memref<800x72xf32, #tpu.memory_space<hbm>>
        tpu.wait_dma2 semaphore(%run_scoped3A : memref<!tpu.dma_semaphore, #tpu.memory_space<semaphore_mem>>) src(%dma_wait3A_28 : memref<800x72xf32, #tpu.memory_space<hbm>>) dst(%arg7 : memref<800x72xf32, #tpu.memory_space<vmem>>)
        tpu.yield
      }) : () -> ()
      "tpu.region"() ({
        %run_scoped3A = tpu.sem_alloc : memref<!tpu.dma_semaphore, #tpu.memory_space<semaphore_mem>>
        %dma_start3A = arith.constant 0 : i32
        %dma_start3A_27 = arith.constant 0 : i32
        %dma_start3A_28 = tpu.memref_slice %arg8[%dma_start3A, %dma_start3A_27] : memref<10000x72xf32, #tpu.memory_space<vmem_shared>> -> memref<10000x72xf32, #tpu.memory_space<vmem_shared>>
        tpu.enqueue_indirect_dma source(%arg7 : memref<800x72xf32, #tpu.memory_space<vmem>>) target(%dma_start3A_28 : memref<10000x72xf32, #tpu.memory_space<vmem_shared>>) offsets(%arg6 : memref<800xi32, #tpu.memory_space<vmem>>) semaphore(%run_scoped3A : memref<!tpu.dma_semaphore, #tpu.memory_space<semaphore_mem>>) {add = true}
        %dma_wait3A = arith.constant 0 : i32
        %dma_wait3A_29 = arith.constant 0 : i32
        %dma_wait3A_30 = tpu.memref_slice %arg8[%dma_wait3A, %dma_wait3A_29] : memref<10000x72xf32, #tpu.memory_space<vmem_shared>> -> memref<10000x72xf32, #tpu.memory_space<vmem_shared>>
        tpu.wait_indirect_dma semaphore(%run_scoped3A : memref<!tpu.dma_semaphore, #tpu.memory_space<semaphore_mem>>) src(%arg7 : memref<800x72xf32, #tpu.memory_space<vmem>>) dst(%dma_wait3A_30 : memref<10000x72xf32, #tpu.memory_space<vmem_shared>>)
        tpu.yield
      }) : () -> ()
    }
    %barrier3A_14 = arith.constant 0 : index
    tpu.barrier barrier_id(%barrier3A_14)
    %eq3A_15 = arith.constant 0 : i32
    %eq3A_16 = arith.cmpi eq, %arg1, %eq3A_15 : i32
    %convert_element_type3A_17 = arith.extui %eq3A_16 : i1 to i32
    %cond3A_18 = arith.constant 0 : i32
    %cond3A_19 = arith.cmpi ne, %convert_element_type3A_17, %cond3A_18 : i32
    scf.if %cond3A_19 {
      %mul3A = arith.constant 72 : i32
      %mul3A_20 = arith.muli %arg0, %mul3A : i32
      %run_scoped3A = arith.constant 0 : i32
      "tpu.region"() ({
        %run_scoped3A_21 = tpu.sem_alloc : memref<!tpu.dma_semaphore, #tpu.memory_space<semaphore_mem>>
        %dma_start3A = arith.constant 0 : i32
        %dma_start3A_22 = tpu.memref_slice %arg5[%run_scoped3A, %dma_start3A, %mul3A_20] : memref<1x10000x144xf32, #tpu.memory_space<hbm>> -> memref<1x10000x72xf32, #tpu.memory_space<hbm>>
        %dma_start3A_23 = tpu.memref_squeeze %dma_start3A_22 : memref<1x10000x72xf32, #tpu.memory_space<hbm>> -> memref<10000x72xf32, #tpu.memory_space<hbm>>
        tpu.enqueue_dma source(%arg8 : memref<10000x72xf32, #tpu.memory_space<vmem_shared>>) target(%dma_start3A_23 : memref<10000x72xf32, #tpu.memory_space<hbm>>) target_semaphore(%run_scoped3A_21 : memref<!tpu.dma_semaphore, #tpu.memory_space<semaphore_mem>>)
        %dma_wait3A = arith.constant 0 : i32
        %dma_wait3A_24 = tpu.memref_slice %arg5[%run_scoped3A, %dma_wait3A, %mul3A_20] : memref<1x10000x144xf32, #tpu.memory_space<hbm>> -> memref<1x10000x72xf32, #tpu.memory_space<hbm>>
        %dma_wait3A_25 = tpu.memref_squeeze %dma_wait3A_24 : memref<1x10000x72xf32, #tpu.memory_space<hbm>> -> memref<10000x72xf32, #tpu.memory_space<hbm>>
        tpu.wait_dma2 semaphore(%run_scoped3A_21 : memref<!tpu.dma_semaphore, #tpu.memory_space<semaphore_mem>>) src(%arg8 : memref<10000x72xf32, #tpu.memory_space<vmem_shared>>) dst(%dma_wait3A_25 : memref<10000x72xf32, #tpu.memory_space<hbm>>)
        tpu.yield
      }) : () -> ()
    } else {
    }
    return
  }
}

#map = affine_map<(d0, d1) -> (0, 0)>
#map1 = affine_map<(d0, d1) -> (0)>
module attributes {stable_mosaic.version = 14 : i64} {
  func.func @_gather_kernel(%arg0: i32, %arg1: i32, %arg2: memref<10000x144xf32, #tpu.memory_space<hbm>>, %arg3: memref<10000x144xf32, #tpu.memory_space<hbm>>, %arg4: memref<320000xi32, #tpu.memory_space<hbm>>, %arg5: memref<320000xi32, #tpu.memory_space<hbm>>, %arg6: memref<320000x144xf32, #tpu.memory_space<hbm>>, %arg7: memref<320000x144xf32, #tpu.memory_space<hbm>>, %arg8: memref<800xi32, #tpu.memory_space<vmem>>, %arg9: memref<800x144xf32, #tpu.memory_space<vmem>>, %arg10: memref<!tpu.dma_semaphore, #tpu.memory_space<semaphore_mem>>) attributes {dimension_semantics = [#tpu.dimension_semantics<core_parallel>, #tpu.dimension_semantics<subcore_parallel>], iteration_bounds = array<i64: 2, 16>, scalar_prefetch = 0 : i64, scratch_operands = 3 : i64, tpu.core_type = #tpu.core_type<sc_vector_subcore>, window_params = [{transform_indices = #map}, {transform_indices = #map}, {transform_indices = #map1}, {transform_indices = #map1}, {transform_indices = #map}, {transform_indices = #map}]} {
    %eq3A = arith.constant 0 : i32
    %eq3A_0 = arith.cmpi eq, %arg0, %eq3A : i32
    %convert_element_type3A = arith.extui %eq3A_0 : i1 to i32
    %cond3A = arith.constant 0 : i32
    %cond3A_1 = arith.cmpi ne, %convert_element_type3A, %cond3A : i32
    scf.if %cond3A_1 {
      %scan3A = arith.constant 0 : i32
      %scan3A_7 = arith.constant 0 : i32
      %scan3A_8 = arith.constant 25 : i32
      %scan3A_9 = arith.addi %scan3A_7, %scan3A_8 : i32
      %scan3A_10 = arith.constant 1 : i32
      scf.for %scan3A_12 = %scan3A_7 to %scan3A_9 step %scan3A_10  : i32 {
        %mul3A = arith.constant 16 : i32
        %mul3A_13 = arith.muli %scan3A_12, %mul3A : i32
        %add3A = arith.addi %arg1, %mul3A_13 : i32
        %mul3A_14 = arith.constant 800 : i32
        %mul3A_15 = arith.muli %add3A, %mul3A_14 : i32
        "tpu.region"() ({
          %run_scoped3A = tpu.sem_alloc : memref<!tpu.dma_semaphore, #tpu.memory_space<semaphore_mem>>
          %dma_start3A_20 = tpu.memref_slice %arg4[%mul3A_15] : memref<320000xi32, #tpu.memory_space<hbm>> -> memref<800xi32, #tpu.memory_space<hbm>>
          %dma_start3A_21 = tpu.memref_slice %arg4[%mul3A_15] : memref<320000xi32, #tpu.memory_space<hbm>> -> memref<800xi32, #tpu.memory_space<hbm>>
          tpu.enqueue_dma source(%dma_start3A_21 : memref<800xi32, #tpu.memory_space<hbm>>) target(%arg8 : memref<800xi32, #tpu.memory_space<vmem>>) target_semaphore(%run_scoped3A : memref<!tpu.dma_semaphore, #tpu.memory_space<semaphore_mem>>)
          %dma_wait3A_22 = tpu.memref_slice %arg4[%mul3A_15] : memref<320000xi32, #tpu.memory_space<hbm>> -> memref<800xi32, #tpu.memory_space<hbm>>
          %dma_wait3A_23 = tpu.memref_slice %arg4[%mul3A_15] : memref<320000xi32, #tpu.memory_space<hbm>> -> memref<800xi32, #tpu.memory_space<hbm>>
          tpu.wait_dma2 semaphore(%run_scoped3A : memref<!tpu.dma_semaphore, #tpu.memory_space<semaphore_mem>>) src(%dma_wait3A_23 : memref<800xi32, #tpu.memory_space<hbm>>) dst(%arg8 : memref<800xi32, #tpu.memory_space<vmem>>)
          tpu.yield
        }) : () -> ()
        %dma_start3A = arith.constant 0 : i32
        %dma_start3A_16 = arith.constant 0 : i32
        %dma_start3A_17 = tpu.memref_slice %arg2[%dma_start3A, %dma_start3A_16] : memref<10000x144xf32, #tpu.memory_space<hbm>> -> memref<10000x144xf32, #tpu.memory_space<hbm>>
        tpu.enqueue_indirect_dma source(%dma_start3A_17 : memref<10000x144xf32, #tpu.memory_space<hbm>>) target(%arg9 : memref<800x144xf32, #tpu.memory_space<vmem>>) offsets(%arg8 : memref<800xi32, #tpu.memory_space<vmem>>) semaphore(%arg10 : memref<!tpu.dma_semaphore, #tpu.memory_space<semaphore_mem>>)
        %dma_wait3A = arith.constant 0 : i32
        %dma_wait3A_18 = arith.constant 0 : i32
        %dma_wait3A_19 = tpu.memref_slice %arg2[%dma_wait3A, %dma_wait3A_18] : memref<10000x144xf32, #tpu.memory_space<hbm>> -> memref<10000x144xf32, #tpu.memory_space<hbm>>
        tpu.wait_indirect_dma semaphore(%arg10 : memref<!tpu.dma_semaphore, #tpu.memory_space<semaphore_mem>>) src(%dma_wait3A_19 : memref<10000x144xf32, #tpu.memory_space<hbm>>) dst(%arg9 : memref<800x144xf32, #tpu.memory_space<vmem>>)
        "tpu.region"() ({
          %run_scoped3A = tpu.sem_alloc : memref<!tpu.dma_semaphore, #tpu.memory_space<semaphore_mem>>
          %dma_start3A_20 = arith.constant 0 : i32
          %dma_start3A_21 = tpu.memref_slice %arg6[%mul3A_15, %dma_start3A_20] : memref<320000x144xf32, #tpu.memory_space<hbm>> -> memref<800x144xf32, #tpu.memory_space<hbm>>
          %dma_start3A_22 = arith.constant 0 : i32
          %dma_start3A_23 = tpu.memref_slice %arg6[%mul3A_15, %dma_start3A_22] : memref<320000x144xf32, #tpu.memory_space<hbm>> -> memref<800x144xf32, #tpu.memory_space<hbm>>
          tpu.enqueue_dma source(%arg9 : memref<800x144xf32, #tpu.memory_space<vmem>>) target(%dma_start3A_23 : memref<800x144xf32, #tpu.memory_space<hbm>>) target_semaphore(%run_scoped3A : memref<!tpu.dma_semaphore, #tpu.memory_space<semaphore_mem>>)
          %dma_wait3A_24 = arith.constant 0 : i32
          %dma_wait3A_25 = tpu.memref_slice %arg6[%mul3A_15, %dma_wait3A_24] : memref<320000x144xf32, #tpu.memory_space<hbm>> -> memref<800x144xf32, #tpu.memory_space<hbm>>
          %dma_wait3A_26 = arith.constant 0 : i32
          %dma_wait3A_27 = tpu.memref_slice %arg6[%mul3A_15, %dma_wait3A_26] : memref<320000x144xf32, #tpu.memory_space<hbm>> -> memref<800x144xf32, #tpu.memory_space<hbm>>
          tpu.wait_dma2 semaphore(%run_scoped3A : memref<!tpu.dma_semaphore, #tpu.memory_space<semaphore_mem>>) src(%arg9 : memref<800x144xf32, #tpu.memory_space<vmem>>) dst(%dma_wait3A_27 : memref<800x144xf32, #tpu.memory_space<hbm>>)
          tpu.yield
        }) : () -> ()
      }
      %scan3A_11 = arith.constant 25 : i32
    } else {
    }
    %eq3A_2 = arith.constant 1 : i32
    %eq3A_3 = arith.cmpi eq, %arg0, %eq3A_2 : i32
    %convert_element_type3A_4 = arith.extui %eq3A_3 : i1 to i32
    %cond3A_5 = arith.constant 0 : i32
    %cond3A_6 = arith.cmpi ne, %convert_element_type3A_4, %cond3A_5 : i32
    scf.if %cond3A_6 {
      %scan3A = arith.constant 0 : i32
      %scan3A_7 = arith.constant 0 : i32
      %scan3A_8 = arith.constant 25 : i32
      %scan3A_9 = arith.addi %scan3A_7, %scan3A_8 : i32
      %scan3A_10 = arith.constant 1 : i32
      scf.for %scan3A_12 = %scan3A_7 to %scan3A_9 step %scan3A_10  : i32 {
        %mul3A = arith.constant 16 : i32
        %mul3A_13 = arith.muli %scan3A_12, %mul3A : i32
        %add3A = arith.addi %arg1, %mul3A_13 : i32
        %mul3A_14 = arith.constant 800 : i32
        %mul3A_15 = arith.muli %add3A, %mul3A_14 : i32
        "tpu.region"() ({
          %run_scoped3A = tpu.sem_alloc : memref<!tpu.dma_semaphore, #tpu.memory_space<semaphore_mem>>
          %dma_start3A_20 = tpu.memref_slice %arg5[%mul3A_15] : memref<320000xi32, #tpu.memory_space<hbm>> -> memref<800xi32, #tpu.memory_space<hbm>>
          %dma_start3A_21 = tpu.memref_slice %arg5[%mul3A_15] : memref<320000xi32, #tpu.memory_space<hbm>> -> memref<800xi32, #tpu.memory_space<hbm>>
          tpu.enqueue_dma source(%dma_start3A_21 : memref<800xi32, #tpu.memory_space<hbm>>) target(%arg8 : memref<800xi32, #tpu.memory_space<vmem>>) target_semaphore(%run_scoped3A : memref<!tpu.dma_semaphore, #tpu.memory_space<semaphore_mem>>)
          %dma_wait3A_22 = tpu.memref_slice %arg5[%mul3A_15] : memref<320000xi32, #tpu.memory_space<hbm>> -> memref<800xi32, #tpu.memory_space<hbm>>
          %dma_wait3A_23 = tpu.memref_slice %arg5[%mul3A_15] : memref<320000xi32, #tpu.memory_space<hbm>> -> memref<800xi32, #tpu.memory_space<hbm>>
          tpu.wait_dma2 semaphore(%run_scoped3A : memref<!tpu.dma_semaphore, #tpu.memory_space<semaphore_mem>>) src(%dma_wait3A_23 : memref<800xi32, #tpu.memory_space<hbm>>) dst(%arg8 : memref<800xi32, #tpu.memory_space<vmem>>)
          tpu.yield
        }) : () -> ()
        %dma_start3A = arith.constant 0 : i32
        %dma_start3A_16 = arith.constant 0 : i32
        %dma_start3A_17 = tpu.memref_slice %arg3[%dma_start3A, %dma_start3A_16] : memref<10000x144xf32, #tpu.memory_space<hbm>> -> memref<10000x144xf32, #tpu.memory_space<hbm>>
        tpu.enqueue_indirect_dma source(%dma_start3A_17 : memref<10000x144xf32, #tpu.memory_space<hbm>>) target(%arg9 : memref<800x144xf32, #tpu.memory_space<vmem>>) offsets(%arg8 : memref<800xi32, #tpu.memory_space<vmem>>) semaphore(%arg10 : memref<!tpu.dma_semaphore, #tpu.memory_space<semaphore_mem>>)
        %dma_wait3A = arith.constant 0 : i32
        %dma_wait3A_18 = arith.constant 0 : i32
        %dma_wait3A_19 = tpu.memref_slice %arg3[%dma_wait3A, %dma_wait3A_18] : memref<10000x144xf32, #tpu.memory_space<hbm>> -> memref<10000x144xf32, #tpu.memory_space<hbm>>
        tpu.wait_indirect_dma semaphore(%arg10 : memref<!tpu.dma_semaphore, #tpu.memory_space<semaphore_mem>>) src(%dma_wait3A_19 : memref<10000x144xf32, #tpu.memory_space<hbm>>) dst(%arg9 : memref<800x144xf32, #tpu.memory_space<vmem>>)
        "tpu.region"() ({
          %run_scoped3A = tpu.sem_alloc : memref<!tpu.dma_semaphore, #tpu.memory_space<semaphore_mem>>
          %dma_start3A_20 = arith.constant 0 : i32
          %dma_start3A_21 = tpu.memref_slice %arg7[%mul3A_15, %dma_start3A_20] : memref<320000x144xf32, #tpu.memory_space<hbm>> -> memref<800x144xf32, #tpu.memory_space<hbm>>
          %dma_start3A_22 = arith.constant 0 : i32
          %dma_start3A_23 = tpu.memref_slice %arg7[%mul3A_15, %dma_start3A_22] : memref<320000x144xf32, #tpu.memory_space<hbm>> -> memref<800x144xf32, #tpu.memory_space<hbm>>
          tpu.enqueue_dma source(%arg9 : memref<800x144xf32, #tpu.memory_space<vmem>>) target(%dma_start3A_23 : memref<800x144xf32, #tpu.memory_space<hbm>>) target_semaphore(%run_scoped3A : memref<!tpu.dma_semaphore, #tpu.memory_space<semaphore_mem>>)
          %dma_wait3A_24 = arith.constant 0 : i32
          %dma_wait3A_25 = tpu.memref_slice %arg7[%mul3A_15, %dma_wait3A_24] : memref<320000x144xf32, #tpu.memory_space<hbm>> -> memref<800x144xf32, #tpu.memory_space<hbm>>
          %dma_wait3A_26 = arith.constant 0 : i32
          %dma_wait3A_27 = tpu.memref_slice %arg7[%mul3A_15, %dma_wait3A_26] : memref<320000x144xf32, #tpu.memory_space<hbm>> -> memref<800x144xf32, #tpu.memory_space<hbm>>
          tpu.wait_dma2 semaphore(%run_scoped3A : memref<!tpu.dma_semaphore, #tpu.memory_space<semaphore_mem>>) src(%arg9 : memref<800x144xf32, #tpu.memory_space<vmem>>) dst(%dma_wait3A_27 : memref<800x144xf32, #tpu.memory_space<hbm>>)
          tpu.yield
        }) : () -> ()
      }
      %scan3A_11 = arith.constant 25 : i32
    } else {
    }
    return
  }
}

#map = affine_map<(d0, d1) -> (0, 0)>
#map1 = affine_map<(d0, d1) -> (0)>
module attributes {stable_mosaic.version = 14 : i64} {
  func.func @_gather_kernel(%arg0: i32, %arg1: i32, %arg2: memref<10000x144xf32, #tpu.memory_space<hbm>>, %arg3: memref<10000x144xf32, #tpu.memory_space<hbm>>, %arg4: memref<320000xi32, #tpu.memory_space<hbm>>, %arg5: memref<320000xi32, #tpu.memory_space<hbm>>, %arg6: memref<320000x144xf32, #tpu.memory_space<hbm>>, %arg7: memref<320000x144xf32, #tpu.memory_space<hbm>>, %arg8: memref<800xi32, #tpu.memory_space<vmem>>, %arg9: memref<800x144xf32, #tpu.memory_space<vmem>>, %arg10: memref<!tpu.dma_semaphore, #tpu.memory_space<semaphore_mem>>) attributes {dimension_semantics = [#tpu.dimension_semantics<core_parallel>, #tpu.dimension_semantics<subcore_parallel>], iteration_bounds = array<i64: 2, 16>, scalar_prefetch = 0 : i64, scratch_operands = 3 : i64, tpu.core_type = #tpu.core_type<sc_vector_subcore>, window_params = [{transform_indices = #map}, {transform_indices = #map}, {transform_indices = #map1}, {transform_indices = #map1}, {transform_indices = #map}, {transform_indices = #map}]} {
    %eq3A = arith.constant 0 : i32
    %eq3A_0 = arith.cmpi eq, %arg0, %eq3A : i32
    %convert_element_type3A = arith.extui %eq3A_0 : i1 to i32
    %cond3A = arith.constant 0 : i32
    %cond3A_1 = arith.cmpi ne, %convert_element_type3A, %cond3A : i32
    scf.if %cond3A_1 {
      %scan3A = arith.constant 0 : i32
      %scan3A_7 = arith.constant 0 : i32
      %scan3A_8 = arith.constant 25 : i32
      %scan3A_9 = arith.addi %scan3A_7, %scan3A_8 : i32
      %scan3A_10 = arith.constant 1 : i32
      scf.for %scan3A_12 = %scan3A_7 to %scan3A_9 step %scan3A_10  : i32 {
        %mul3A = arith.constant 16 : i32
        %mul3A_13 = arith.muli %scan3A_12, %mul3A : i32
        %add3A = arith.addi %arg1, %mul3A_13 : i32
        %mul3A_14 = arith.constant 800 : i32
        %mul3A_15 = arith.muli %add3A, %mul3A_14 : i32
        "tpu.region"() ({
          %run_scoped3A = tpu.sem_alloc : memref<!tpu.dma_semaphore, #tpu.memory_space<semaphore_mem>>
          %dma_start3A_20 = tpu.memref_slice %arg4[%mul3A_15] : memref<320000xi32, #tpu.memory_space<hbm>> -> memref<800xi32, #tpu.memory_space<hbm>>
          %dma_start3A_21 = tpu.memref_slice %arg4[%mul3A_15] : memref<320000xi32, #tpu.memory_space<hbm>> -> memref<800xi32, #tpu.memory_space<hbm>>
          tpu.enqueue_dma source(%dma_start3A_21 : memref<800xi32, #tpu.memory_space<hbm>>) target(%arg8 : memref<800xi32, #tpu.memory_space<vmem>>) target_semaphore(%run_scoped3A : memref<!tpu.dma_semaphore, #tpu.memory_space<semaphore_mem>>)
          %dma_wait3A_22 = tpu.memref_slice %arg4[%mul3A_15] : memref<320000xi32, #tpu.memory_space<hbm>> -> memref<800xi32, #tpu.memory_space<hbm>>
          %dma_wait3A_23 = tpu.memref_slice %arg4[%mul3A_15] : memref<320000xi32, #tpu.memory_space<hbm>> -> memref<800xi32, #tpu.memory_space<hbm>>
          tpu.wait_dma2 semaphore(%run_scoped3A : memref<!tpu.dma_semaphore, #tpu.memory_space<semaphore_mem>>) src(%dma_wait3A_23 : memref<800xi32, #tpu.memory_space<hbm>>) dst(%arg8 : memref<800xi32, #tpu.memory_space<vmem>>)
          tpu.yield
        }) : () -> ()
        %dma_start3A = arith.constant 0 : i32
        %dma_start3A_16 = arith.constant 0 : i32
        %dma_start3A_17 = tpu.memref_slice %arg2[%dma_start3A, %dma_start3A_16] : memref<10000x144xf32, #tpu.memory_space<hbm>> -> memref<10000x144xf32, #tpu.memory_space<hbm>>
        tpu.enqueue_indirect_dma source(%dma_start3A_17 : memref<10000x144xf32, #tpu.memory_space<hbm>>) target(%arg9 : memref<800x144xf32, #tpu.memory_space<vmem>>) offsets(%arg8 : memref<800xi32, #tpu.memory_space<vmem>>) semaphore(%arg10 : memref<!tpu.dma_semaphore, #tpu.memory_space<semaphore_mem>>)
        %dma_wait3A = arith.constant 0 : i32
        %dma_wait3A_18 = arith.constant 0 : i32
        %dma_wait3A_19 = tpu.memref_slice %arg2[%dma_wait3A, %dma_wait3A_18] : memref<10000x144xf32, #tpu.memory_space<hbm>> -> memref<10000x144xf32, #tpu.memory_space<hbm>>
        tpu.wait_indirect_dma semaphore(%arg10 : memref<!tpu.dma_semaphore, #tpu.memory_space<semaphore_mem>>) src(%dma_wait3A_19 : memref<10000x144xf32, #tpu.memory_space<hbm>>) dst(%arg9 : memref<800x144xf32, #tpu.memory_space<vmem>>)
        "tpu.region"() ({
          %run_scoped3A = tpu.sem_alloc : memref<!tpu.dma_semaphore, #tpu.memory_space<semaphore_mem>>
          %dma_start3A_20 = arith.constant 0 : i32
          %dma_start3A_21 = tpu.memref_slice %arg6[%mul3A_15, %dma_start3A_20] : memref<320000x144xf32, #tpu.memory_space<hbm>> -> memref<800x144xf32, #tpu.memory_space<hbm>>
          %dma_start3A_22 = arith.constant 0 : i32
          %dma_start3A_23 = tpu.memref_slice %arg6[%mul3A_15, %dma_start3A_22] : memref<320000x144xf32, #tpu.memory_space<hbm>> -> memref<800x144xf32, #tpu.memory_space<hbm>>
          tpu.enqueue_dma source(%arg9 : memref<800x144xf32, #tpu.memory_space<vmem>>) target(%dma_start3A_23 : memref<800x144xf32, #tpu.memory_space<hbm>>) target_semaphore(%run_scoped3A : memref<!tpu.dma_semaphore, #tpu.memory_space<semaphore_mem>>)
          %dma_wait3A_24 = arith.constant 0 : i32
          %dma_wait3A_25 = tpu.memref_slice %arg6[%mul3A_15, %dma_wait3A_24] : memref<320000x144xf32, #tpu.memory_space<hbm>> -> memref<800x144xf32, #tpu.memory_space<hbm>>
          %dma_wait3A_26 = arith.constant 0 : i32
          %dma_wait3A_27 = tpu.memref_slice %arg6[%mul3A_15, %dma_wait3A_26] : memref<320000x144xf32, #tpu.memory_space<hbm>> -> memref<800x144xf32, #tpu.memory_space<hbm>>
          tpu.wait_dma2 semaphore(%run_scoped3A : memref<!tpu.dma_semaphore, #tpu.memory_space<semaphore_mem>>) src(%arg9 : memref<800x144xf32, #tpu.memory_space<vmem>>) dst(%dma_wait3A_27 : memref<800x144xf32, #tpu.memory_space<hbm>>)
          tpu.yield
        }) : () -> ()
      }
      %scan3A_11 = arith.constant 25 : i32
    } else {
    }
    %eq3A_2 = arith.constant 1 : i32
    %eq3A_3 = arith.cmpi eq, %arg0, %eq3A_2 : i32
    %convert_element_type3A_4 = arith.extui %eq3A_3 : i1 to i32
    %cond3A_5 = arith.constant 0 : i32
    %cond3A_6 = arith.cmpi ne, %convert_element_type3A_4, %cond3A_5 : i32
    scf.if %cond3A_6 {
      %scan3A = arith.constant 0 : i32
      %scan3A_7 = arith.constant 0 : i32
      %scan3A_8 = arith.constant 25 : i32
      %scan3A_9 = arith.addi %scan3A_7, %scan3A_8 : i32
      %scan3A_10 = arith.constant 1 : i32
      scf.for %scan3A_12 = %scan3A_7 to %scan3A_9 step %scan3A_10  : i32 {
        %mul3A = arith.constant 16 : i32
        %mul3A_13 = arith.muli %scan3A_12, %mul3A : i32
        %add3A = arith.addi %arg1, %mul3A_13 : i32
        %mul3A_14 = arith.constant 800 : i32
        %mul3A_15 = arith.muli %add3A, %mul3A_14 : i32
        "tpu.region"() ({
          %run_scoped3A = tpu.sem_alloc : memref<!tpu.dma_semaphore, #tpu.memory_space<semaphore_mem>>
          %dma_start3A_20 = tpu.memref_slice %arg5[%mul3A_15] : memref<320000xi32, #tpu.memory_space<hbm>> -> memref<800xi32, #tpu.memory_space<hbm>>
          %dma_start3A_21 = tpu.memref_slice %arg5[%mul3A_15] : memref<320000xi32, #tpu.memory_space<hbm>> -> memref<800xi32, #tpu.memory_space<hbm>>
          tpu.enqueue_dma source(%dma_start3A_21 : memref<800xi32, #tpu.memory_space<hbm>>) target(%arg8 : memref<800xi32, #tpu.memory_space<vmem>>) target_semaphore(%run_scoped3A : memref<!tpu.dma_semaphore, #tpu.memory_space<semaphore_mem>>)
          %dma_wait3A_22 = tpu.memref_slice %arg5[%mul3A_15] : memref<320000xi32, #tpu.memory_space<hbm>> -> memref<800xi32, #tpu.memory_space<hbm>>
          %dma_wait3A_23 = tpu.memref_slice %arg5[%mul3A_15] : memref<320000xi32, #tpu.memory_space<hbm>> -> memref<800xi32, #tpu.memory_space<hbm>>
          tpu.wait_dma2 semaphore(%run_scoped3A : memref<!tpu.dma_semaphore, #tpu.memory_space<semaphore_mem>>) src(%dma_wait3A_23 : memref<800xi32, #tpu.memory_space<hbm>>) dst(%arg8 : memref<800xi32, #tpu.memory_space<vmem>>)
          tpu.yield
        }) : () -> ()
        %dma_start3A = arith.constant 0 : i32
        %dma_start3A_16 = arith.constant 0 : i32
        %dma_start3A_17 = tpu.memref_slice %arg3[%dma_start3A, %dma_start3A_16] : memref<10000x144xf32, #tpu.memory_space<hbm>> -> memref<10000x144xf32, #tpu.memory_space<hbm>>
        tpu.enqueue_indirect_dma source(%dma_start3A_17 : memref<10000x144xf32, #tpu.memory_space<hbm>>) target(%arg9 : memref<800x144xf32, #tpu.memory_space<vmem>>) offsets(%arg8 : memref<800xi32, #tpu.memory_space<vmem>>) semaphore(%arg10 : memref<!tpu.dma_semaphore, #tpu.memory_space<semaphore_mem>>)
        %dma_wait3A = arith.constant 0 : i32
        %dma_wait3A_18 = arith.constant 0 : i32
        %dma_wait3A_19 = tpu.memref_slice %arg3[%dma_wait3A, %dma_wait3A_18] : memref<10000x144xf32, #tpu.memory_space<hbm>> -> memref<10000x144xf32, #tpu.memory_space<hbm>>
        tpu.wait_indirect_dma semaphore(%arg10 : memref<!tpu.dma_semaphore, #tpu.memory_space<semaphore_mem>>) src(%dma_wait3A_19 : memref<10000x144xf32, #tpu.memory_space<hbm>>) dst(%arg9 : memref<800x144xf32, #tpu.memory_space<vmem>>)
        "tpu.region"() ({
          %run_scoped3A = tpu.sem_alloc : memref<!tpu.dma_semaphore, #tpu.memory_space<semaphore_mem>>
          %dma_start3A_20 = arith.constant 0 : i32
          %dma_start3A_21 = tpu.memref_slice %arg7[%mul3A_15, %dma_start3A_20] : memref<320000x144xf32, #tpu.memory_space<hbm>> -> memref<800x144xf32, #tpu.memory_space<hbm>>
          %dma_start3A_22 = arith.constant 0 : i32
          %dma_start3A_23 = tpu.memref_slice %arg7[%mul3A_15, %dma_start3A_22] : memref<320000x144xf32, #tpu.memory_space<hbm>> -> memref<800x144xf32, #tpu.memory_space<hbm>>
          tpu.enqueue_dma source(%arg9 : memref<800x144xf32, #tpu.memory_space<vmem>>) target(%dma_start3A_23 : memref<800x144xf32, #tpu.memory_space<hbm>>) target_semaphore(%run_scoped3A : memref<!tpu.dma_semaphore, #tpu.memory_space<semaphore_mem>>)
          %dma_wait3A_24 = arith.constant 0 : i32
          %dma_wait3A_25 = tpu.memref_slice %arg7[%mul3A_15, %dma_wait3A_24] : memref<320000x144xf32, #tpu.memory_space<hbm>> -> memref<800x144xf32, #tpu.memory_space<hbm>>
          %dma_wait3A_26 = arith.constant 0 : i32
          %dma_wait3A_27 = tpu.memref_slice %arg7[%mul3A_15, %dma_wait3A_26] : memref<320000x144xf32, #tpu.memory_space<hbm>> -> memref<800x144xf32, #tpu.memory_space<hbm>>
          tpu.wait_dma2 semaphore(%run_scoped3A : memref<!tpu.dma_semaphore, #tpu.memory_space<semaphore_mem>>) src(%arg9 : memref<800x144xf32, #tpu.memory_space<vmem>>) dst(%dma_wait3A_27 : memref<800x144xf32, #tpu.memory_space<hbm>>)
          tpu.yield
        }) : () -> ()
      }
      %scan3A_11 = arith.constant 25 : i32
    } else {
    }
    return
  }
}

#map = affine_map<(d0, d1) -> (0, 0)>
#map1 = affine_map<(d0, d1) -> (0)>
#map2 = affine_map<(d0, d1) -> (0, 0, 0)>
module attributes {stable_mosaic.version = 14 : i64} {
  func.func @_scatter_kernel(%arg0: i32, %arg1: i32, %arg2: memref<320000x144xf32, #tpu.memory_space<hbm>>, %arg3: memref<320000xi32, #tpu.memory_space<hbm>>, %arg4: memref<1000x72xf32, #tpu.memory_space<hbm>>, %arg5: memref<1x10000x144xf32, #tpu.memory_space<hbm>>, %arg6: memref<800xi32, #tpu.memory_space<vmem>>, %arg7: memref<800x72xf32, #tpu.memory_space<vmem>>, %arg8: memref<10000x72xf32, #tpu.memory_space<vmem_shared>>) attributes {dimension_semantics = [#tpu.dimension_semantics<core_parallel>, #tpu.dimension_semantics<subcore_parallel>], iteration_bounds = array<i64: 2, 16>, scalar_prefetch = 0 : i64, scratch_operands = 3 : i64, tpu.core_type = #tpu.core_type<sc_vector_subcore>, window_params = [{transform_indices = #map}, {transform_indices = #map1}, {transform_indices = #map}, {transform_indices = #map2}]} {
    %eq3A = arith.constant 0 : i32
    %eq3A_0 = arith.cmpi eq, %arg1, %eq3A : i32
    %convert_element_type3A = arith.extui %eq3A_0 : i1 to i32
    %cond3A = arith.constant 0 : i32
    %cond3A_1 = arith.cmpi ne, %convert_element_type3A, %cond3A : i32
    scf.if %cond3A_1 {
      %scan3A = arith.constant 0 : i32
      %scan3A_20 = arith.constant 0 : i32
      %scan3A_21 = arith.constant 10 : i32
      %scan3A_22 = arith.addi %scan3A_20, %scan3A_21 : i32
      %scan3A_23 = arith.constant 1 : i32
      scf.for %scan3A_25 = %scan3A_20 to %scan3A_22 step %scan3A_23  : i32 {
        %mul3A = arith.constant 1000 : i32
        %mul3A_26 = arith.muli %scan3A_25, %mul3A : i32
        "tpu.region"() ({
          %run_scoped3A = tpu.sem_alloc : memref<!tpu.dma_semaphore, #tpu.memory_space<semaphore_mem>>
          %dma_start3A = arith.constant 0 : i32
          %dma_start3A_27 = tpu.memref_slice %arg8[%mul3A_26, %dma_start3A] : memref<10000x72xf32, #tpu.memory_space<vmem_shared>> -> memref<1000x72xf32, #tpu.memory_space<vmem_shared>>
          tpu.enqueue_dma source(%arg4 : memref<1000x72xf32, #tpu.memory_space<hbm>>) target(%dma_start3A_27 : memref<1000x72xf32, #tpu.memory_space<vmem_shared>>) target_semaphore(%run_scoped3A : memref<!tpu.dma_semaphore, #tpu.memory_space<semaphore_mem>>)
          %dma_wait3A = arith.constant 0 : i32
          %dma_wait3A_28 = tpu.memref_slice %arg8[%mul3A_26, %dma_wait3A] : memref<10000x72xf32, #tpu.memory_space<vmem_shared>> -> memref<1000x72xf32, #tpu.memory_space<vmem_shared>>
          tpu.wait_dma2 semaphore(%run_scoped3A : memref<!tpu.dma_semaphore, #tpu.memory_space<semaphore_mem>>) src(%arg4 : memref<1000x72xf32, #tpu.memory_space<hbm>>) dst(%dma_wait3A_28 : memref<1000x72xf32, #tpu.memory_space<vmem_shared>>)
          tpu.yield
        }) : () -> ()
      }
      %scan3A_24 = arith.constant 10 : i32
    } else {
    }
    %barrier3A = arith.constant 0 : index
    tpu.barrier barrier_id(%barrier3A)
    %lt3A = arith.constant 0 : i32
    %lt3A_2 = arith.cmpi slt, %arg1, %lt3A : i32
    %jit3A = arith.constant 1 : i32
    %jit3A_3 = arith.constant 0 : i32
    %select_n3A = arith.select %lt3A_2, %jit3A, %jit3A_3 : i32
    %add3A = arith.constant 25 : i32
    %add3A_4 = arith.addi %add3A, %select_n3A : i32
    %while3A = arith.constant 0 : i32
    %while3A_5 = arith.constant 0 : i32
    %while3A_6 = arith.subi %add3A_4, %while3A_5 : i32
    %while3A_7 = arith.addi %while3A_5, %while3A_6 : i32
    %while3A_8 = arith.constant 1 : i32
    %while3A_9 = arith.divsi %while3A_6, %while3A_8 : i32
    %while3A_10 = arith.muli %while3A_9, %while3A_8 : i32
    %while3A_11 = arith.addi %while3A_5, %while3A_10 : i32
    %while3A_12 = arith.constant 1 : i32
    scf.for %while3A_20 = %while3A_5 to %while3A_11 step %while3A_12  : i32 {
      %mul3A = arith.constant 16 : i32
      %mul3A_21 = arith.muli %while3A_20, %mul3A : i32
      %add3A_22 = arith.addi %arg1, %mul3A_21 : i32
      %mul3A_23 = arith.constant 800 : i32
      %mul3A_24 = arith.muli %add3A_22, %mul3A_23 : i32
      "tpu.region"() ({
        %run_scoped3A = tpu.sem_alloc : memref<!tpu.dma_semaphore, #tpu.memory_space<semaphore_mem>>
        %dma_start3A = tpu.memref_slice %arg3[%mul3A_24] : memref<320000xi32, #tpu.memory_space<hbm>> -> memref<800xi32, #tpu.memory_space<hbm>>
        %dma_start3A_27 = tpu.memref_slice %arg3[%mul3A_24] : memref<320000xi32, #tpu.memory_space<hbm>> -> memref<800xi32, #tpu.memory_space<hbm>>
        tpu.enqueue_dma source(%dma_start3A_27 : memref<800xi32, #tpu.memory_space<hbm>>) target(%arg6 : memref<800xi32, #tpu.memory_space<vmem>>) target_semaphore(%run_scoped3A : memref<!tpu.dma_semaphore, #tpu.memory_space<semaphore_mem>>)
        %dma_wait3A = tpu.memref_slice %arg3[%mul3A_24] : memref<320000xi32, #tpu.memory_space<hbm>> -> memref<800xi32, #tpu.memory_space<hbm>>
        %dma_wait3A_28 = tpu.memref_slice %arg3[%mul3A_24] : memref<320000xi32, #tpu.memory_space<hbm>> -> memref<800xi32, #tpu.memory_space<hbm>>
        tpu.wait_dma2 semaphore(%run_scoped3A : memref<!tpu.dma_semaphore, #tpu.memory_space<semaphore_mem>>) src(%dma_wait3A_28 : memref<800xi32, #tpu.memory_space<hbm>>) dst(%arg6 : memref<800xi32, #tpu.memory_space<vmem>>)
        tpu.yield
      }) : () -> ()
      %mul3A_25 = arith.constant 72 : i32
      %mul3A_26 = arith.muli %arg0, %mul3A_25 : i32
      "tpu.region"() ({
        %run_scoped3A = tpu.sem_alloc : memref<!tpu.dma_semaphore, #tpu.memory_space<semaphore_mem>>
        %dma_start3A = tpu.memref_slice %arg2[%mul3A_24, %mul3A_26] : memref<320000x144xf32, #tpu.memory_space<hbm>> -> memref<800x72xf32, #tpu.memory_space<hbm>>
        %dma_start3A_27 = tpu.memref_slice %arg2[%mul3A_24, %mul3A_26] : memref<320000x144xf32, #tpu.memory_space<hbm>> -> memref<800x72xf32, #tpu.memory_space<hbm>>
        tpu.enqueue_dma source(%dma_start3A_27 : memref<800x72xf32, #tpu.memory_space<hbm>>) target(%arg7 : memref<800x72xf32, #tpu.memory_space<vmem>>) target_semaphore(%run_scoped3A : memref<!tpu.dma_semaphore, #tpu.memory_space<semaphore_mem>>)
        %dma_wait3A = tpu.memref_slice %arg2[%mul3A_24, %mul3A_26] : memref<320000x144xf32, #tpu.memory_space<hbm>> -> memref<800x72xf32, #tpu.memory_space<hbm>>
        %dma_wait3A_28 = tpu.memref_slice %arg2[%mul3A_24, %mul3A_26] : memref<320000x144xf32, #tpu.memory_space<hbm>> -> memref<800x72xf32, #tpu.memory_space<hbm>>
        tpu.wait_dma2 semaphore(%run_scoped3A : memref<!tpu.dma_semaphore, #tpu.memory_space<semaphore_mem>>) src(%dma_wait3A_28 : memref<800x72xf32, #tpu.memory_space<hbm>>) dst(%arg7 : memref<800x72xf32, #tpu.memory_space<vmem>>)
        tpu.yield
      }) : () -> ()
      "tpu.region"() ({
        %run_scoped3A = tpu.sem_alloc : memref<!tpu.dma_semaphore, #tpu.memory_space<semaphore_mem>>
        %dma_start3A = arith.constant 0 : i32
        %dma_start3A_27 = arith.constant 0 : i32
        %dma_start3A_28 = tpu.memref_slice %arg8[%dma_start3A, %dma_start3A_27] : memref<10000x72xf32, #tpu.memory_space<vmem_shared>> -> memref<10000x72xf32, #tpu.memory_space<vmem_shared>>
        tpu.enqueue_indirect_dma source(%arg7 : memref<800x72xf32, #tpu.memory_space<vmem>>) target(%dma_start3A_28 : memref<10000x72xf32, #tpu.memory_space<vmem_shared>>) offsets(%arg6 : memref<800xi32, #tpu.memory_space<vmem>>) semaphore(%run_scoped3A : memref<!tpu.dma_semaphore, #tpu.memory_space<semaphore_mem>>) {add = true}
        %dma_wait3A = arith.constant 0 : i32
        %dma_wait3A_29 = arith.constant 0 : i32
        %dma_wait3A_30 = tpu.memref_slice %arg8[%dma_wait3A, %dma_wait3A_29] : memref<10000x72xf32, #tpu.memory_space<vmem_shared>> -> memref<10000x72xf32, #tpu.memory_space<vmem_shared>>
        tpu.wait_indirect_dma semaphore(%run_scoped3A : memref<!tpu.dma_semaphore, #tpu.memory_space<semaphore_mem>>) src(%arg7 : memref<800x72xf32, #tpu.memory_space<vmem>>) dst(%dma_wait3A_30 : memref<10000x72xf32, #tpu.memory_space<vmem_shared>>)
        tpu.yield
      }) : () -> ()
    }
    %while3A_13 = arith.constant 1 : i32
    scf.for %while3A_20 = %while3A_11 to %while3A_7 step %while3A_13  : i32 {
      %mul3A = arith.constant 16 : i32
      %mul3A_21 = arith.muli %while3A_20, %mul3A : i32
      %add3A_22 = arith.addi %arg1, %mul3A_21 : i32
      %mul3A_23 = arith.constant 800 : i32
      %mul3A_24 = arith.muli %add3A_22, %mul3A_23 : i32
      "tpu.region"() ({
        %run_scoped3A = tpu.sem_alloc : memref<!tpu.dma_semaphore, #tpu.memory_space<semaphore_mem>>
        %dma_start3A = tpu.memref_slice %arg3[%mul3A_24] : memref<320000xi32, #tpu.memory_space<hbm>> -> memref<800xi32, #tpu.memory_space<hbm>>
        %dma_start3A_27 = tpu.memref_slice %arg3[%mul3A_24] : memref<320000xi32, #tpu.memory_space<hbm>> -> memref<800xi32, #tpu.memory_space<hbm>>
        tpu.enqueue_dma source(%dma_start3A_27 : memref<800xi32, #tpu.memory_space<hbm>>) target(%arg6 : memref<800xi32, #tpu.memory_space<vmem>>) target_semaphore(%run_scoped3A : memref<!tpu.dma_semaphore, #tpu.memory_space<semaphore_mem>>)
        %dma_wait3A = tpu.memref_slice %arg3[%mul3A_24] : memref<320000xi32, #tpu.memory_space<hbm>> -> memref<800xi32, #tpu.memory_space<hbm>>
        %dma_wait3A_28 = tpu.memref_slice %arg3[%mul3A_24] : memref<320000xi32, #tpu.memory_space<hbm>> -> memref<800xi32, #tpu.memory_space<hbm>>
        tpu.wait_dma2 semaphore(%run_scoped3A : memref<!tpu.dma_semaphore, #tpu.memory_space<semaphore_mem>>) src(%dma_wait3A_28 : memref<800xi32, #tpu.memory_space<hbm>>) dst(%arg6 : memref<800xi32, #tpu.memory_space<vmem>>)
        tpu.yield
      }) : () -> ()
      %mul3A_25 = arith.constant 72 : i32
      %mul3A_26 = arith.muli %arg0, %mul3A_25 : i32
      "tpu.region"() ({
        %run_scoped3A = tpu.sem_alloc : memref<!tpu.dma_semaphore, #tpu.memory_space<semaphore_mem>>
        %dma_start3A = tpu.memref_slice %arg2[%mul3A_24, %mul3A_26] : memref<320000x144xf32, #tpu.memory_space<hbm>> -> memref<800x72xf32, #tpu.memory_space<hbm>>
        %dma_start3A_27 = tpu.memref_slice %arg2[%mul3A_24, %mul3A_26] : memref<320000x144xf32, #tpu.memory_space<hbm>> -> memref<800x72xf32, #tpu.memory_space<hbm>>
        tpu.enqueue_dma source(%dma_start3A_27 : memref<800x72xf32, #tpu.memory_space<hbm>>) target(%arg7 : memref<800x72xf32, #tpu.memory_space<vmem>>) target_semaphore(%run_scoped3A : memref<!tpu.dma_semaphore, #tpu.memory_space<semaphore_mem>>)
        %dma_wait3A = tpu.memref_slice %arg2[%mul3A_24, %mul3A_26] : memref<320000x144xf32, #tpu.memory_space<hbm>> -> memref<800x72xf32, #tpu.memory_space<hbm>>
        %dma_wait3A_28 = tpu.memref_slice %arg2[%mul3A_24, %mul3A_26] : memref<320000x144xf32, #tpu.memory_space<hbm>> -> memref<800x72xf32, #tpu.memory_space<hbm>>
        tpu.wait_dma2 semaphore(%run_scoped3A : memref<!tpu.dma_semaphore, #tpu.memory_space<semaphore_mem>>) src(%dma_wait3A_28 : memref<800x72xf32, #tpu.memory_space<hbm>>) dst(%arg7 : memref<800x72xf32, #tpu.memory_space<vmem>>)
        tpu.yield
      }) : () -> ()
      "tpu.region"() ({
        %run_scoped3A = tpu.sem_alloc : memref<!tpu.dma_semaphore, #tpu.memory_space<semaphore_mem>>
        %dma_start3A = arith.constant 0 : i32
        %dma_start3A_27 = arith.constant 0 : i32
        %dma_start3A_28 = tpu.memref_slice %arg8[%dma_start3A, %dma_start3A_27] : memref<10000x72xf32, #tpu.memory_space<vmem_shared>> -> memref<10000x72xf32, #tpu.memory_space<vmem_shared>>
        tpu.enqueue_indirect_dma source(%arg7 : memref<800x72xf32, #tpu.memory_space<vmem>>) target(%dma_start3A_28 : memref<10000x72xf32, #tpu.memory_space<vmem_shared>>) offsets(%arg6 : memref<800xi32, #tpu.memory_space<vmem>>) semaphore(%run_scoped3A : memref<!tpu.dma_semaphore, #tpu.memory_space<semaphore_mem>>) {add = true}
        %dma_wait3A = arith.constant 0 : i32
        %dma_wait3A_29 = arith.constant 0 : i32
        %dma_wait3A_30 = tpu.memref_slice %arg8[%dma_wait3A, %dma_wait3A_29] : memref<10000x72xf32, #tpu.memory_space<vmem_shared>> -> memref<10000x72xf32, #tpu.memory_space<vmem_shared>>
        tpu.wait_indirect_dma semaphore(%run_scoped3A : memref<!tpu.dma_semaphore, #tpu.memory_space<semaphore_mem>>) src(%arg7 : memref<800x72xf32, #tpu.memory_space<vmem>>) dst(%dma_wait3A_30 : memref<10000x72xf32, #tpu.memory_space<vmem_shared>>)
        tpu.yield
      }) : () -> ()
    }
    %barrier3A_14 = arith.constant 0 : index
    tpu.barrier barrier_id(%barrier3A_14)
    %eq3A_15 = arith.constant 0 : i32
    %eq3A_16 = arith.cmpi eq, %arg1, %eq3A_15 : i32
    %convert_element_type3A_17 = arith.extui %eq3A_16 : i1 to i32
    %cond3A_18 = arith.constant 0 : i32
    %cond3A_19 = arith.cmpi ne, %convert_element_type3A_17, %cond3A_18 : i32
    scf.if %cond3A_19 {
      %mul3A = arith.constant 72 : i32
      %mul3A_20 = arith.muli %arg0, %mul3A : i32
      %run_scoped3A = arith.constant 0 : i32
      "tpu.region"() ({
        %run_scoped3A_21 = tpu.sem_alloc : memref<!tpu.dma_semaphore, #tpu.memory_space<semaphore_mem>>
        %dma_start3A = arith.constant 0 : i32
        %dma_start3A_22 = tpu.memref_slice %arg5[%run_scoped3A, %dma_start3A, %mul3A_20] : memref<1x10000x144xf32, #tpu.memory_space<hbm>> -> memref<1x10000x72xf32, #tpu.memory_space<hbm>>
        %dma_start3A_23 = tpu.memref_squeeze %dma_start3A_22 : memref<1x10000x72xf32, #tpu.memory_space<hbm>> -> memref<10000x72xf32, #tpu.memory_space<hbm>>
        tpu.enqueue_dma source(%arg8 : memref<10000x72xf32, #tpu.memory_space<vmem_shared>>) target(%dma_start3A_23 : memref<10000x72xf32, #tpu.memory_space<hbm>>) target_semaphore(%run_scoped3A_21 : memref<!tpu.dma_semaphore, #tpu.memory_space<semaphore_mem>>)
        %dma_wait3A = arith.constant 0 : i32
        %dma_wait3A_24 = tpu.memref_slice %arg5[%run_scoped3A, %dma_wait3A, %mul3A_20] : memref<1x10000x144xf32, #tpu.memory_space<hbm>> -> memref<1x10000x72xf32, #tpu.memory_space<hbm>>
        %dma_wait3A_25 = tpu.memref_squeeze %dma_wait3A_24 : memref<1x10000x72xf32, #tpu.memory_space<hbm>> -> memref<10000x72xf32, #tpu.memory_space<hbm>>
        tpu.wait_dma2 semaphore(%run_scoped3A_21 : memref<!tpu.dma_semaphore, #tpu.memory_space<semaphore_mem>>) src(%arg8 : memref<10000x72xf32, #tpu.memory_space<vmem_shared>>) dst(%dma_wait3A_25 : memref<10000x72xf32, #tpu.memory_space<hbm>>)
        tpu.yield
      }) : () -> ()
    } else {
    }
    return
  }
}

#map = affine_map<(d0, d1) -> (0, 0)>
#map1 = affine_map<(d0, d1) -> (0)>
module attributes {stable_mosaic.version = 14 : i64} {
  func.func @_gather_kernel(%arg0: i32, %arg1: i32, %arg2: memref<10000x144xf32, #tpu.memory_space<hbm>>, %arg3: memref<10000x144xf32, #tpu.memory_space<hbm>>, %arg4: memref<320000xi32, #tpu.memory_space<hbm>>, %arg5: memref<320000xi32, #tpu.memory_space<hbm>>, %arg6: memref<320000x144xf32, #tpu.memory_space<hbm>>, %arg7: memref<320000x144xf32, #tpu.memory_space<hbm>>, %arg8: memref<800xi32, #tpu.memory_space<vmem>>, %arg9: memref<800x144xf32, #tpu.memory_space<vmem>>, %arg10: memref<!tpu.dma_semaphore, #tpu.memory_space<semaphore_mem>>) attributes {dimension_semantics = [#tpu.dimension_semantics<core_parallel>, #tpu.dimension_semantics<subcore_parallel>], iteration_bounds = array<i64: 2, 16>, scalar_prefetch = 0 : i64, scratch_operands = 3 : i64, tpu.core_type = #tpu.core_type<sc_vector_subcore>, window_params = [{transform_indices = #map}, {transform_indices = #map}, {transform_indices = #map1}, {transform_indices = #map1}, {transform_indices = #map}, {transform_indices = #map}]} {
    %eq3A = arith.constant 0 : i32
    %eq3A_0 = arith.cmpi eq, %arg0, %eq3A : i32
    %convert_element_type3A = arith.extui %eq3A_0 : i1 to i32
    %cond3A = arith.constant 0 : i32
    %cond3A_1 = arith.cmpi ne, %convert_element_type3A, %cond3A : i32
    scf.if %cond3A_1 {
      %scan3A = arith.constant 0 : i32
      %scan3A_7 = arith.constant 0 : i32
      %scan3A_8 = arith.constant 25 : i32
      %scan3A_9 = arith.addi %scan3A_7, %scan3A_8 : i32
      %scan3A_10 = arith.constant 1 : i32
      scf.for %scan3A_12 = %scan3A_7 to %scan3A_9 step %scan3A_10  : i32 {
        %mul3A = arith.constant 16 : i32
        %mul3A_13 = arith.muli %scan3A_12, %mul3A : i32
        %add3A = arith.addi %arg1, %mul3A_13 : i32
        %mul3A_14 = arith.constant 800 : i32
        %mul3A_15 = arith.muli %add3A, %mul3A_14 : i32
        "tpu.region"() ({
          %run_scoped3A = tpu.sem_alloc : memref<!tpu.dma_semaphore, #tpu.memory_space<semaphore_mem>>
          %dma_start3A_20 = tpu.memref_slice %arg4[%mul3A_15] : memref<320000xi32, #tpu.memory_space<hbm>> -> memref<800xi32, #tpu.memory_space<hbm>>
          %dma_start3A_21 = tpu.memref_slice %arg4[%mul3A_15] : memref<320000xi32, #tpu.memory_space<hbm>> -> memref<800xi32, #tpu.memory_space<hbm>>
          tpu.enqueue_dma source(%dma_start3A_21 : memref<800xi32, #tpu.memory_space<hbm>>) target(%arg8 : memref<800xi32, #tpu.memory_space<vmem>>) target_semaphore(%run_scoped3A : memref<!tpu.dma_semaphore, #tpu.memory_space<semaphore_mem>>)
          %dma_wait3A_22 = tpu.memref_slice %arg4[%mul3A_15] : memref<320000xi32, #tpu.memory_space<hbm>> -> memref<800xi32, #tpu.memory_space<hbm>>
          %dma_wait3A_23 = tpu.memref_slice %arg4[%mul3A_15] : memref<320000xi32, #tpu.memory_space<hbm>> -> memref<800xi32, #tpu.memory_space<hbm>>
          tpu.wait_dma2 semaphore(%run_scoped3A : memref<!tpu.dma_semaphore, #tpu.memory_space<semaphore_mem>>) src(%dma_wait3A_23 : memref<800xi32, #tpu.memory_space<hbm>>) dst(%arg8 : memref<800xi32, #tpu.memory_space<vmem>>)
          tpu.yield
        }) : () -> ()
        %dma_start3A = arith.constant 0 : i32
        %dma_start3A_16 = arith.constant 0 : i32
        %dma_start3A_17 = tpu.memref_slice %arg2[%dma_start3A, %dma_start3A_16] : memref<10000x144xf32, #tpu.memory_space<hbm>> -> memref<10000x144xf32, #tpu.memory_space<hbm>>
        tpu.enqueue_indirect_dma source(%dma_start3A_17 : memref<10000x144xf32, #tpu.memory_space<hbm>>) target(%arg9 : memref<800x144xf32, #tpu.memory_space<vmem>>) offsets(%arg8 : memref<800xi32, #tpu.memory_space<vmem>>) semaphore(%arg10 : memref<!tpu.dma_semaphore, #tpu.memory_space<semaphore_mem>>)
        %dma_wait3A = arith.constant 0 : i32
        %dma_wait3A_18 = arith.constant 0 : i32
        %dma_wait3A_19 = tpu.memref_slice %arg2[%dma_wait3A, %dma_wait3A_18] : memref<10000x144xf32, #tpu.memory_space<hbm>> -> memref<10000x144xf32, #tpu.memory_space<hbm>>
        tpu.wait_indirect_dma semaphore(%arg10 : memref<!tpu.dma_semaphore, #tpu.memory_space<semaphore_mem>>) src(%dma_wait3A_19 : memref<10000x144xf32, #tpu.memory_space<hbm>>) dst(%arg9 : memref<800x144xf32, #tpu.memory_space<vmem>>)
        "tpu.region"() ({
          %run_scoped3A = tpu.sem_alloc : memref<!tpu.dma_semaphore, #tpu.memory_space<semaphore_mem>>
          %dma_start3A_20 = arith.constant 0 : i32
          %dma_start3A_21 = tpu.memref_slice %arg6[%mul3A_15, %dma_start3A_20] : memref<320000x144xf32, #tpu.memory_space<hbm>> -> memref<800x144xf32, #tpu.memory_space<hbm>>
          %dma_start3A_22 = arith.constant 0 : i32
          %dma_start3A_23 = tpu.memref_slice %arg6[%mul3A_15, %dma_start3A_22] : memref<320000x144xf32, #tpu.memory_space<hbm>> -> memref<800x144xf32, #tpu.memory_space<hbm>>
          tpu.enqueue_dma source(%arg9 : memref<800x144xf32, #tpu.memory_space<vmem>>) target(%dma_start3A_23 : memref<800x144xf32, #tpu.memory_space<hbm>>) target_semaphore(%run_scoped3A : memref<!tpu.dma_semaphore, #tpu.memory_space<semaphore_mem>>)
          %dma_wait3A_24 = arith.constant 0 : i32
          %dma_wait3A_25 = tpu.memref_slice %arg6[%mul3A_15, %dma_wait3A_24] : memref<320000x144xf32, #tpu.memory_space<hbm>> -> memref<800x144xf32, #tpu.memory_space<hbm>>
          %dma_wait3A_26 = arith.constant 0 : i32
          %dma_wait3A_27 = tpu.memref_slice %arg6[%mul3A_15, %dma_wait3A_26] : memref<320000x144xf32, #tpu.memory_space<hbm>> -> memref<800x144xf32, #tpu.memory_space<hbm>>
          tpu.wait_dma2 semaphore(%run_scoped3A : memref<!tpu.dma_semaphore, #tpu.memory_space<semaphore_mem>>) src(%arg9 : memref<800x144xf32, #tpu.memory_space<vmem>>) dst(%dma_wait3A_27 : memref<800x144xf32, #tpu.memory_space<hbm>>)
          tpu.yield
        }) : () -> ()
      }
      %scan3A_11 = arith.constant 25 : i32
    } else {
    }
    %eq3A_2 = arith.constant 1 : i32
    %eq3A_3 = arith.cmpi eq, %arg0, %eq3A_2 : i32
    %convert_element_type3A_4 = arith.extui %eq3A_3 : i1 to i32
    %cond3A_5 = arith.constant 0 : i32
    %cond3A_6 = arith.cmpi ne, %convert_element_type3A_4, %cond3A_5 : i32
    scf.if %cond3A_6 {
      %scan3A = arith.constant 0 : i32
      %scan3A_7 = arith.constant 0 : i32
      %scan3A_8 = arith.constant 25 : i32
      %scan3A_9 = arith.addi %scan3A_7, %scan3A_8 : i32
      %scan3A_10 = arith.constant 1 : i32
      scf.for %scan3A_12 = %scan3A_7 to %scan3A_9 step %scan3A_10  : i32 {
        %mul3A = arith.constant 16 : i32
        %mul3A_13 = arith.muli %scan3A_12, %mul3A : i32
        %add3A = arith.addi %arg1, %mul3A_13 : i32
        %mul3A_14 = arith.constant 800 : i32
        %mul3A_15 = arith.muli %add3A, %mul3A_14 : i32
        "tpu.region"() ({
          %run_scoped3A = tpu.sem_alloc : memref<!tpu.dma_semaphore, #tpu.memory_space<semaphore_mem>>
          %dma_start3A_20 = tpu.memref_slice %arg5[%mul3A_15] : memref<320000xi32, #tpu.memory_space<hbm>> -> memref<800xi32, #tpu.memory_space<hbm>>
          %dma_start3A_21 = tpu.memref_slice %arg5[%mul3A_15] : memref<320000xi32, #tpu.memory_space<hbm>> -> memref<800xi32, #tpu.memory_space<hbm>>
          tpu.enqueue_dma source(%dma_start3A_21 : memref<800xi32, #tpu.memory_space<hbm>>) target(%arg8 : memref<800xi32, #tpu.memory_space<vmem>>) target_semaphore(%run_scoped3A : memref<!tpu.dma_semaphore, #tpu.memory_space<semaphore_mem>>)
          %dma_wait3A_22 = tpu.memref_slice %arg5[%mul3A_15] : memref<320000xi32, #tpu.memory_space<hbm>> -> memref<800xi32, #tpu.memory_space<hbm>>
          %dma_wait3A_23 = tpu.memref_slice %arg5[%mul3A_15] : memref<320000xi32, #tpu.memory_space<hbm>> -> memref<800xi32, #tpu.memory_space<hbm>>
          tpu.wait_dma2 semaphore(%run_scoped3A : memref<!tpu.dma_semaphore, #tpu.memory_space<semaphore_mem>>) src(%dma_wait3A_23 : memref<800xi32, #tpu.memory_space<hbm>>) dst(%arg8 : memref<800xi32, #tpu.memory_space<vmem>>)
          tpu.yield
        }) : () -> ()
        %dma_start3A = arith.constant 0 : i32
        %dma_start3A_16 = arith.constant 0 : i32
        %dma_start3A_17 = tpu.memref_slice %arg3[%dma_start3A, %dma_start3A_16] : memref<10000x144xf32, #tpu.memory_space<hbm>> -> memref<10000x144xf32, #tpu.memory_space<hbm>>
        tpu.enqueue_indirect_dma source(%dma_start3A_17 : memref<10000x144xf32, #tpu.memory_space<hbm>>) target(%arg9 : memref<800x144xf32, #tpu.memory_space<vmem>>) offsets(%arg8 : memref<800xi32, #tpu.memory_space<vmem>>) semaphore(%arg10 : memref<!tpu.dma_semaphore, #tpu.memory_space<semaphore_mem>>)
        %dma_wait3A = arith.constant 0 : i32
        %dma_wait3A_18 = arith.constant 0 : i32
        %dma_wait3A_19 = tpu.memref_slice %arg3[%dma_wait3A, %dma_wait3A_18] : memref<10000x144xf32, #tpu.memory_space<hbm>> -> memref<10000x144xf32, #tpu.memory_space<hbm>>
        tpu.wait_indirect_dma semaphore(%arg10 : memref<!tpu.dma_semaphore, #tpu.memory_space<semaphore_mem>>) src(%dma_wait3A_19 : memref<10000x144xf32, #tpu.memory_space<hbm>>) dst(%arg9 : memref<800x144xf32, #tpu.memory_space<vmem>>)
        "tpu.region"() ({
          %run_scoped3A = tpu.sem_alloc : memref<!tpu.dma_semaphore, #tpu.memory_space<semaphore_mem>>
          %dma_start3A_20 = arith.constant 0 : i32
          %dma_start3A_21 = tpu.memref_slice %arg7[%mul3A_15, %dma_start3A_20] : memref<320000x144xf32, #tpu.memory_space<hbm>> -> memref<800x144xf32, #tpu.memory_space<hbm>>
          %dma_start3A_22 = arith.constant 0 : i32
          %dma_start3A_23 = tpu.memref_slice %arg7[%mul3A_15, %dma_start3A_22] : memref<320000x144xf32, #tpu.memory_space<hbm>> -> memref<800x144xf32, #tpu.memory_space<hbm>>
          tpu.enqueue_dma source(%arg9 : memref<800x144xf32, #tpu.memory_space<vmem>>) target(%dma_start3A_23 : memref<800x144xf32, #tpu.memory_space<hbm>>) target_semaphore(%run_scoped3A : memref<!tpu.dma_semaphore, #tpu.memory_space<semaphore_mem>>)
          %dma_wait3A_24 = arith.constant 0 : i32
          %dma_wait3A_25 = tpu.memref_slice %arg7[%mul3A_15, %dma_wait3A_24] : memref<320000x144xf32, #tpu.memory_space<hbm>> -> memref<800x144xf32, #tpu.memory_space<hbm>>
          %dma_wait3A_26 = arith.constant 0 : i32
          %dma_wait3A_27 = tpu.memref_slice %arg7[%mul3A_15, %dma_wait3A_26] : memref<320000x144xf32, #tpu.memory_space<hbm>> -> memref<800x144xf32, #tpu.memory_space<hbm>>
          tpu.wait_dma2 semaphore(%run_scoped3A : memref<!tpu.dma_semaphore, #tpu.memory_space<semaphore_mem>>) src(%arg9 : memref<800x144xf32, #tpu.memory_space<vmem>>) dst(%dma_wait3A_27 : memref<800x144xf32, #tpu.memory_space<hbm>>)
          tpu.yield
        }) : () -> ()
      }
      %scan3A_11 = arith.constant 25 : i32
    } else {
    }
    return
  }
}

#map = affine_map<(d0, d1) -> (0, 0)>
#map1 = affine_map<(d0, d1) -> (0)>
#map2 = affine_map<(d0, d1) -> (0, 0, 0)>
module attributes {stable_mosaic.version = 14 : i64} {
  func.func @_scatter_kernel(%arg0: i32, %arg1: i32, %arg2: memref<320000x144xf32, #tpu.memory_space<hbm>>, %arg3: memref<320000xi32, #tpu.memory_space<hbm>>, %arg4: memref<1000x72xf32, #tpu.memory_space<hbm>>, %arg5: memref<1x10000x144xf32, #tpu.memory_space<hbm>>, %arg6: memref<800xi32, #tpu.memory_space<vmem>>, %arg7: memref<800x72xf32, #tpu.memory_space<vmem>>, %arg8: memref<10000x72xf32, #tpu.memory_space<vmem_shared>>) attributes {dimension_semantics = [#tpu.dimension_semantics<core_parallel>, #tpu.dimension_semantics<subcore_parallel>], iteration_bounds = array<i64: 2, 16>, scalar_prefetch = 0 : i64, scratch_operands = 3 : i64, tpu.core_type = #tpu.core_type<sc_vector_subcore>, window_params = [{transform_indices = #map}, {transform_indices = #map1}, {transform_indices = #map}, {transform_indices = #map2}]} {
    %eq3A = arith.constant 0 : i32
    %eq3A_0 = arith.cmpi eq, %arg1, %eq3A : i32
    %convert_element_type3A = arith.extui %eq3A_0 : i1 to i32
    %cond3A = arith.constant 0 : i32
    %cond3A_1 = arith.cmpi ne, %convert_element_type3A, %cond3A : i32
    scf.if %cond3A_1 {
      %scan3A = arith.constant 0 : i32
      %scan3A_20 = arith.constant 0 : i32
      %scan3A_21 = arith.constant 10 : i32
      %scan3A_22 = arith.addi %scan3A_20, %scan3A_21 : i32
      %scan3A_23 = arith.constant 1 : i32
      scf.for %scan3A_25 = %scan3A_20 to %scan3A_22 step %scan3A_23  : i32 {
        %mul3A = arith.constant 1000 : i32
        %mul3A_26 = arith.muli %scan3A_25, %mul3A : i32
        "tpu.region"() ({
          %run_scoped3A = tpu.sem_alloc : memref<!tpu.dma_semaphore, #tpu.memory_space<semaphore_mem>>
          %dma_start3A = arith.constant 0 : i32
          %dma_start3A_27 = tpu.memref_slice %arg8[%mul3A_26, %dma_start3A] : memref<10000x72xf32, #tpu.memory_space<vmem_shared>> -> memref<1000x72xf32, #tpu.memory_space<vmem_shared>>
          tpu.enqueue_dma source(%arg4 : memref<1000x72xf32, #tpu.memory_space<hbm>>) target(%dma_start3A_27 : memref<1000x72xf32, #tpu.memory_space<vmem_shared>>) target_semaphore(%run_scoped3A : memref<!tpu.dma_semaphore, #tpu.memory_space<semaphore_mem>>)
          %dma_wait3A = arith.constant 0 : i32
          %dma_wait3A_28 = tpu.memref_slice %arg8[%mul3A_26, %dma_wait3A] : memref<10000x72xf32, #tpu.memory_space<vmem_shared>> -> memref<1000x72xf32, #tpu.memory_space<vmem_shared>>
          tpu.wait_dma2 semaphore(%run_scoped3A : memref<!tpu.dma_semaphore, #tpu.memory_space<semaphore_mem>>) src(%arg4 : memref<1000x72xf32, #tpu.memory_space<hbm>>) dst(%dma_wait3A_28 : memref<1000x72xf32, #tpu.memory_space<vmem_shared>>)
          tpu.yield
        }) : () -> ()
      }
      %scan3A_24 = arith.constant 10 : i32
    } else {
    }
    %barrier3A = arith.constant 0 : index
    tpu.barrier barrier_id(%barrier3A)
    %lt3A = arith.constant 0 : i32
    %lt3A_2 = arith.cmpi slt, %arg1, %lt3A : i32
    %jit3A = arith.constant 1 : i32
    %jit3A_3 = arith.constant 0 : i32
    %select_n3A = arith.select %lt3A_2, %jit3A, %jit3A_3 : i32
    %add3A = arith.constant 25 : i32
    %add3A_4 = arith.addi %add3A, %select_n3A : i32
    %while3A = arith.constant 0 : i32
    %while3A_5 = arith.constant 0 : i32
    %while3A_6 = arith.subi %add3A_4, %while3A_5 : i32
    %while3A_7 = arith.addi %while3A_5, %while3A_6 : i32
    %while3A_8 = arith.constant 1 : i32
    %while3A_9 = arith.divsi %while3A_6, %while3A_8 : i32
    %while3A_10 = arith.muli %while3A_9, %while3A_8 : i32
    %while3A_11 = arith.addi %while3A_5, %while3A_10 : i32
    %while3A_12 = arith.constant 1 : i32
    scf.for %while3A_20 = %while3A_5 to %while3A_11 step %while3A_12  : i32 {
      %mul3A = arith.constant 16 : i32
      %mul3A_21 = arith.muli %while3A_20, %mul3A : i32
      %add3A_22 = arith.addi %arg1, %mul3A_21 : i32
      %mul3A_23 = arith.constant 800 : i32
      %mul3A_24 = arith.muli %add3A_22, %mul3A_23 : i32
      "tpu.region"() ({
        %run_scoped3A = tpu.sem_alloc : memref<!tpu.dma_semaphore, #tpu.memory_space<semaphore_mem>>
        %dma_start3A = tpu.memref_slice %arg3[%mul3A_24] : memref<320000xi32, #tpu.memory_space<hbm>> -> memref<800xi32, #tpu.memory_space<hbm>>
        %dma_start3A_27 = tpu.memref_slice %arg3[%mul3A_24] : memref<320000xi32, #tpu.memory_space<hbm>> -> memref<800xi32, #tpu.memory_space<hbm>>
        tpu.enqueue_dma source(%dma_start3A_27 : memref<800xi32, #tpu.memory_space<hbm>>) target(%arg6 : memref<800xi32, #tpu.memory_space<vmem>>) target_semaphore(%run_scoped3A : memref<!tpu.dma_semaphore, #tpu.memory_space<semaphore_mem>>)
        %dma_wait3A = tpu.memref_slice %arg3[%mul3A_24] : memref<320000xi32, #tpu.memory_space<hbm>> -> memref<800xi32, #tpu.memory_space<hbm>>
        %dma_wait3A_28 = tpu.memref_slice %arg3[%mul3A_24] : memref<320000xi32, #tpu.memory_space<hbm>> -> memref<800xi32, #tpu.memory_space<hbm>>
        tpu.wait_dma2 semaphore(%run_scoped3A : memref<!tpu.dma_semaphore, #tpu.memory_space<semaphore_mem>>) src(%dma_wait3A_28 : memref<800xi32, #tpu.memory_space<hbm>>) dst(%arg6 : memref<800xi32, #tpu.memory_space<vmem>>)
        tpu.yield
      }) : () -> ()
      %mul3A_25 = arith.constant 72 : i32
      %mul3A_26 = arith.muli %arg0, %mul3A_25 : i32
      "tpu.region"() ({
        %run_scoped3A = tpu.sem_alloc : memref<!tpu.dma_semaphore, #tpu.memory_space<semaphore_mem>>
        %dma_start3A = tpu.memref_slice %arg2[%mul3A_24, %mul3A_26] : memref<320000x144xf32, #tpu.memory_space<hbm>> -> memref<800x72xf32, #tpu.memory_space<hbm>>
        %dma_start3A_27 = tpu.memref_slice %arg2[%mul3A_24, %mul3A_26] : memref<320000x144xf32, #tpu.memory_space<hbm>> -> memref<800x72xf32, #tpu.memory_space<hbm>>
        tpu.enqueue_dma source(%dma_start3A_27 : memref<800x72xf32, #tpu.memory_space<hbm>>) target(%arg7 : memref<800x72xf32, #tpu.memory_space<vmem>>) target_semaphore(%run_scoped3A : memref<!tpu.dma_semaphore, #tpu.memory_space<semaphore_mem>>)
        %dma_wait3A = tpu.memref_slice %arg2[%mul3A_24, %mul3A_26] : memref<320000x144xf32, #tpu.memory_space<hbm>> -> memref<800x72xf32, #tpu.memory_space<hbm>>
        %dma_wait3A_28 = tpu.memref_slice %arg2[%mul3A_24, %mul3A_26] : memref<320000x144xf32, #tpu.memory_space<hbm>> -> memref<800x72xf32, #tpu.memory_space<hbm>>
        tpu.wait_dma2 semaphore(%run_scoped3A : memref<!tpu.dma_semaphore, #tpu.memory_space<semaphore_mem>>) src(%dma_wait3A_28 : memref<800x72xf32, #tpu.memory_space<hbm>>) dst(%arg7 : memref<800x72xf32, #tpu.memory_space<vmem>>)
        tpu.yield
      }) : () -> ()
      "tpu.region"() ({
        %run_scoped3A = tpu.sem_alloc : memref<!tpu.dma_semaphore, #tpu.memory_space<semaphore_mem>>
        %dma_start3A = arith.constant 0 : i32
        %dma_start3A_27 = arith.constant 0 : i32
        %dma_start3A_28 = tpu.memref_slice %arg8[%dma_start3A, %dma_start3A_27] : memref<10000x72xf32, #tpu.memory_space<vmem_shared>> -> memref<10000x72xf32, #tpu.memory_space<vmem_shared>>
        tpu.enqueue_indirect_dma source(%arg7 : memref<800x72xf32, #tpu.memory_space<vmem>>) target(%dma_start3A_28 : memref<10000x72xf32, #tpu.memory_space<vmem_shared>>) offsets(%arg6 : memref<800xi32, #tpu.memory_space<vmem>>) semaphore(%run_scoped3A : memref<!tpu.dma_semaphore, #tpu.memory_space<semaphore_mem>>) {add = true}
        %dma_wait3A = arith.constant 0 : i32
        %dma_wait3A_29 = arith.constant 0 : i32
        %dma_wait3A_30 = tpu.memref_slice %arg8[%dma_wait3A, %dma_wait3A_29] : memref<10000x72xf32, #tpu.memory_space<vmem_shared>> -> memref<10000x72xf32, #tpu.memory_space<vmem_shared>>
        tpu.wait_indirect_dma semaphore(%run_scoped3A : memref<!tpu.dma_semaphore, #tpu.memory_space<semaphore_mem>>) src(%arg7 : memref<800x72xf32, #tpu.memory_space<vmem>>) dst(%dma_wait3A_30 : memref<10000x72xf32, #tpu.memory_space<vmem_shared>>)
        tpu.yield
      }) : () -> ()
    }
    %while3A_13 = arith.constant 1 : i32
    scf.for %while3A_20 = %while3A_11 to %while3A_7 step %while3A_13  : i32 {
      %mul3A = arith.constant 16 : i32
      %mul3A_21 = arith.muli %while3A_20, %mul3A : i32
      %add3A_22 = arith.addi %arg1, %mul3A_21 : i32
      %mul3A_23 = arith.constant 800 : i32
      %mul3A_24 = arith.muli %add3A_22, %mul3A_23 : i32
      "tpu.region"() ({
        %run_scoped3A = tpu.sem_alloc : memref<!tpu.dma_semaphore, #tpu.memory_space<semaphore_mem>>
        %dma_start3A = tpu.memref_slice %arg3[%mul3A_24] : memref<320000xi32, #tpu.memory_space<hbm>> -> memref<800xi32, #tpu.memory_space<hbm>>
        %dma_start3A_27 = tpu.memref_slice %arg3[%mul3A_24] : memref<320000xi32, #tpu.memory_space<hbm>> -> memref<800xi32, #tpu.memory_space<hbm>>
        tpu.enqueue_dma source(%dma_start3A_27 : memref<800xi32, #tpu.memory_space<hbm>>) target(%arg6 : memref<800xi32, #tpu.memory_space<vmem>>) target_semaphore(%run_scoped3A : memref<!tpu.dma_semaphore, #tpu.memory_space<semaphore_mem>>)
        %dma_wait3A = tpu.memref_slice %arg3[%mul3A_24] : memref<320000xi32, #tpu.memory_space<hbm>> -> memref<800xi32, #tpu.memory_space<hbm>>
        %dma_wait3A_28 = tpu.memref_slice %arg3[%mul3A_24] : memref<320000xi32, #tpu.memory_space<hbm>> -> memref<800xi32, #tpu.memory_space<hbm>>
        tpu.wait_dma2 semaphore(%run_scoped3A : memref<!tpu.dma_semaphore, #tpu.memory_space<semaphore_mem>>) src(%dma_wait3A_28 : memref<800xi32, #tpu.memory_space<hbm>>) dst(%arg6 : memref<800xi32, #tpu.memory_space<vmem>>)
        tpu.yield
      }) : () -> ()
      %mul3A_25 = arith.constant 72 : i32
      %mul3A_26 = arith.muli %arg0, %mul3A_25 : i32
      "tpu.region"() ({
        %run_scoped3A = tpu.sem_alloc : memref<!tpu.dma_semaphore, #tpu.memory_space<semaphore_mem>>
        %dma_start3A = tpu.memref_slice %arg2[%mul3A_24, %mul3A_26] : memref<320000x144xf32, #tpu.memory_space<hbm>> -> memref<800x72xf32, #tpu.memory_space<hbm>>
        %dma_start3A_27 = tpu.memref_slice %arg2[%mul3A_24, %mul3A_26] : memref<320000x144xf32, #tpu.memory_space<hbm>> -> memref<800x72xf32, #tpu.memory_space<hbm>>
        tpu.enqueue_dma source(%dma_start3A_27 : memref<800x72xf32, #tpu.memory_space<hbm>>) target(%arg7 : memref<800x72xf32, #tpu.memory_space<vmem>>) target_semaphore(%run_scoped3A : memref<!tpu.dma_semaphore, #tpu.memory_space<semaphore_mem>>)
        %dma_wait3A = tpu.memref_slice %arg2[%mul3A_24, %mul3A_26] : memref<320000x144xf32, #tpu.memory_space<hbm>> -> memref<800x72xf32, #tpu.memory_space<hbm>>
        %dma_wait3A_28 = tpu.memref_slice %arg2[%mul3A_24, %mul3A_26] : memref<320000x144xf32, #tpu.memory_space<hbm>> -> memref<800x72xf32, #tpu.memory_space<hbm>>
        tpu.wait_dma2 semaphore(%run_scoped3A : memref<!tpu.dma_semaphore, #tpu.memory_space<semaphore_mem>>) src(%dma_wait3A_28 : memref<800x72xf32, #tpu.memory_space<hbm>>) dst(%arg7 : memref<800x72xf32, #tpu.memory_space<vmem>>)
        tpu.yield
      }) : () -> ()
      "tpu.region"() ({
        %run_scoped3A = tpu.sem_alloc : memref<!tpu.dma_semaphore, #tpu.memory_space<semaphore_mem>>
        %dma_start3A = arith.constant 0 : i32
        %dma_start3A_27 = arith.constant 0 : i32
        %dma_start3A_28 = tpu.memref_slice %arg8[%dma_start3A, %dma_start3A_27] : memref<10000x72xf32, #tpu.memory_space<vmem_shared>> -> memref<10000x72xf32, #tpu.memory_space<vmem_shared>>
        tpu.enqueue_indirect_dma source(%arg7 : memref<800x72xf32, #tpu.memory_space<vmem>>) target(%dma_start3A_28 : memref<10000x72xf32, #tpu.memory_space<vmem_shared>>) offsets(%arg6 : memref<800xi32, #tpu.memory_space<vmem>>) semaphore(%run_scoped3A : memref<!tpu.dma_semaphore, #tpu.memory_space<semaphore_mem>>) {add = true}
        %dma_wait3A = arith.constant 0 : i32
        %dma_wait3A_29 = arith.constant 0 : i32
        %dma_wait3A_30 = tpu.memref_slice %arg8[%dma_wait3A, %dma_wait3A_29] : memref<10000x72xf32, #tpu.memory_space<vmem_shared>> -> memref<10000x72xf32, #tpu.memory_space<vmem_shared>>
        tpu.wait_indirect_dma semaphore(%run_scoped3A : memref<!tpu.dma_semaphore, #tpu.memory_space<semaphore_mem>>) src(%arg7 : memref<800x72xf32, #tpu.memory_space<vmem>>) dst(%dma_wait3A_30 : memref<10000x72xf32, #tpu.memory_space<vmem_shared>>)
        tpu.yield
      }) : () -> ()
    }
    %barrier3A_14 = arith.constant 0 : index
    tpu.barrier barrier_id(%barrier3A_14)
    %eq3A_15 = arith.constant 0 : i32
    %eq3A_16 = arith.cmpi eq, %arg1, %eq3A_15 : i32
    %convert_element_type3A_17 = arith.extui %eq3A_16 : i1 to i32
    %cond3A_18 = arith.constant 0 : i32
    %cond3A_19 = arith.cmpi ne, %convert_element_type3A_17, %cond3A_18 : i32
    scf.if %cond3A_19 {
      %mul3A = arith.constant 72 : i32
      %mul3A_20 = arith.muli %arg0, %mul3A : i32
      %run_scoped3A = arith.constant 0 : i32
      "tpu.region"() ({
        %run_scoped3A_21 = tpu.sem_alloc : memref<!tpu.dma_semaphore, #tpu.memory_space<semaphore_mem>>
        %dma_start3A = arith.constant 0 : i32
        %dma_start3A_22 = tpu.memref_slice %arg5[%run_scoped3A, %dma_start3A, %mul3A_20] : memref<1x10000x144xf32, #tpu.memory_space<hbm>> -> memref<1x10000x72xf32, #tpu.memory_space<hbm>>
        %dma_start3A_23 = tpu.memref_squeeze %dma_start3A_22 : memref<1x10000x72xf32, #tpu.memory_space<hbm>> -> memref<10000x72xf32, #tpu.memory_space<hbm>>
        tpu.enqueue_dma source(%arg8 : memref<10000x72xf32, #tpu.memory_space<vmem_shared>>) target(%dma_start3A_23 : memref<10000x72xf32, #tpu.memory_space<hbm>>) target_semaphore(%run_scoped3A_21 : memref<!tpu.dma_semaphore, #tpu.memory_space<semaphore_mem>>)
        %dma_wait3A = arith.constant 0 : i32
        %dma_wait3A_24 = tpu.memref_slice %arg5[%run_scoped3A, %dma_wait3A, %mul3A_20] : memref<1x10000x144xf32, #tpu.memory_space<hbm>> -> memref<1x10000x72xf32, #tpu.memory_space<hbm>>
        %dma_wait3A_25 = tpu.memref_squeeze %dma_wait3A_24 : memref<1x10000x72xf32, #tpu.memory_space<hbm>> -> memref<10000x72xf32, #tpu.memory_space<hbm>>
        tpu.wait_dma2 semaphore(%run_scoped3A_21 : memref<!tpu.dma_semaphore, #tpu.memory_space<semaphore_mem>>) src(%arg8 : memref<10000x72xf32, #tpu.memory_space<vmem_shared>>) dst(%dma_wait3A_25 : memref<10000x72xf32, #tpu.memory_space<hbm>>)
        tpu.yield
      }) : () -> ()
    } else {
    }
    return
  }
}

module attributes {stable_mosaic.version = 14 : i64} {
  func.func @_k2_body(%arg0: i32, %arg1: memref<1x1000x144xf32, #tpu.memory_space<vmem>>, %arg2: memref<128x128xf32, #tpu.memory_space<vmem>>, %arg3: memref<1x128xf32, #tpu.memory_space<vmem>>, %arg4: memref<128x128xf32, #tpu.memory_space<vmem>>, %arg5: memref<128x128xf32, #tpu.memory_space<vmem>>, %arg6: memref<1x128xf32, #tpu.memory_space<vmem>>, %arg7: memref<1000x128xf32, #tpu.memory_space<vmem>>, %arg8: memref<1000x16xf32, #tpu.memory_space<vmem>>, %arg9: memref<1000x128xf32, #tpu.memory_space<vmem>>, %arg10: memref<1000x144xf32, #tpu.memory_space<vmem>>, %arg11: memref<1000x144xf32, #tpu.memory_space<vmem>>) attributes {dimension_semantics = [#tpu.dimension_semantics<arbitrary>], iteration_bounds = array<i64: 10>, scalar_prefetch = 0 : i64, scratch_operands = 0 : i64, tpu.core_type = #tpu.core_type<tc>, window_params = [{transform_indices = @transform_0, window_bounds = array<i64: 1, 1000, 144>}, {pipeline_mode = #tpu.pipeline_mode<synchronous>, transform_indices = @transform_1, window_bounds = array<i64: 128, 128>}, {pipeline_mode = #tpu.pipeline_mode<synchronous>, transform_indices = @transform_2, window_bounds = array<i64: 1, 128>}, {pipeline_mode = #tpu.pipeline_mode<synchronous>, transform_indices = @transform_3, window_bounds = array<i64: 128, 128>}, {pipeline_mode = #tpu.pipeline_mode<synchronous>, transform_indices = @transform_4, window_bounds = array<i64: 128, 128>}, {pipeline_mode = #tpu.pipeline_mode<synchronous>, transform_indices = @transform_5, window_bounds = array<i64: 1, 128>}, {transform_indices = @transform_6, window_bounds = array<i64: 1000, 128>}, {transform_indices = @transform_7, window_bounds = array<i64: 1000, 16>}, {transform_indices = @transform_8, window_bounds = array<i64: 1000, 128>}, {transform_indices = @transform_9, window_bounds = array<i64: 1000, 144>}, {transform_indices = @transform_10, window_bounds = array<i64: 1000, 144>}]} {
    %get3A = arith.constant 0 : index
    %get3A_0 = arith.constant 0 : index
    %get3A_1 = arith.constant 0 : index
    %get3A_2 = vector.load %arg1[%get3A, %get3A_0, %get3A_1] : memref<1x1000x144xf32, #tpu.memory_space<vmem>>, vector<1x1000x144xf32>
    %reduce_sum3A = arith.constant dense<0.000000e+00> : vector<1000x144xf32>
    %reduce_sum3A_3 = vector.multi_reduction <add>, %get3A_2, %reduce_sum3A [0] : vector<1x1000x144xf32> to vector<1000x144xf32>
    %slice3A = vector.extract_strided_slice %reduce_sum3A_3 {offsets = [0, 131], sizes = [1000, 1], strides = [1, 1]} : vector<1000x144xf32> to vector<1000x1xf32>
    %max3A = arith.constant 1.000000e+00 : f32
    %max3A_4 = vector.broadcast %max3A : f32 to vector<1000x1xf32>
    %max3A_5 = arith.maximumf %slice3A, %max3A_4 : vector<1000x1xf32>
    %slice3A_6 = vector.extract_strided_slice %reduce_sum3A_3 {offsets = [0, 0], sizes = [1000, 128], strides = [1, 1]} : vector<1000x144xf32> to vector<1000x128xf32>
    %div3A = vector.broadcast %max3A_5 : vector<1000x1xf32> to vector<1000x128xf32>
    %div3A_7 = arith.divf %slice3A_6, %div3A : vector<1000x128xf32>
    %slice3A_8 = vector.extract_strided_slice %reduce_sum3A_3 {offsets = [0, 128], sizes = [1000, 16], strides = [1, 1]} : vector<1000x144xf32> to vector<1000x16xf32>
    %div3A_9 = vector.broadcast %max3A_5 : vector<1000x1xf32> to vector<1000x16xf32>
    %div3A_10 = arith.divf %slice3A_8, %div3A_9 : vector<1000x16xf32>
    %iota3A = tpu.iota {dimensions = array<i32: 1>} : vector<1x16xi32>
    %lt3A = arith.constant 3 : i32
    %lt3A_11 = vector.broadcast %lt3A : i32 to vector<1x16xi32>
    %lt3A_12 = arith.cmpi slt, %iota3A, %lt3A_11 : vector<1x16xi32>
    %convert_element_type3A = arith.extui %lt3A_12 : vector<1x16xi1> to vector<1x16xi32>
    %convert_element_type3A_13 = arith.sitofp %convert_element_type3A : vector<1x16xi32> to vector<1x16xf32>
    %mul3A = vector.broadcast %convert_element_type3A_13 : vector<1x16xf32> to vector<1000x16xf32>
    %mul3A_14 = arith.mulf %div3A_10, %mul3A : vector<1000x16xf32>
    %swap3A = arith.constant 0 : index
    %swap3A_15 = arith.constant 0 : index
    %swap3A_16 = vector.load %arg7[%swap3A, %swap3A_15] : memref<1000x128xf32, #tpu.memory_space<vmem>>, vector<1000x128xf32>
    tpu.vector_store %arg7[%swap3A, %swap3A_15], %div3A_7 {strides = array<i32>} : memref<1000x128xf32, #tpu.memory_space<vmem>>, vector<1000x128xf32>,
    %swap3A_17 = arith.constant 0 : index
    %swap3A_18 = arith.constant 0 : index
    %swap3A_19 = vector.load %arg8[%swap3A_17, %swap3A_18] : memref<1000x16xf32, #tpu.memory_space<vmem>>, vector<1000x16xf32>
    tpu.vector_store %arg8[%swap3A_17, %swap3A_18], %mul3A_14 {strides = array<i32>} : memref<1000x16xf32, #tpu.memory_space<vmem>>, vector<1000x16xf32>,
    %get3A_20 = arith.constant 0 : index
    %get3A_21 = arith.constant 0 : index
    %get3A_22 = vector.load %arg2[%get3A_20, %get3A_21] : memref<128x128xf32, #tpu.memory_space<vmem>>, vector<128x128xf32>
    %dot_general3A = arith.constant dense<0.000000e+00> : vector<1000x128xf32>
    %dot_general3A_23 = tpu.matmul %div3A_7, %get3A_22, %dot_general3A {dimension_numbers = #tpu.dot_dimension_numbers<[1], [0], [0], [1], [0, 0, 1, 1], [], []>, transpose_lhs_hint = false} : vector<1000x128xf32>, vector<128x128xf32>, vector<1000x128xf32> -> vector<1000x128xf32>
    %get3A_24 = arith.constant 0 : index
    %get3A_25 = arith.constant 0 : index
    %get3A_26 = vector.load %arg3[%get3A_24, %get3A_25] : memref<1x128xf32, #tpu.memory_space<vmem>>, vector<1x128xf32>
    %add3A = vector.broadcast %get3A_26 : vector<1x128xf32> to vector<1000x128xf32>
    %add3A_27 = arith.addf %dot_general3A_23, %add3A : vector<1000x128xf32>
    %swap3A_28 = arith.constant 0 : index
    %swap3A_29 = arith.constant 0 : index
    %swap3A_30 = vector.load %arg9[%swap3A_28, %swap3A_29] : memref<1000x128xf32, #tpu.memory_space<vmem>>, vector<1000x128xf32>
    tpu.vector_store %arg9[%swap3A_28, %swap3A_29], %add3A_27 {strides = array<i32>} : memref<1000x128xf32, #tpu.memory_space<vmem>>, vector<1000x128xf32>,
    %get3A_31 = arith.constant 0 : index
    %get3A_32 = arith.constant 0 : index
    %get3A_33 = vector.load %arg4[%get3A_31, %get3A_32] : memref<128x128xf32, #tpu.memory_space<vmem>>, vector<128x128xf32>
    %dot_general3A_34 = arith.constant dense<0.000000e+00> : vector<1000x128xf32>
    %dot_general3A_35 = tpu.matmul %add3A_27, %get3A_33, %dot_general3A_34 {dimension_numbers = #tpu.dot_dimension_numbers<[1], [0], [0], [1], [0, 0, 1, 1], [], []>, transpose_lhs_hint = false} : vector<1000x128xf32>, vector<128x128xf32>, vector<1000x128xf32> -> vector<1000x128xf32>
    %get3A_36 = arith.constant 0 : index
    %get3A_37 = arith.constant 0 : index
    %get3A_38 = vector.load %arg6[%get3A_36, %get3A_37] : memref<1x128xf32, #tpu.memory_space<vmem>>, vector<1x128xf32>
    %add3A_39 = vector.broadcast %get3A_38 : vector<1x128xf32> to vector<1000x128xf32>
    %add3A_40 = arith.addf %dot_general3A_35, %add3A_39 : vector<1000x128xf32>
    %get3A_41 = arith.constant 0 : index
    %get3A_42 = arith.constant 0 : index
    %get3A_43 = vector.load %arg5[%get3A_41, %get3A_42] : memref<128x128xf32, #tpu.memory_space<vmem>>, vector<128x128xf32>
    %dot_general3A_44 = arith.constant dense<0.000000e+00> : vector<1000x128xf32>
    %dot_general3A_45 = tpu.matmul %add3A_27, %get3A_43, %dot_general3A_44 {dimension_numbers = #tpu.dot_dimension_numbers<[1], [0], [0], [1], [0, 0, 1, 1], [], []>, transpose_lhs_hint = false} : vector<1000x128xf32>, vector<128x128xf32>, vector<1000x128xf32> -> vector<1000x128xf32>
    %concatenate3A = tpu.concatenate %add3A_40, %mul3A_14 in 1 : vector<1000x128xf32>, vector<1000x16xf32> -> vector<1000x144xf32>
    %swap3A_46 = arith.constant 0 : index
    %swap3A_47 = arith.constant 0 : index
    %swap3A_48 = vector.load %arg10[%swap3A_46, %swap3A_47] : memref<1000x144xf32, #tpu.memory_space<vmem>>, vector<1000x144xf32>
    tpu.vector_store %arg10[%swap3A_46, %swap3A_47], %concatenate3A {strides = array<i32>} : memref<1000x144xf32, #tpu.memory_space<vmem>>, vector<1000x144xf32>,
    %concatenate3A_49 = tpu.concatenate %dot_general3A_45, %mul3A_14 in 1 : vector<1000x128xf32>, vector<1000x16xf32> -> vector<1000x144xf32>
    %swap3A_50 = arith.constant 0 : index
    %swap3A_51 = arith.constant 0 : index
    %swap3A_52 = vector.load %arg11[%swap3A_50, %swap3A_51] : memref<1000x144xf32, #tpu.memory_space<vmem>>, vector<1000x144xf32>
    tpu.vector_store %arg11[%swap3A_50, %swap3A_51], %concatenate3A_49 {strides = array<i32>} : memref<1000x144xf32, #tpu.memory_space<vmem>>, vector<1000x144xf32>,
    return
  }
  func.func @transform_0(%arg0: i32) -> (i32, i32, i32) {
    %c0_i32 = arith.constant 0 : i32
    %c0_i32_0 = arith.constant 0 : i32
    %c0_i32_1 = arith.constant 0 : i32
    return %c0_i32, %arg0, %c0_i32_0 : i32, i32, i32
  }
  func.func @transform_1(%arg0: i32) -> (i32, i32) {
    %c0_i32 = arith.constant 0 : i32
    %c0_i32_0 = arith.constant 0 : i32
    %c0_i32_1 = arith.constant 0 : i32
    return %c0_i32, %c0_i32_0 : i32, i32
  }
  func.func @transform_2(%arg0: i32) -> (i32, i32) {
    %c0_i32 = arith.constant 0 : i32
    %c0_i32_0 = arith.constant 0 : i32
    %c0_i32_1 = arith.constant 0 : i32
    return %c0_i32, %c0_i32_0 : i32, i32
  }
  func.func @transform_3(%arg0: i32) -> (i32, i32) {
    %c0_i32 = arith.constant 0 : i32
    %c0_i32_0 = arith.constant 0 : i32
    %c0_i32_1 = arith.constant 0 : i32
    return %c0_i32, %c0_i32_0 : i32, i32
  }
  func.func @transform_4(%arg0: i32) -> (i32, i32) {
    %c0_i32 = arith.constant 0 : i32
    %c0_i32_0 = arith.constant 0 : i32
    %c0_i32_1 = arith.constant 0 : i32
    return %c0_i32, %c0_i32_0 : i32, i32
  }
  func.func @transform_5(%arg0: i32) -> (i32, i32) {
    %c0_i32 = arith.constant 0 : i32
    %c0_i32_0 = arith.constant 0 : i32
    %c0_i32_1 = arith.constant 0 : i32
    return %c0_i32, %c0_i32_0 : i32, i32
  }
  func.func @transform_6(%arg0: i32) -> (i32, i32) {
    %c0_i32 = arith.constant 0 : i32
    %c0_i32_0 = arith.constant 0 : i32
    return %arg0, %c0_i32 : i32, i32
  }
  func.func @transform_7(%arg0: i32) -> (i32, i32) {
    %c0_i32 = arith.constant 0 : i32
    %c0_i32_0 = arith.constant 0 : i32
    return %arg0, %c0_i32 : i32, i32
  }
  func.func @transform_8(%arg0: i32) -> (i32, i32) {
    %c0_i32 = arith.constant 0 : i32
    %c0_i32_0 = arith.constant 0 : i32
    return %arg0, %c0_i32 : i32, i32
  }
  func.func @transform_9(%arg0: i32) -> (i32, i32) {
    %c0_i32 = arith.constant 0 : i32
    %c0_i32_0 = arith.constant 0 : i32
    return %arg0, %c0_i32 : i32, i32
  }
  func.func @transform_10(%arg0: i32) -> (i32, i32) {
    %c0_i32 = arith.constant 0 : i32
    %c0_i32_0 = arith.constant 0 : i32
    return %arg0, %c0_i32 : i32, i32
  }
}

module attributes {stable_mosaic.version = 14 : i64} {
  func.func @_k4_body(%arg0: i32, %arg1: memref<4000x144xf32, #tpu.memory_space<vmem>>, %arg2: memref<4000x144xf32, #tpu.memory_space<vmem>>, %arg3: memref<4000x16xf32, #tpu.memory_space<vmem>>, %arg4: memref<16x128xf32, #tpu.memory_space<vmem>>, %arg5: memref<1x128xf32, #tpu.memory_space<vmem>>, %arg6: memref<128x128xbf16, #tpu.memory_space<vmem>>, %arg7: memref<1x128xf32, #tpu.memory_space<vmem>>, %arg8: memref<128x128xbf16, #tpu.memory_space<vmem>>, %arg9: memref<1x128xf32, #tpu.memory_space<vmem>>, %arg10: memref<128x1xf32, #tpu.memory_space<vmem>>, %arg11: memref<4000x144xf32, #tpu.memory_space<vmem>>) attributes {dimension_semantics = [#tpu.dimension_semantics<arbitrary>], iteration_bounds = array<i64: 80>, scalar_prefetch = 0 : i64, scratch_operands = 0 : i64, tpu.core_type = #tpu.core_type<tc>, window_params = [{transform_indices = @transform_0, window_bounds = array<i64: 4000, 144>}, {transform_indices = @transform_1, window_bounds = array<i64: 4000, 144>}, {transform_indices = @transform_2, window_bounds = array<i64: 4000, 16>}, {pipeline_mode = #tpu.pipeline_mode<synchronous>, transform_indices = @transform_3, window_bounds = array<i64: 16, 128>}, {pipeline_mode = #tpu.pipeline_mode<synchronous>, transform_indices = @transform_4, window_bounds = array<i64: 1, 128>}, {pipeline_mode = #tpu.pipeline_mode<synchronous>, transform_indices = @transform_5, window_bounds = array<i64: 128, 128>}, {pipeline_mode = #tpu.pipeline_mode<synchronous>, transform_indices = @transform_6, window_bounds = array<i64: 1, 128>}, {pipeline_mode = #tpu.pipeline_mode<synchronous>, transform_indices = @transform_7, window_bounds = array<i64: 128, 128>}, {pipeline_mode = #tpu.pipeline_mode<synchronous>, transform_indices = @transform_8, window_bounds = array<i64: 1, 128>}, {pipeline_mode = #tpu.pipeline_mode<synchronous>, transform_indices = @transform_9, window_bounds = array<i64: 128, 1>}, {transform_indices = @transform_10, window_bounds = array<i64: 4000, 144>}]} {
    %get3A = arith.constant 0 : index
    %get3A_0 = arith.constant 0 : index
    %get3A_1 = vector.load %arg1[%get3A, %get3A_0] : memref<4000x144xf32, #tpu.memory_space<vmem>>, vector<4000x144xf32>
    %get3A_2 = arith.constant 0 : index
    %get3A_3 = arith.constant 0 : index
    %get3A_4 = vector.load %arg2[%get3A_2, %get3A_3] : memref<4000x144xf32, #tpu.memory_space<vmem>>, vector<4000x144xf32>
    %slice3A = vector.extract_strided_slice %get3A_1 {offsets = [0, 0], sizes = [4000, 128], strides = [1, 1]} : vector<4000x144xf32> to vector<4000x128xf32>
    %slice3A_5 = vector.extract_strided_slice %get3A_4 {offsets = [0, 0], sizes = [4000, 128], strides = [1, 1]} : vector<4000x144xf32> to vector<4000x128xf32>
    %add3A = arith.addf %slice3A, %slice3A_5 : vector<4000x128xf32>
    %slice3A_6 = vector.extract_strided_slice %get3A_1 {offsets = [0, 128], sizes = [4000, 16], strides = [1, 1]} : vector<4000x144xf32> to vector<4000x16xf32>
    %slice3A_7 = vector.extract_strided_slice %get3A_4 {offsets = [0, 128], sizes = [4000, 16], strides = [1, 1]} : vector<4000x144xf32> to vector<4000x16xf32>
    %sub3A = arith.subf %slice3A_6, %slice3A_7 : vector<4000x16xf32>
    %mul3A = arith.mulf %sub3A, %sub3A : vector<4000x16xf32>
    %reduce_sum3A = arith.constant dense<0.000000e+00> : vector<4000xf32>
    %reduce_sum3A_8 = vector.multi_reduction <add>, %mul3A, %reduce_sum3A [1] : vector<4000x16xf32> to vector<4000xf32>
    %broadcast_in_dim3A = vector.shape_cast %reduce_sum3A_8 : vector<4000xf32> to vector<4000x1xf32>
    %get3A_9 = arith.constant 0 : index
    %get3A_10 = arith.constant 0 : index
    %get3A_11 = vector.load %arg5[%get3A_9, %get3A_10] : memref<1x128xf32, #tpu.memory_space<vmem>>, vector<1x128xf32>
    %mul3A_12 = vector.broadcast %broadcast_in_dim3A : vector<4000x1xf32> to vector<4000x128xf32>
    %mul3A_13 = vector.broadcast %get3A_11 : vector<1x128xf32> to vector<4000x128xf32>
    %mul3A_14 = arith.mulf %mul3A_12, %mul3A_13 : vector<4000x128xf32>
    %add3A_15 = arith.addf %add3A, %mul3A_14 : vector<4000x128xf32>
    %get3A_16 = arith.constant 0 : index
    %get3A_17 = arith.constant 0 : index
    %get3A_18 = vector.load %arg3[%get3A_16, %get3A_17] : memref<4000x16xf32, #tpu.memory_space<vmem>>, vector<4000x16xf32>
    %get3A_19 = arith.constant 0 : index
    %get3A_20 = arith.constant 0 : index
    %get3A_21 = vector.load %arg4[%get3A_19, %get3A_20] : memref<16x128xf32, #tpu.memory_space<vmem>>, vector<16x128xf32>
    %dot_general3A = arith.constant dense<0.000000e+00> : vector<4000x128xf32>
    %dot_general3A_22 = tpu.matmul %get3A_18, %get3A_21, %dot_general3A {dimension_numbers = #tpu.dot_dimension_numbers<[1], [0], [0], [1], [0, 0, 1, 1], [], []>, transpose_lhs_hint = false} : vector<4000x16xf32>, vector<16x128xf32>, vector<4000x128xf32> -> vector<4000x128xf32>
    %add3A_23 = arith.addf %add3A_15, %dot_general3A_22 : vector<4000x128xf32>
    %logistic3A = arith.negf %add3A_23 : vector<4000x128xf32>
    %logistic3A_24 = math.exp %logistic3A : vector<4000x128xf32>
    %logistic3A_25 = arith.constant 1.000000e+00 : f32
    %logistic3A_26 = vector.broadcast %logistic3A_25 : f32 to vector<4000x128xf32>
    %logistic3A_27 = arith.addf %logistic3A_26, %logistic3A_24 : vector<4000x128xf32>
    %logistic3A_28 = arith.divf %logistic3A_26, %logistic3A_27 : vector<4000x128xf32>
    %mul3A_29 = arith.mulf %add3A_23, %logistic3A_28 : vector<4000x128xf32>
    %convert_element_type3A = arith.truncf %mul3A_29 : vector<4000x128xf32> to vector<4000x128xbf16>
    %get3A_30 = arith.constant 0 : index
    %get3A_31 = arith.constant 0 : index
    %get3A_32 = vector.load %arg6[%get3A_30, %get3A_31] : memref<128x128xbf16, #tpu.memory_space<vmem>>, vector<128x128xbf16>
    %dot_general3A_33 = arith.constant dense<0.000000e+00> : vector<4000x128xf32>
    %dot_general3A_34 = tpu.matmul %convert_element_type3A, %get3A_32, %dot_general3A_33 {dimension_numbers = #tpu.dot_dimension_numbers<[1], [0], [0], [1], [0, 0, 1, 1], [], []>, transpose_lhs_hint = false} : vector<4000x128xbf16>, vector<128x128xbf16>, vector<4000x128xf32> -> vector<4000x128xf32>
    %get3A_35 = arith.constant 0 : index
    %get3A_36 = arith.constant 0 : index
    %get3A_37 = vector.load %arg7[%get3A_35, %get3A_36] : memref<1x128xf32, #tpu.memory_space<vmem>>, vector<1x128xf32>
    %add3A_38 = vector.broadcast %get3A_37 : vector<1x128xf32> to vector<4000x128xf32>
    %add3A_39 = arith.addf %dot_general3A_34, %add3A_38 : vector<4000x128xf32>
    %logistic3A_40 = arith.negf %add3A_39 : vector<4000x128xf32>
    %logistic3A_41 = math.exp %logistic3A_40 : vector<4000x128xf32>
    %logistic3A_42 = arith.constant 1.000000e+00 : f32
    %logistic3A_43 = vector.broadcast %logistic3A_42 : f32 to vector<4000x128xf32>
    %logistic3A_44 = arith.addf %logistic3A_43, %logistic3A_41 : vector<4000x128xf32>
    %logistic3A_45 = arith.divf %logistic3A_43, %logistic3A_44 : vector<4000x128xf32>
    %mul3A_46 = arith.mulf %add3A_39, %logistic3A_45 : vector<4000x128xf32>
    %convert_element_type3A_47 = arith.truncf %mul3A_46 : vector<4000x128xf32> to vector<4000x128xbf16>
    %get3A_48 = arith.constant 0 : index
    %get3A_49 = arith.constant 0 : index
    %get3A_50 = vector.load %arg8[%get3A_48, %get3A_49] : memref<128x128xbf16, #tpu.memory_space<vmem>>, vector<128x128xbf16>
    %dot_general3A_51 = arith.constant dense<0.000000e+00> : vector<4000x128xf32>
    %dot_general3A_52 = tpu.matmul %convert_element_type3A_47, %get3A_50, %dot_general3A_51 {dimension_numbers = #tpu.dot_dimension_numbers<[1], [0], [0], [1], [0, 0, 1, 1], [], []>, transpose_lhs_hint = false} : vector<4000x128xbf16>, vector<128x128xbf16>, vector<4000x128xf32> -> vector<4000x128xf32>
    %get3A_53 = arith.constant 0 : index
    %get3A_54 = arith.constant 0 : index
    %get3A_55 = vector.load %arg9[%get3A_53, %get3A_54] : memref<1x128xf32, #tpu.memory_space<vmem>>, vector<1x128xf32>
    %add3A_56 = vector.broadcast %get3A_55 : vector<1x128xf32> to vector<4000x128xf32>
    %add3A_57 = arith.addf %dot_general3A_52, %add3A_56 : vector<4000x128xf32>
    %logistic3A_58 = arith.negf %add3A_57 : vector<4000x128xf32>
    %logistic3A_59 = math.exp %logistic3A_58 : vector<4000x128xf32>
    %logistic3A_60 = arith.constant 1.000000e+00 : f32
    %logistic3A_61 = vector.broadcast %logistic3A_60 : f32 to vector<4000x128xf32>
    %logistic3A_62 = arith.addf %logistic3A_61, %logistic3A_59 : vector<4000x128xf32>
    %logistic3A_63 = arith.divf %logistic3A_61, %logistic3A_62 : vector<4000x128xf32>
    %mul3A_64 = arith.mulf %add3A_57, %logistic3A_63 : vector<4000x128xf32>
    %get3A_65 = arith.constant 0 : index
    %get3A_66 = arith.constant 0 : index
    %get3A_67 = vector.load %arg10[%get3A_65, %get3A_66] : memref<128x1xf32, #tpu.memory_space<vmem>>, vector<128x1xf32>
    %dot_general3A_68 = arith.constant dense<0.000000e+00> : vector<4000x1xf32>
    %dot_general3A_69 = tpu.matmul %mul3A_64, %get3A_67, %dot_general3A_68 {dimension_numbers = #tpu.dot_dimension_numbers<[1], [0], [0], [1], [0, 0, 1, 1], [], []>, transpose_lhs_hint = false} : vector<4000x128xf32>, vector<128x1xf32>, vector<4000x1xf32> -> vector<4000x1xf32>
    %mul3A_70 = vector.broadcast %dot_general3A_69 : vector<4000x1xf32> to vector<4000x16xf32>
    %mul3A_71 = arith.mulf %sub3A, %mul3A_70 : vector<4000x16xf32>
    %iota3A = tpu.iota {dimensions = array<i32: 1>} : vector<1x16xi32>
    %eq3A = arith.constant 3 : i32
    %eq3A_72 = vector.broadcast %eq3A : i32 to vector<1x16xi32>
    %eq3A_73 = arith.cmpi eq, %iota3A, %eq3A_72 : vector<1x16xi32>
    %convert_element_type3A_74 = arith.extui %eq3A_73 : vector<1x16xi1> to vector<1x16xi32>
    %convert_element_type3A_75 = arith.sitofp %convert_element_type3A_74 : vector<1x16xi32> to vector<1x16xf32>
    %add3A_76 = vector.broadcast %convert_element_type3A_75 : vector<1x16xf32> to vector<4000x16xf32>
    %add3A_77 = arith.addf %mul3A_71, %add3A_76 : vector<4000x16xf32>
    %concatenate3A = tpu.concatenate %mul3A_46, %add3A_77 in 1 : vector<4000x128xf32>, vector<4000x16xf32> -> vector<4000x144xf32>
    %swap3A = arith.constant 0 : index
    %swap3A_78 = arith.constant 0 : index
    %swap3A_79 = vector.load %arg11[%swap3A, %swap3A_78] : memref<4000x144xf32, #tpu.memory_space<vmem>>, vector<4000x144xf32>
    tpu.vector_store %arg11[%swap3A, %swap3A_78], %concatenate3A {strides = array<i32>} : memref<4000x144xf32, #tpu.memory_space<vmem>>, vector<4000x144xf32>,
    return
  }
  func.func @transform_0(%arg0: i32) -> (i32, i32) {
    %c0_i32 = arith.constant 0 : i32
    %c0_i32_0 = arith.constant 0 : i32
    return %arg0, %c0_i32 : i32, i32
  }
  func.func @transform_1(%arg0: i32) -> (i32, i32) {
    %c0_i32 = arith.constant 0 : i32
    %c0_i32_0 = arith.constant 0 : i32
    return %arg0, %c0_i32 : i32, i32
  }
  func.func @transform_2(%arg0: i32) -> (i32, i32) {
    %c0_i32 = arith.constant 0 : i32
    %c0_i32_0 = arith.constant 0 : i32
    return %arg0, %c0_i32 : i32, i32
  }
  func.func @transform_3(%arg0: i32) -> (i32, i32) {
    %c0_i32 = arith.constant 0 : i32
    %c0_i32_0 = arith.constant 0 : i32
    %c0_i32_1 = arith.constant 0 : i32
    return %c0_i32, %c0_i32_0 : i32, i32
  }
  func.func @transform_4(%arg0: i32) -> (i32, i32) {
    %c0_i32 = arith.constant 0 : i32
    %c0_i32_0 = arith.constant 0 : i32
    %c0_i32_1 = arith.constant 0 : i32
    return %c0_i32, %c0_i32_0 : i32, i32
  }
  func.func @transform_5(%arg0: i32) -> (i32, i32) {
    %c0_i32 = arith.constant 0 : i32
    %c0_i32_0 = arith.constant 0 : i32
    %c0_i32_1 = arith.constant 0 : i32
    return %c0_i32, %c0_i32_0 : i32, i32
  }
  func.func @transform_6(%arg0: i32) -> (i32, i32) {
    %c0_i32 = arith.constant 0 : i32
    %c0_i32_0 = arith.constant 0 : i32
    %c0_i32_1 = arith.constant 0 : i32
    return %c0_i32, %c0_i32_0 : i32, i32
  }
  func.func @transform_7(%arg0: i32) -> (i32, i32) {
    %c0_i32 = arith.constant 0 : i32
    %c0_i32_0 = arith.constant 0 : i32
    %c0_i32_1 = arith.constant 0 : i32
    return %c0_i32, %c0_i32_0 : i32, i32
  }
  func.func @transform_8(%arg0: i32) -> (i32, i32) {
    %c0_i32 = arith.constant 0 : i32
    %c0_i32_0 = arith.constant 0 : i32
    %c0_i32_1 = arith.constant 0 : i32
    return %c0_i32, %c0_i32_0 : i32, i32
  }
  func.func @transform_9(%arg0: i32) -> (i32, i32) {
    %c0_i32 = arith.constant 0 : i32
    %c0_i32_0 = arith.constant 0 : i32
    %c0_i32_1 = arith.constant 0 : i32
    return %c0_i32, %c0_i32_0 : i32, i32
  }
  func.func @transform_10(%arg0: i32) -> (i32, i32) {
    %c0_i32 = arith.constant 0 : i32
    %c0_i32_0 = arith.constant 0 : i32
    return %arg0, %c0_i32 : i32, i32
  }
}

module attributes {stable_mosaic.version = 14 : i64} {
  func.func @_k6_body(%arg0: i32, %arg1: memref<1x1000x144xf32, #tpu.memory_space<vmem>>, %arg2: memref<1000x128xf32, #tpu.memory_space<vmem>>, %arg3: memref<1000x16xf32, #tpu.memory_space<vmem>>, %arg4: memref<128x128xf32, #tpu.memory_space<vmem>>, %arg5: memref<128x128xf32, #tpu.memory_space<vmem>>, %arg6: memref<1x128xf32, #tpu.memory_space<vmem>>, %arg7: memref<128x128xf32, #tpu.memory_space<vmem>>, %arg8: memref<1x128xf32, #tpu.memory_space<vmem>>, %arg9: memref<128x128xf32, #tpu.memory_space<vmem>>, %arg10: memref<128x128xf32, #tpu.memory_space<vmem>>, %arg11: memref<1x128xf32, #tpu.memory_space<vmem>>, %arg12: memref<1000x128xf32, #tpu.memory_space<vmem>>, %arg13: memref<1000x16xf32, #tpu.memory_space<vmem>>, %arg14: memref<1000x144xf32, #tpu.memory_space<vmem>>, %arg15: memref<1000x144xf32, #tpu.memory_space<vmem>>) attributes {dimension_semantics = [#tpu.dimension_semantics<arbitrary>], iteration_bounds = array<i64: 10>, scalar_prefetch = 0 : i64, scratch_operands = 0 : i64, tpu.core_type = #tpu.core_type<tc>, window_params = [{transform_indices = @transform_0, window_bounds = array<i64: 1, 1000, 144>}, {transform_indices = @transform_1, window_bounds = array<i64: 1000, 128>}, {transform_indices = @transform_2, window_bounds = array<i64: 1000, 16>}, {pipeline_mode = #tpu.pipeline_mode<synchronous>, transform_indices = @transform_3, window_bounds = array<i64: 128, 128>}, {pipeline_mode = #tpu.pipeline_mode<synchronous>, transform_indices = @transform_4, window_bounds = array<i64: 128, 128>}, {pipeline_mode = #tpu.pipeline_mode<synchronous>, transform_indices = @transform_5, window_bounds = array<i64: 1, 128>}, {pipeline_mode = #tpu.pipeline_mode<synchronous>, transform_indices = @transform_6, window_bounds = array<i64: 128, 128>}, {pipeline_mode = #tpu.pipeline_mode<synchronous>, transform_indices = @transform_7, window_bounds = array<i64: 1, 128>}, {pipeline_mode = #tpu.pipeline_mode<synchronous>, transform_indices = @transform_8, window_bounds = array<i64: 128, 128>}, {pipeline_mode = #tpu.pipeline_mode<synchronous>, transform_indices = @transform_9, window_bounds = array<i64: 128, 128>}, {pipeline_mode = #tpu.pipeline_mode<synchronous>, transform_indices = @transform_10, window_bounds = array<i64: 1, 128>}, {transform_indices = @transform_11, window_bounds = array<i64: 1000, 128>}, {transform_indices = @transform_12, window_bounds = array<i64: 1000, 16>}, {transform_indices = @transform_13, window_bounds = array<i64: 1000, 144>}, {transform_indices = @transform_14, window_bounds = array<i64: 1000, 144>}]} {
    %get3A = arith.constant 0 : index
    %get3A_0 = arith.constant 0 : index
    %get3A_1 = arith.constant 0 : index
    %get3A_2 = vector.load %arg1[%get3A, %get3A_0, %get3A_1] : memref<1x1000x144xf32, #tpu.memory_space<vmem>>, vector<1x1000x144xf32>
    %reduce_sum3A = arith.constant dense<0.000000e+00> : vector<1000x144xf32>
    %reduce_sum3A_3 = vector.multi_reduction <add>, %get3A_2, %reduce_sum3A [0] : vector<1x1000x144xf32> to vector<1000x144xf32>
    %slice3A = vector.extract_strided_slice %reduce_sum3A_3 {offsets = [0, 131], sizes = [1000, 1], strides = [1, 1]} : vector<1000x144xf32> to vector<1000x1xf32>
    %max3A = arith.constant 1.000000e+00 : f32
    %max3A_4 = vector.broadcast %max3A : f32 to vector<1000x1xf32>
    %max3A_5 = arith.maximumf %slice3A, %max3A_4 : vector<1000x1xf32>
    %slice3A_6 = vector.extract_strided_slice %reduce_sum3A_3 {offsets = [0, 0], sizes = [1000, 128], strides = [1, 1]} : vector<1000x144xf32> to vector<1000x128xf32>
    %get3A_7 = arith.constant 0 : index
    %get3A_8 = arith.constant 0 : index
    %get3A_9 = vector.load %arg3[%get3A_7, %get3A_8] : memref<1000x16xf32, #tpu.memory_space<vmem>>, vector<1000x16xf32>
    %slice3A_10 = vector.extract_strided_slice %reduce_sum3A_3 {offsets = [0, 128], sizes = [1000, 16], strides = [1, 1]} : vector<1000x144xf32> to vector<1000x16xf32>
    %iota3A = tpu.iota {dimensions = array<i32: 1>} : vector<1x16xi32>
    %lt3A = arith.constant 3 : i32
    %lt3A_11 = vector.broadcast %lt3A : i32 to vector<1x16xi32>
    %lt3A_12 = arith.cmpi slt, %iota3A, %lt3A_11 : vector<1x16xi32>
    %convert_element_type3A = arith.extui %lt3A_12 : vector<1x16xi1> to vector<1x16xi32>
    %convert_element_type3A_13 = arith.sitofp %convert_element_type3A : vector<1x16xi32> to vector<1x16xf32>
    %mul3A = vector.broadcast %convert_element_type3A_13 : vector<1x16xf32> to vector<1000x16xf32>
    %mul3A_14 = arith.mulf %slice3A_10, %mul3A : vector<1000x16xf32>
    %div3A = vector.broadcast %max3A_5 : vector<1000x1xf32> to vector<1000x16xf32>
    %div3A_15 = arith.divf %mul3A_14, %div3A : vector<1000x16xf32>
    %add3A = arith.addf %get3A_9, %div3A_15 : vector<1000x16xf32>
    %get3A_16 = arith.constant 0 : index
    %get3A_17 = arith.constant 0 : index
    %get3A_18 = vector.load %arg2[%get3A_16, %get3A_17] : memref<1000x128xf32, #tpu.memory_space<vmem>>, vector<1000x128xf32>
    %get3A_19 = arith.constant 0 : index
    %get3A_20 = arith.constant 0 : index
    %get3A_21 = vector.load %arg4[%get3A_19, %get3A_20] : memref<128x128xf32, #tpu.memory_space<vmem>>, vector<128x128xf32>
    %dot_general3A = arith.constant dense<0.000000e+00> : vector<1000x128xf32>
    %dot_general3A_22 = tpu.matmul %get3A_18, %get3A_21, %dot_general3A {dimension_numbers = #tpu.dot_dimension_numbers<[1], [0], [0], [1], [0, 0, 1, 1], [], []>, transpose_lhs_hint = false} : vector<1000x128xf32>, vector<128x128xf32>, vector<1000x128xf32> -> vector<1000x128xf32>
    %get3A_23 = arith.constant 0 : index
    %get3A_24 = arith.constant 0 : index
    %get3A_25 = vector.load %arg5[%get3A_23, %get3A_24] : memref<128x128xf32, #tpu.memory_space<vmem>>, vector<128x128xf32>
    %dot_general3A_26 = arith.constant dense<0.000000e+00> : vector<1000x128xf32>
    %dot_general3A_27 = tpu.matmul %slice3A_6, %get3A_25, %dot_general3A_26 {dimension_numbers = #tpu.dot_dimension_numbers<[1], [0], [0], [1], [0, 0, 1, 1], [], []>, transpose_lhs_hint = false} : vector<1000x128xf32>, vector<128x128xf32>, vector<1000x128xf32> -> vector<1000x128xf32>
    %add3A_28 = arith.addf %dot_general3A_22, %dot_general3A_27 : vector<1000x128xf32>
    %get3A_29 = arith.constant 0 : index
    %get3A_30 = arith.constant 0 : index
    %get3A_31 = vector.load %arg6[%get3A_29, %get3A_30] : memref<1x128xf32, #tpu.memory_space<vmem>>, vector<1x128xf32>
    %add3A_32 = vector.broadcast %get3A_31 : vector<1x128xf32> to vector<1000x128xf32>
    %add3A_33 = arith.addf %add3A_28, %add3A_32 : vector<1000x128xf32>
    %logistic3A = arith.negf %add3A_33 : vector<1000x128xf32>
    %logistic3A_34 = math.exp %logistic3A : vector<1000x128xf32>
    %logistic3A_35 = arith.constant 1.000000e+00 : f32
    %logistic3A_36 = vector.broadcast %logistic3A_35 : f32 to vector<1000x128xf32>
    %logistic3A_37 = arith.addf %logistic3A_36, %logistic3A_34 : vector<1000x128xf32>
    %logistic3A_38 = arith.divf %logistic3A_36, %logistic3A_37 : vector<1000x128xf32>
    %mul3A_39 = arith.mulf %add3A_33, %logistic3A_38 : vector<1000x128xf32>
    %get3A_40 = arith.constant 0 : index
    %get3A_41 = arith.constant 0 : index
    %get3A_42 = vector.load %arg7[%get3A_40, %get3A_41] : memref<128x128xf32, #tpu.memory_space<vmem>>, vector<128x128xf32>
    %dot_general3A_43 = arith.constant dense<0.000000e+00> : vector<1000x128xf32>
    %dot_general3A_44 = tpu.matmul %mul3A_39, %get3A_42, %dot_general3A_43 {dimension_numbers = #tpu.dot_dimension_numbers<[1], [0], [0], [1], [0, 0, 1, 1], [], []>, transpose_lhs_hint = false} : vector<1000x128xf32>, vector<128x128xf32>, vector<1000x128xf32> -> vector<1000x128xf32>
    %add3A_45 = arith.addf %get3A_18, %dot_general3A_44 : vector<1000x128xf32>
    %get3A_46 = arith.constant 0 : index
    %get3A_47 = arith.constant 0 : index
    %get3A_48 = vector.load %arg8[%get3A_46, %get3A_47] : memref<1x128xf32, #tpu.memory_space<vmem>>, vector<1x128xf32>
    %add3A_49 = vector.broadcast %get3A_48 : vector<1x128xf32> to vector<1000x128xf32>
    %add3A_50 = arith.addf %add3A_45, %add3A_49 : vector<1000x128xf32>
    %swap3A = arith.constant 0 : index
    %swap3A_51 = arith.constant 0 : index
    %swap3A_52 = vector.load %arg12[%swap3A, %swap3A_51] : memref<1000x128xf32, #tpu.memory_space<vmem>>, vector<1000x128xf32>
    tpu.vector_store %arg12[%swap3A, %swap3A_51], %add3A_50 {strides = array<i32>} : memref<1000x128xf32, #tpu.memory_space<vmem>>, vector<1000x128xf32>,
    %swap3A_53 = arith.constant 0 : index
    %swap3A_54 = arith.constant 0 : index
    %swap3A_55 = vector.load %arg13[%swap3A_53, %swap3A_54] : memref<1000x16xf32, #tpu.memory_space<vmem>>, vector<1000x16xf32>
    tpu.vector_store %arg13[%swap3A_53, %swap3A_54], %add3A {strides = array<i32>} : memref<1000x16xf32, #tpu.memory_space<vmem>>, vector<1000x16xf32>,
    %get3A_56 = arith.constant 0 : index
    %get3A_57 = arith.constant 0 : index
    %get3A_58 = vector.load %arg9[%get3A_56, %get3A_57] : memref<128x128xf32, #tpu.memory_space<vmem>>, vector<128x128xf32>
    %dot_general3A_59 = arith.constant dense<0.000000e+00> : vector<1000x128xf32>
    %dot_general3A_60 = tpu.matmul %add3A_50, %get3A_58, %dot_general3A_59 {dimension_numbers = #tpu.dot_dimension_numbers<[1], [0], [0], [1], [0, 0, 1, 1], [], []>, transpose_lhs_hint = false} : vector<1000x128xf32>, vector<128x128xf32>, vector<1000x128xf32> -> vector<1000x128xf32>
    %get3A_61 = arith.constant 0 : index
    %get3A_62 = arith.constant 0 : index
    %get3A_63 = vector.load %arg11[%get3A_61, %get3A_62] : memref<1x128xf32, #tpu.memory_space<vmem>>, vector<1x128xf32>
    %add3A_64 = vector.broadcast %get3A_63 : vector<1x128xf32> to vector<1000x128xf32>
    %add3A_65 = arith.addf %dot_general3A_60, %add3A_64 : vector<1000x128xf32>
    %get3A_66 = arith.constant 0 : index
    %get3A_67 = arith.constant 0 : index
    %get3A_68 = vector.load %arg10[%get3A_66, %get3A_67] : memref<128x128xf32, #tpu.memory_space<vmem>>, vector<128x128xf32>
    %dot_general3A_69 = arith.constant dense<0.000000e+00> : vector<1000x128xf32>
    %dot_general3A_70 = tpu.matmul %add3A_50, %get3A_68, %dot_general3A_69 {dimension_numbers = #tpu.dot_dimension_numbers<[1], [0], [0], [1], [0, 0, 1, 1], [], []>, transpose_lhs_hint = false} : vector<1000x128xf32>, vector<128x128xf32>, vector<1000x128xf32> -> vector<1000x128xf32>
    %concatenate3A = tpu.concatenate %add3A_65, %add3A in 1 : vector<1000x128xf32>, vector<1000x16xf32> -> vector<1000x144xf32>
    %swap3A_71 = arith.constant 0 : index
    %swap3A_72 = arith.constant 0 : index
    %swap3A_73 = vector.load %arg14[%swap3A_71, %swap3A_72] : memref<1000x144xf32, #tpu.memory_space<vmem>>, vector<1000x144xf32>
    tpu.vector_store %arg14[%swap3A_71, %swap3A_72], %concatenate3A {strides = array<i32>} : memref<1000x144xf32, #tpu.memory_space<vmem>>, vector<1000x144xf32>,
    %concatenate3A_74 = tpu.concatenate %dot_general3A_70, %add3A in 1 : vector<1000x128xf32>, vector<1000x16xf32> -> vector<1000x144xf32>
    %swap3A_75 = arith.constant 0 : index
    %swap3A_76 = arith.constant 0 : index
    %swap3A_77 = vector.load %arg15[%swap3A_75, %swap3A_76] : memref<1000x144xf32, #tpu.memory_space<vmem>>, vector<1000x144xf32>
    tpu.vector_store %arg15[%swap3A_75, %swap3A_76], %concatenate3A_74 {strides = array<i32>} : memref<1000x144xf32, #tpu.memory_space<vmem>>, vector<1000x144xf32>,
    return
  }
  func.func @transform_0(%arg0: i32) -> (i32, i32, i32) {
    %c0_i32 = arith.constant 0 : i32
    %c0_i32_0 = arith.constant 0 : i32
    %c0_i32_1 = arith.constant 0 : i32
    return %c0_i32, %arg0, %c0_i32_0 : i32, i32, i32
  }
  func.func @transform_1(%arg0: i32) -> (i32, i32) {
    %c0_i32 = arith.constant 0 : i32
    %c0_i32_0 = arith.constant 0 : i32
    return %arg0, %c0_i32 : i32, i32
  }
  func.func @transform_2(%arg0: i32) -> (i32, i32) {
    %c0_i32 = arith.constant 0 : i32
    %c0_i32_0 = arith.constant 0 : i32
    return %arg0, %c0_i32 : i32, i32
  }
  func.func @transform_3(%arg0: i32) -> (i32, i32) {
    %c0_i32 = arith.constant 0 : i32
    %c0_i32_0 = arith.constant 0 : i32
    %c0_i32_1 = arith.constant 0 : i32
    return %c0_i32, %c0_i32_0 : i32, i32
  }
  func.func @transform_4(%arg0: i32) -> (i32, i32) {
    %c0_i32 = arith.constant 0 : i32
    %c0_i32_0 = arith.constant 0 : i32
    %c0_i32_1 = arith.constant 0 : i32
    return %c0_i32, %c0_i32_0 : i32, i32
  }
  func.func @transform_5(%arg0: i32) -> (i32, i32) {
    %c0_i32 = arith.constant 0 : i32
    %c0_i32_0 = arith.constant 0 : i32
    %c0_i32_1 = arith.constant 0 : i32
    return %c0_i32, %c0_i32_0 : i32, i32
  }
  func.func @transform_6(%arg0: i32) -> (i32, i32) {
    %c0_i32 = arith.constant 0 : i32
    %c0_i32_0 = arith.constant 0 : i32
    %c0_i32_1 = arith.constant 0 : i32
    return %c0_i32, %c0_i32_0 : i32, i32
  }
  func.func @transform_7(%arg0: i32) -> (i32, i32) {
    %c0_i32 = arith.constant 0 : i32
    %c0_i32_0 = arith.constant 0 : i32
    %c0_i32_1 = arith.constant 0 : i32
    return %c0_i32, %c0_i32_0 : i32, i32
  }
  func.func @transform_8(%arg0: i32) -> (i32, i32) {
    %c0_i32 = arith.constant 0 : i32
    %c0_i32_0 = arith.constant 0 : i32
    %c0_i32_1 = arith.constant 0 : i32
    return %c0_i32, %c0_i32_0 : i32, i32
  }
  func.func @transform_9(%arg0: i32) -> (i32, i32) {
    %c0_i32 = arith.constant 0 : i32
    %c0_i32_0 = arith.constant 0 : i32
    %c0_i32_1 = arith.constant 0 : i32
    return %c0_i32, %c0_i32_0 : i32, i32
  }
  func.func @transform_10(%arg0: i32) -> (i32, i32) {
    %c0_i32 = arith.constant 0 : i32
    %c0_i32_0 = arith.constant 0 : i32
    %c0_i32_1 = arith.constant 0 : i32
    return %c0_i32, %c0_i32_0 : i32, i32
  }
  func.func @transform_11(%arg0: i32) -> (i32, i32) {
    %c0_i32 = arith.constant 0 : i32
    %c0_i32_0 = arith.constant 0 : i32
    return %arg0, %c0_i32 : i32, i32
  }
  func.func @transform_12(%arg0: i32) -> (i32, i32) {
    %c0_i32 = arith.constant 0 : i32
    %c0_i32_0 = arith.constant 0 : i32
    return %arg0, %c0_i32 : i32, i32
  }
  func.func @transform_13(%arg0: i32) -> (i32, i32) {
    %c0_i32 = arith.constant 0 : i32
    %c0_i32_0 = arith.constant 0 : i32
    return %arg0, %c0_i32 : i32, i32
  }
  func.func @transform_14(%arg0: i32) -> (i32, i32) {
    %c0_i32 = arith.constant 0 : i32
    %c0_i32_0 = arith.constant 0 : i32
    return %arg0, %c0_i32 : i32, i32
  }
}

module attributes {stable_mosaic.version = 14 : i64} {
  func.func @_k6_body(%arg0: i32, %arg1: memref<1x1000x144xf32, #tpu.memory_space<vmem>>, %arg2: memref<1000x128xf32, #tpu.memory_space<vmem>>, %arg3: memref<1000x16xf32, #tpu.memory_space<vmem>>, %arg4: memref<128x128xf32, #tpu.memory_space<vmem>>, %arg5: memref<128x128xf32, #tpu.memory_space<vmem>>, %arg6: memref<1x128xf32, #tpu.memory_space<vmem>>, %arg7: memref<128x128xf32, #tpu.memory_space<vmem>>, %arg8: memref<1x128xf32, #tpu.memory_space<vmem>>, %arg9: memref<128x128xf32, #tpu.memory_space<vmem>>, %arg10: memref<128x128xf32, #tpu.memory_space<vmem>>, %arg11: memref<1x128xf32, #tpu.memory_space<vmem>>, %arg12: memref<1000x128xf32, #tpu.memory_space<vmem>>, %arg13: memref<1000x16xf32, #tpu.memory_space<vmem>>, %arg14: memref<1000x144xf32, #tpu.memory_space<vmem>>, %arg15: memref<1000x144xf32, #tpu.memory_space<vmem>>) attributes {dimension_semantics = [#tpu.dimension_semantics<arbitrary>], iteration_bounds = array<i64: 10>, scalar_prefetch = 0 : i64, scratch_operands = 0 : i64, tpu.core_type = #tpu.core_type<tc>, window_params = [{transform_indices = @transform_0, window_bounds = array<i64: 1, 1000, 144>}, {transform_indices = @transform_1, window_bounds = array<i64: 1000, 128>}, {transform_indices = @transform_2, window_bounds = array<i64: 1000, 16>}, {pipeline_mode = #tpu.pipeline_mode<synchronous>, transform_indices = @transform_3, window_bounds = array<i64: 128, 128>}, {pipeline_mode = #tpu.pipeline_mode<synchronous>, transform_indices = @transform_4, window_bounds = array<i64: 128, 128>}, {pipeline_mode = #tpu.pipeline_mode<synchronous>, transform_indices = @transform_5, window_bounds = array<i64: 1, 128>}, {pipeline_mode = #tpu.pipeline_mode<synchronous>, transform_indices = @transform_6, window_bounds = array<i64: 128, 128>}, {pipeline_mode = #tpu.pipeline_mode<synchronous>, transform_indices = @transform_7, window_bounds = array<i64: 1, 128>}, {pipeline_mode = #tpu.pipeline_mode<synchronous>, transform_indices = @transform_8, window_bounds = array<i64: 128, 128>}, {pipeline_mode = #tpu.pipeline_mode<synchronous>, transform_indices = @transform_9, window_bounds = array<i64: 128, 128>}, {pipeline_mode = #tpu.pipeline_mode<synchronous>, transform_indices = @transform_10, window_bounds = array<i64: 1, 128>}, {transform_indices = @transform_11, window_bounds = array<i64: 1000, 128>}, {transform_indices = @transform_12, window_bounds = array<i64: 1000, 16>}, {transform_indices = @transform_13, window_bounds = array<i64: 1000, 144>}, {transform_indices = @transform_14, window_bounds = array<i64: 1000, 144>}]} {
    %get3A = arith.constant 0 : index
    %get3A_0 = arith.constant 0 : index
    %get3A_1 = arith.constant 0 : index
    %get3A_2 = vector.load %arg1[%get3A, %get3A_0, %get3A_1] : memref<1x1000x144xf32, #tpu.memory_space<vmem>>, vector<1x1000x144xf32>
    %reduce_sum3A = arith.constant dense<0.000000e+00> : vector<1000x144xf32>
    %reduce_sum3A_3 = vector.multi_reduction <add>, %get3A_2, %reduce_sum3A [0] : vector<1x1000x144xf32> to vector<1000x144xf32>
    %slice3A = vector.extract_strided_slice %reduce_sum3A_3 {offsets = [0, 131], sizes = [1000, 1], strides = [1, 1]} : vector<1000x144xf32> to vector<1000x1xf32>
    %max3A = arith.constant 1.000000e+00 : f32
    %max3A_4 = vector.broadcast %max3A : f32 to vector<1000x1xf32>
    %max3A_5 = arith.maximumf %slice3A, %max3A_4 : vector<1000x1xf32>
    %slice3A_6 = vector.extract_strided_slice %reduce_sum3A_3 {offsets = [0, 0], sizes = [1000, 128], strides = [1, 1]} : vector<1000x144xf32> to vector<1000x128xf32>
    %get3A_7 = arith.constant 0 : index
    %get3A_8 = arith.constant 0 : index
    %get3A_9 = vector.load %arg3[%get3A_7, %get3A_8] : memref<1000x16xf32, #tpu.memory_space<vmem>>, vector<1000x16xf32>
    %slice3A_10 = vector.extract_strided_slice %reduce_sum3A_3 {offsets = [0, 128], sizes = [1000, 16], strides = [1, 1]} : vector<1000x144xf32> to vector<1000x16xf32>
    %iota3A = tpu.iota {dimensions = array<i32: 1>} : vector<1x16xi32>
    %lt3A = arith.constant 3 : i32
    %lt3A_11 = vector.broadcast %lt3A : i32 to vector<1x16xi32>
    %lt3A_12 = arith.cmpi slt, %iota3A, %lt3A_11 : vector<1x16xi32>
    %convert_element_type3A = arith.extui %lt3A_12 : vector<1x16xi1> to vector<1x16xi32>
    %convert_element_type3A_13 = arith.sitofp %convert_element_type3A : vector<1x16xi32> to vector<1x16xf32>
    %mul3A = vector.broadcast %convert_element_type3A_13 : vector<1x16xf32> to vector<1000x16xf32>
    %mul3A_14 = arith.mulf %slice3A_10, %mul3A : vector<1000x16xf32>
    %div3A = vector.broadcast %max3A_5 : vector<1000x1xf32> to vector<1000x16xf32>
    %div3A_15 = arith.divf %mul3A_14, %div3A : vector<1000x16xf32>
    %add3A = arith.addf %get3A_9, %div3A_15 : vector<1000x16xf32>
    %get3A_16 = arith.constant 0 : index
    %get3A_17 = arith.constant 0 : index
    %get3A_18 = vector.load %arg2[%get3A_16, %get3A_17] : memref<1000x128xf32, #tpu.memory_space<vmem>>, vector<1000x128xf32>
    %get3A_19 = arith.constant 0 : index
    %get3A_20 = arith.constant 0 : index
    %get3A_21 = vector.load %arg4[%get3A_19, %get3A_20] : memref<128x128xf32, #tpu.memory_space<vmem>>, vector<128x128xf32>
    %dot_general3A = arith.constant dense<0.000000e+00> : vector<1000x128xf32>
    %dot_general3A_22 = tpu.matmul %get3A_18, %get3A_21, %dot_general3A {dimension_numbers = #tpu.dot_dimension_numbers<[1], [0], [0], [1], [0, 0, 1, 1], [], []>, transpose_lhs_hint = false} : vector<1000x128xf32>, vector<128x128xf32>, vector<1000x128xf32> -> vector<1000x128xf32>
    %get3A_23 = arith.constant 0 : index
    %get3A_24 = arith.constant 0 : index
    %get3A_25 = vector.load %arg5[%get3A_23, %get3A_24] : memref<128x128xf32, #tpu.memory_space<vmem>>, vector<128x128xf32>
    %dot_general3A_26 = arith.constant dense<0.000000e+00> : vector<1000x128xf32>
    %dot_general3A_27 = tpu.matmul %slice3A_6, %get3A_25, %dot_general3A_26 {dimension_numbers = #tpu.dot_dimension_numbers<[1], [0], [0], [1], [0, 0, 1, 1], [], []>, transpose_lhs_hint = false} : vector<1000x128xf32>, vector<128x128xf32>, vector<1000x128xf32> -> vector<1000x128xf32>
    %add3A_28 = arith.addf %dot_general3A_22, %dot_general3A_27 : vector<1000x128xf32>
    %get3A_29 = arith.constant 0 : index
    %get3A_30 = arith.constant 0 : index
    %get3A_31 = vector.load %arg6[%get3A_29, %get3A_30] : memref<1x128xf32, #tpu.memory_space<vmem>>, vector<1x128xf32>
    %add3A_32 = vector.broadcast %get3A_31 : vector<1x128xf32> to vector<1000x128xf32>
    %add3A_33 = arith.addf %add3A_28, %add3A_32 : vector<1000x128xf32>
    %logistic3A = arith.negf %add3A_33 : vector<1000x128xf32>
    %logistic3A_34 = math.exp %logistic3A : vector<1000x128xf32>
    %logistic3A_35 = arith.constant 1.000000e+00 : f32
    %logistic3A_36 = vector.broadcast %logistic3A_35 : f32 to vector<1000x128xf32>
    %logistic3A_37 = arith.addf %logistic3A_36, %logistic3A_34 : vector<1000x128xf32>
    %logistic3A_38 = arith.divf %logistic3A_36, %logistic3A_37 : vector<1000x128xf32>
    %mul3A_39 = arith.mulf %add3A_33, %logistic3A_38 : vector<1000x128xf32>
    %get3A_40 = arith.constant 0 : index
    %get3A_41 = arith.constant 0 : index
    %get3A_42 = vector.load %arg7[%get3A_40, %get3A_41] : memref<128x128xf32, #tpu.memory_space<vmem>>, vector<128x128xf32>
    %dot_general3A_43 = arith.constant dense<0.000000e+00> : vector<1000x128xf32>
    %dot_general3A_44 = tpu.matmul %mul3A_39, %get3A_42, %dot_general3A_43 {dimension_numbers = #tpu.dot_dimension_numbers<[1], [0], [0], [1], [0, 0, 1, 1], [], []>, transpose_lhs_hint = false} : vector<1000x128xf32>, vector<128x128xf32>, vector<1000x128xf32> -> vector<1000x128xf32>
    %add3A_45 = arith.addf %get3A_18, %dot_general3A_44 : vector<1000x128xf32>
    %get3A_46 = arith.constant 0 : index
    %get3A_47 = arith.constant 0 : index
    %get3A_48 = vector.load %arg8[%get3A_46, %get3A_47] : memref<1x128xf32, #tpu.memory_space<vmem>>, vector<1x128xf32>
    %add3A_49 = vector.broadcast %get3A_48 : vector<1x128xf32> to vector<1000x128xf32>
    %add3A_50 = arith.addf %add3A_45, %add3A_49 : vector<1000x128xf32>
    %swap3A = arith.constant 0 : index
    %swap3A_51 = arith.constant 0 : index
    %swap3A_52 = vector.load %arg12[%swap3A, %swap3A_51] : memref<1000x128xf32, #tpu.memory_space<vmem>>, vector<1000x128xf32>
    tpu.vector_store %arg12[%swap3A, %swap3A_51], %add3A_50 {strides = array<i32>} : memref<1000x128xf32, #tpu.memory_space<vmem>>, vector<1000x128xf32>,
    %swap3A_53 = arith.constant 0 : index
    %swap3A_54 = arith.constant 0 : index
    %swap3A_55 = vector.load %arg13[%swap3A_53, %swap3A_54] : memref<1000x16xf32, #tpu.memory_space<vmem>>, vector<1000x16xf32>
    tpu.vector_store %arg13[%swap3A_53, %swap3A_54], %add3A {strides = array<i32>} : memref<1000x16xf32, #tpu.memory_space<vmem>>, vector<1000x16xf32>,
    %get3A_56 = arith.constant 0 : index
    %get3A_57 = arith.constant 0 : index
    %get3A_58 = vector.load %arg9[%get3A_56, %get3A_57] : memref<128x128xf32, #tpu.memory_space<vmem>>, vector<128x128xf32>
    %dot_general3A_59 = arith.constant dense<0.000000e+00> : vector<1000x128xf32>
    %dot_general3A_60 = tpu.matmul %add3A_50, %get3A_58, %dot_general3A_59 {dimension_numbers = #tpu.dot_dimension_numbers<[1], [0], [0], [1], [0, 0, 1, 1], [], []>, transpose_lhs_hint = false} : vector<1000x128xf32>, vector<128x128xf32>, vector<1000x128xf32> -> vector<1000x128xf32>
    %get3A_61 = arith.constant 0 : index
    %get3A_62 = arith.constant 0 : index
    %get3A_63 = vector.load %arg11[%get3A_61, %get3A_62] : memref<1x128xf32, #tpu.memory_space<vmem>>, vector<1x128xf32>
    %add3A_64 = vector.broadcast %get3A_63 : vector<1x128xf32> to vector<1000x128xf32>
    %add3A_65 = arith.addf %dot_general3A_60, %add3A_64 : vector<1000x128xf32>
    %mul3A_66 = arith.mulf %add3A_65, %add3A_65 : vector<1000x128xf32>
    %reduce_sum3A_67 = arith.constant dense<0.000000e+00> : vector<1000xf32>
    %reduce_sum3A_68 = vector.multi_reduction <add>, %mul3A_66, %reduce_sum3A_67 [1] : vector<1000x128xf32> to vector<1000xf32>
    %broadcast_in_dim3A = vector.shape_cast %reduce_sum3A_68 : vector<1000xf32> to vector<1000x1xf32>
    %max3A_69 = arith.constant 1.000000e-24 : f32
    %max3A_70 = vector.broadcast %max3A_69 : f32 to vector<1000x1xf32>
    %max3A_71 = arith.maximumf %broadcast_in_dim3A, %max3A_70 : vector<1000x1xf32>
    %rsqrt3A = math.rsqrt %max3A_71 : vector<1000x1xf32>
    %mul3A_72 = vector.broadcast %rsqrt3A : vector<1000x1xf32> to vector<1000x128xf32>
    %mul3A_73 = arith.mulf %add3A_65, %mul3A_72 : vector<1000x128xf32>
    %concatenate3A = tpu.concatenate %mul3A_73, %add3A in 1 : vector<1000x128xf32>, vector<1000x16xf32> -> vector<1000x144xf32>
    %swap3A_74 = arith.constant 0 : index
    %swap3A_75 = arith.constant 0 : index
    %swap3A_76 = vector.load %arg14[%swap3A_74, %swap3A_75] : memref<1000x144xf32, #tpu.memory_space<vmem>>, vector<1000x144xf32>
    tpu.vector_store %arg14[%swap3A_74, %swap3A_75], %concatenate3A {strides = array<i32>} : memref<1000x144xf32, #tpu.memory_space<vmem>>, vector<1000x144xf32>,
    %broadcast_in_dim3A_77 = arith.constant 0.000000e+00 : f32
    %broadcast_in_dim3A_78 = vector.broadcast %broadcast_in_dim3A_77 : f32 to vector<1000x144xf32>
    %swap3A_79 = arith.constant 0 : index
    %swap3A_80 = arith.constant 0 : index
    %swap3A_81 = vector.load %arg15[%swap3A_79, %swap3A_80] : memref<1000x144xf32, #tpu.memory_space<vmem>>, vector<1000x144xf32>
    tpu.vector_store %arg15[%swap3A_79, %swap3A_80], %broadcast_in_dim3A_78 {strides = array<i32>} : memref<1000x144xf32, #tpu.memory_space<vmem>>, vector<1000x144xf32>,
    return
  }
  func.func @transform_0(%arg0: i32) -> (i32, i32, i32) {
    %c0_i32 = arith.constant 0 : i32
    %c0_i32_0 = arith.constant 0 : i32
    %c0_i32_1 = arith.constant 0 : i32
    return %c0_i32, %arg0, %c0_i32_0 : i32, i32, i32
  }
  func.func @transform_1(%arg0: i32) -> (i32, i32) {
    %c0_i32 = arith.constant 0 : i32
    %c0_i32_0 = arith.constant 0 : i32
    return %arg0, %c0_i32 : i32, i32
  }
  func.func @transform_2(%arg0: i32) -> (i32, i32) {
    %c0_i32 = arith.constant 0 : i32
    %c0_i32_0 = arith.constant 0 : i32
    return %arg0, %c0_i32 : i32, i32
  }
  func.func @transform_3(%arg0: i32) -> (i32, i32) {
    %c0_i32 = arith.constant 0 : i32
    %c0_i32_0 = arith.constant 0 : i32
    %c0_i32_1 = arith.constant 0 : i32
    return %c0_i32, %c0_i32_0 : i32, i32
  }
  func.func @transform_4(%arg0: i32) -> (i32, i32) {
    %c0_i32 = arith.constant 0 : i32
    %c0_i32_0 = arith.constant 0 : i32
    %c0_i32_1 = arith.constant 0 : i32
    return %c0_i32, %c0_i32_0 : i32, i32
  }
  func.func @transform_5(%arg0: i32) -> (i32, i32) {
    %c0_i32 = arith.constant 0 : i32
    %c0_i32_0 = arith.constant 0 : i32
    %c0_i32_1 = arith.constant 0 : i32
    return %c0_i32, %c0_i32_0 : i32, i32
  }
  func.func @transform_6(%arg0: i32) -> (i32, i32) {
    %c0_i32 = arith.constant 0 : i32
    %c0_i32_0 = arith.constant 0 : i32
    %c0_i32_1 = arith.constant 0 : i32
    return %c0_i32, %c0_i32_0 : i32, i32
  }
  func.func @transform_7(%arg0: i32) -> (i32, i32) {
    %c0_i32 = arith.constant 0 : i32
    %c0_i32_0 = arith.constant 0 : i32
    %c0_i32_1 = arith.constant 0 : i32
    return %c0_i32, %c0_i32_0 : i32, i32
  }
  func.func @transform_8(%arg0: i32) -> (i32, i32) {
    %c0_i32 = arith.constant 0 : i32
    %c0_i32_0 = arith.constant 0 : i32
    %c0_i32_1 = arith.constant 0 : i32
    return %c0_i32, %c0_i32_0 : i32, i32
  }
  func.func @transform_9(%arg0: i32) -> (i32, i32) {
    %c0_i32 = arith.constant 0 : i32
    %c0_i32_0 = arith.constant 0 : i32
    %c0_i32_1 = arith.constant 0 : i32
    return %c0_i32, %c0_i32_0 : i32, i32
  }
  func.func @transform_10(%arg0: i32) -> (i32, i32) {
    %c0_i32 = arith.constant 0 : i32
    %c0_i32_0 = arith.constant 0 : i32
    %c0_i32_1 = arith.constant 0 : i32
    return %c0_i32, %c0_i32_0 : i32, i32
  }
  func.func @transform_11(%arg0: i32) -> (i32, i32) {
    %c0_i32 = arith.constant 0 : i32
    %c0_i32_0 = arith.constant 0 : i32
    return %arg0, %c0_i32 : i32, i32
  }
  func.func @transform_12(%arg0: i32) -> (i32, i32) {
    %c0_i32 = arith.constant 0 : i32
    %c0_i32_0 = arith.constant 0 : i32
    return %arg0, %c0_i32 : i32, i32
  }
  func.func @transform_13(%arg0: i32) -> (i32, i32) {
    %c0_i32 = arith.constant 0 : i32
    %c0_i32_0 = arith.constant 0 : i32
    return %arg0, %c0_i32 : i32, i32
  }
  func.func @transform_14(%arg0: i32) -> (i32, i32) {
    %c0_i32 = arith.constant 0 : i32
    %c0_i32_0 = arith.constant 0 : i32
    return %arg0, %c0_i32 : i32, i32
  }
}

module attributes {stable_mosaic.version = 14 : i64} {
  func.func @_k7_body(%arg0: i32, %arg1: memref<2000x128xf32, #tpu.memory_space<vmem>>, %arg2: memref<1x1x2000xi32, #tpu.memory_space<vmem>>, %arg3: memref<256x128xf32, #tpu.memory_space<vmem>>, %arg4: memref<256x128xf32, #tpu.memory_space<vmem>>) attributes {dimension_semantics = [#tpu.dimension_semantics<arbitrary>], iteration_bounds = array<i64: 5>, scalar_prefetch = 0 : i64, scratch_operands = 0 : i64, tpu.core_type = #tpu.core_type<tc>, window_params = [{transform_indices = @transform_0, window_bounds = array<i64: 2000, 128>}, {transform_indices = @transform_1, window_bounds = array<i64: 1, 1, 2000>}, {pipeline_mode = #tpu.pipeline_mode<synchronous>, transform_indices = @transform_2, window_bounds = array<i64: 256, 128>}, {pipeline_mode = #tpu.pipeline_mode<synchronous>, transform_indices = @transform_3, window_bounds = array<i64: 256, 128>}]} {
    %get3A = arith.constant 0 : index
    %get3A_0 = arith.constant 0 : index
    %get3A_1 = arith.constant 0 : index
    %get3A_2 = vector.load %arg2[%get3A, %get3A_0, %get3A_1] : memref<1x1x2000xi32, #tpu.memory_space<vmem>>, vector<1x1x2000xi32>
    %get3A_3 = vector.shape_cast %get3A_2 : vector<1x1x2000xi32> to vector<1x2000xi32>
    %iota3A = tpu.iota {dimensions = array<i32: 0>} : vector<256x2000xi32>
    %eq3A = vector.broadcast %get3A_3 : vector<1x2000xi32> to vector<256x2000xi32>
    %eq3A_4 = arith.cmpi eq, %iota3A, %eq3A : vector<256x2000xi32>
    %convert_element_type3A = arith.extui %eq3A_4 : vector<256x2000xi1> to vector<256x2000xi32>
    %convert_element_type3A_5 = arith.sitofp %convert_element_type3A : vector<256x2000xi32> to vector<256x2000xf32>
    %get3A_6 = arith.constant 0 : index
    %get3A_7 = arith.constant 0 : index
    %get3A_8 = vector.load %arg1[%get3A_6, %get3A_7] : memref<2000x128xf32, #tpu.memory_space<vmem>>, vector<2000x128xf32>
    %dot_general3A = arith.constant dense<0.000000e+00> : vector<256x128xf32>
    %dot_general3A_9 = tpu.matmul %convert_element_type3A_5, %get3A_8, %dot_general3A {dimension_numbers = #tpu.dot_dimension_numbers<[1], [0], [0], [1], [0, 0, 1, 1], [], []>, transpose_lhs_hint = false} : vector<256x2000xf32>, vector<2000x128xf32>, vector<256x128xf32> -> vector<256x128xf32>
    %eq3A_10 = arith.constant 0 : i32
    %eq3A_11 = arith.cmpi eq, %arg0, %eq3A_10 : i32
    %convert_element_type3A_12 = arith.extui %eq3A_11 : i1 to i32
    %cond3A = arith.constant 0 : i32
    %cond3A_13 = arith.cmpi ne, %convert_element_type3A_12, %cond3A : i32
    scf.if %cond3A_13 {
      %swap3A = arith.constant 0 : index
      %swap3A_23 = arith.constant 0 : index
      %swap3A_24 = vector.load %arg3[%swap3A, %swap3A_23] : memref<256x128xf32, #tpu.memory_space<vmem>>, vector<256x128xf32>
      tpu.vector_store %arg3[%swap3A, %swap3A_23], %dot_general3A_9 {strides = array<i32>} : memref<256x128xf32, #tpu.memory_space<vmem>>, vector<256x128xf32>,
    } else {
    }
    %gt3A = arith.constant 0 : i32
    %gt3A_14 = arith.cmpi sgt, %arg0, %gt3A : i32
    %convert_element_type3A_15 = arith.extui %gt3A_14 : i1 to i32
    %cond3A_16 = arith.constant 0 : i32
    %cond3A_17 = arith.cmpi ne, %convert_element_type3A_15, %cond3A_16 : i32
    scf.if %cond3A_17 {
      %get3A_23 = arith.constant 0 : index
      %get3A_24 = arith.constant 0 : index
      %get3A_25 = vector.load %arg3[%get3A_23, %get3A_24] : memref<256x128xf32, #tpu.memory_space<vmem>>, vector<256x128xf32>
      %add3A = arith.addf %get3A_25, %dot_general3A_9 : vector<256x128xf32>
      %swap3A = arith.constant 0 : index
      %swap3A_26 = arith.constant 0 : index
      %swap3A_27 = vector.load %arg3[%swap3A, %swap3A_26] : memref<256x128xf32, #tpu.memory_space<vmem>>, vector<256x128xf32>
      tpu.vector_store %arg3[%swap3A, %swap3A_26], %add3A {strides = array<i32>} : memref<256x128xf32, #tpu.memory_space<vmem>>, vector<256x128xf32>,
    } else {
    }
    %eq3A_18 = arith.constant 4 : i32
    %eq3A_19 = arith.cmpi eq, %arg0, %eq3A_18 : i32
    %convert_element_type3A_20 = arith.extui %eq3A_19 : i1 to i32
    %cond3A_21 = arith.constant 0 : i32
    %cond3A_22 = arith.cmpi ne, %convert_element_type3A_20, %cond3A_21 : i32
    scf.if %cond3A_22 {
      %get3A_23 = arith.constant 0 : index
      %get3A_24 = arith.constant 0 : index
      %get3A_25 = vector.load %arg3[%get3A_23, %get3A_24] : memref<256x128xf32, #tpu.memory_space<vmem>>, vector<256x128xf32>
      %mul3A = arith.mulf %get3A_25, %get3A_25 : vector<256x128xf32>
      %reduce_sum3A = arith.constant dense<0.000000e+00> : vector<256xf32>
      %reduce_sum3A_26 = vector.multi_reduction <add>, %mul3A, %reduce_sum3A [1] : vector<256x128xf32> to vector<256xf32>
      %broadcast_in_dim3A = vector.shape_cast %reduce_sum3A_26 : vector<256xf32> to vector<256x1xf32>
      %max3A = arith.constant 1.000000e-24 : f32
      %max3A_27 = vector.broadcast %max3A : f32 to vector<256x1xf32>
      %max3A_28 = arith.maximumf %broadcast_in_dim3A, %max3A_27 : vector<256x1xf32>
      %rsqrt3A = math.rsqrt %max3A_28 : vector<256x1xf32>
      %mul3A_29 = vector.broadcast %rsqrt3A : vector<256x1xf32> to vector<256x128xf32>
      %mul3A_30 = arith.mulf %get3A_25, %mul3A_29 : vector<256x128xf32>
      %swap3A = arith.constant 0 : index
      %swap3A_31 = arith.constant 0 : index
      %swap3A_32 = vector.load %arg4[%swap3A, %swap3A_31] : memref<256x128xf32, #tpu.memory_space<vmem>>, vector<256x128xf32>
      tpu.vector_store %arg4[%swap3A, %swap3A_31], %mul3A_30 {strides = array<i32>} : memref<256x128xf32, #tpu.memory_space<vmem>>, vector<256x128xf32>,
    } else {
    }
    return
  }
  func.func @transform_0(%arg0: i32) -> (i32, i32) {
    %c0_i32 = arith.constant 0 : i32
    %c0_i32_0 = arith.constant 0 : i32
    return %arg0, %c0_i32 : i32, i32
  }
  func.func @transform_1(%arg0: i32) -> (i32, i32, i32) {
    %c0_i32 = arith.constant 0 : i32
    %c0_i32_0 = arith.constant 0 : i32
    %c0_i32_1 = arith.constant 0 : i32
    return %arg0, %c0_i32, %c0_i32_0 : i32, i32, i32
  }
  func.func @transform_2(%arg0: i32) -> (i32, i32) {
    %c0_i32 = arith.constant 0 : i32
    %c0_i32_0 = arith.constant 0 : i32
    %c0_i32_1 = arith.constant 0 : i32
    return %c0_i32, %c0_i32_0 : i32, i32
  }
  func.func @transform_3(%arg0: i32) -> (i32, i32) {
    %c0_i32 = arith.constant 0 : i32
    %c0_i32_0 = arith.constant 0 : i32
    %c0_i32_1 = arith.constant 0 : i32
    return %c0_i32, %c0_i32_0 : i32, i32
  }
}

</mosaic_0001>

<sc_bundles>
// kernel: kernel.17.cloned.1.call-start
scs
__scs_entry_jumppad:
0x0: {  	(pc) =	sbr.rel $0x88, $3  }
0x1: {  	(tag) =	ssettag $0x0;
	lr =	simm.s32 $0x1  }
0x2: {  	[smem:$0x3F8C] =	sst lr;
	_ =	strace $0xD0000000  }
0x3: {  	_ = 	snop  }
0x4: {  	_ = 	snop  }
0x5: {  	_ = 	snop  }
0x6: {  	_ = 	snop  }
0x7: {  	_ = 	snop  }
__scs_overlays_trampoline_lowered:
0x8: {  	[smem:$0x3F9B] =	sst s0  }
0x9: {  	[smem:$0x3F9C] =	sst s1  }
0xa: {  	[smem:$0x3F9D] =	sst s2  }
0xb: {  	[smem:$0x3F9E] =	sst s3  }
0xc: {  	[smem:$0x3F9F] =	sst s4  }
0xd: {  	[smem:$0x3FA0] =	sst s5  }
0xe: {  	[smem:$0x3FA1] =	sst s6  }
0xf: {  	[smem:$0x3FA2] =	sst s7  }
0x10: {  	[smem:$0x3FA3] =	sst s8  }
0x11: {  	[smem:$0x3FA4] =	sst s9;
	s0 =	simm.s32 @!p0 $0x0  }
0x12: {  	s1 =	sld [smem:$0x3F8A];
	s0 =	simm.s32 @p0 $0x1  }
0x13: {  	[smem:$0x3FA5] =	sst s0;
	s0 =	simm.s32 @!p1 $0x0  }
0x14: {  	s2 =	sld [smem:$0x3F89];
	s0 =	simm.s32 @p1 $0x1  }
0x15: {  	[smem:$0x3FA6] =	sst s0;
	s0 =	simm.s32 @!p2 $0x0  }
0x16: {  	s3 =	sld [smem:$0x3FDB];
	s0 =	simm.s32 @p2 $0x1  }
0x17: {  	s4 =	simm.s32 $0x1BF5;
	[smem:$0x3FA8] =	sst s0  }
0x18: {  	s0 =	sld [smem:$0x3F8B];
	_ =	swait.ge [sflag:s4], $0x0  }
0x19: {  	s7 =	sld [smem:$0x3F8C]  }
0x1a: {  	s8 =	sadd.s32 $0xFFFFE003, lr  }
0x1b: {  	s9 =	sadd.s32 $0xFFFFFEF7, lr;
	s5 =	simm.s32 $0xFFFFFFFF;
	p2 =	slt.u32 s8, $0xFFFFF086  }
0x1c: {  	p1 =	slt.u32 s9, $0xF7A;
	s5 =	simm.s32 @!p2 $0x0  }
0x1d: {  	s5 =	simm.s32 @p1 $0x1;
	p0 =	seq.s32 s7, s2  }
0x1e: {  	s7 =	smul.u32 @!p0 $0xF7A, s2;
	p2 =	seq.s32 @!p0 s5, $0x0  }
0x1f: {  	s9 =	smul.u32 $0xF7A, s1;
	s8 =	simm.s32 @!p0 $0x1BF5;
	p2 =	por !p2, p0  }
0x20: {  	[sflag:s8] =	ssyncset.s32 @!p0 $0xFFFFF086;
	s6 =	sadd.s32 @!p0 s3, s7;
	s7 =	simm.s32 @!p0 $0x108  }
0x21: {  	s3 =	sadd.s32 s3, s9;
	s6 =	sadd.s32 @!p0 $0x88, s6;
	s7 =	simm.s32 @p2 $0x1082  }
0x22: {  	[simem:s7], [sflag:s8] =	dma.local @!p0 [hbm:s6], $0xF7A  }
0x23: {  	s9 =	sor.u32 $0xD0000000, s2;
	s6 =	simm.s32 $0x108;
	_ =	swait.ge @!p0 [sflag:s8], $0x0  }
0x24: {  	s3 =	sadd.s32 $0x88, s3;
	s6 =	simm.s32 @!p1 $0x1082;
	[sflag:s4] =	ssyncset.s32 $0xFFFFF086  }
0x25: {  	[simem:s6], [sflag:s4] =	dma.local [hbm:s3], $0xF7A  }
0x26: {  	[smem:$0x3F8C] =	sst s1;
	(tag) =	ssettag s2;
	_ =	strace s9  }
0x27: {  	s1 =	sld [smem:$0x3F9C]  }
0x28: {  	s2 =	sld [smem:$0x3F9D]  }
0x29: {  	s4 =	sld [smem:$0x3F9F]  }
0x2a: {  	p0 =	seq.s32 s5, $0x0;
	s5 =	sld [smem:$0x3FA0]  }
0x2b: {  	s6 =	sld [smem:$0x3FA1]  }
0x2c: {  	s7 =	sld [smem:$0x3FA2]  }
0x2d: {  	s3 =	simm.s32 $0x108;
	s8 =	sld [smem:$0x3FA3]  }
0x2e: {  	s3 =	simm.s32 @!p0 $0x1082;
	s9 =	sld [smem:$0x3FA4]  }
0x2f: {  	lr =	sadd.s32 s0, s3;
	s0 =	sld [smem:$0x3F9B]  }
0x30: {  	s3 =	sld [smem:$0x3F9E]  }
0x31: {  	[smem:$0x3FA7] =	sst s10  }
0x32: {  	s10 =	sld [smem:$0x3FA5];
	_ =	sdelay $0x3  }
0x33: {  	p0 =	seq.s32 s10, $0x1;
	s10 =	sld [smem:$0x3FA7];
	_ =	sdelay $0x3  }
0x34: {  	[smem:$0x3FA7] =	sst s10  }
0x35: {  	s10 =	sld [smem:$0x3FA6];
	_ =	sdelay $0x3  }
0x36: {  	p1 =	seq.s32 s10, $0x1;
	s10 =	sld [smem:$0x3FA7];
	_ =	sdelay $0x3  }
0x37: {  	[smem:$0x3FA7] =	sst s10  }
0x38: {  	s10 =	sld [smem:$0x3FA8]  }
0x39: {  	_ = 	snop;
	(pc) =	sbr.ind lr, $3  }
0x3a: {  	_ = 	snop  }
0x3b: {  	_ = 	snop  }
0x3c: {  	p2 =	seq.s32 s10, $0x1;
	s10 =	sld [smem:$0x3FA7]  }
0x3d: {  	_ =	shalt  }
0x3e: {  	_ =	shalt  }
0x3f: {  	_ =	shalt  }
0x40: {  	_ =	shalt  }
0x41: {  	_ =	shalt  }
0x42: {  	_ =	shalt  }
0x43: {  	_ =	shalt  }
0x44: {  	_ =	shalt  }
0x45: {  	_ =	shalt  }
0x46: {  	_ =	shalt  }
0x47: {  	_ =	shalt  }
0x48: {  	_ =	shalt  }
0x49: {  	_ =	shalt  }
0x4a: {  	_ =	shalt  }
0x4b: {  	_ =	shalt  }
0x4c: {  	_ =	shalt  }
0x4d: {  	_ =	shalt  }
0x4e: {  	_ =	shalt  }
0x4f: {  	_ =	shalt  }
0x50: {  	_ =	shalt  }
0x51: {  	_ =	shalt  }
0x52: {  	_ =	shalt  }
0x53: {  	_ =	shalt  }
0x54: {  	_ =	shalt  }
0x55: {  	_ =	shalt  }
0x56: {  	_ =	shalt  }
0x57: {  	_ =	shalt  }
0x58: {  	_ =	shalt  }
0x59: {  	_ =	shalt  }
0x5a: {  	_ =	shalt  }
0x5b: {  	_ =	shalt  }
0x5c: {  	_ =	shalt  }
0x5d: {  	_ =	shalt  }
0x5e: {  	_ =	shalt  }
0x5f: {  	_ =	shalt  }
0x60: {  	_ =	shalt  }
0x61: {  	_ =	shalt  }
0x62: {  	_ =	shalt  }
0x63: {  	_ =	shalt  }
0x64: {  	_ =	shalt  }
0x65: {  	_ =	shalt  }
0x66: {  	_ =	shalt  }
0x67: {  	_ =	shalt  }
0x68: {  	_ =	shalt  }
0x69: {  	_ =	shalt  }
0x6a: {  	_ =	shalt  }
0x6b: {  	_ =	shalt  }
0x6c: {  	_ =	shalt  }
0x6d: {  	_ =	shalt  }
0x6e: {  	_ =	shalt  }
0x6f: {  	_ =	shalt  }
0x70: {  	_ =	shalt  }
0x71: {  	_ =	shalt  }
0x72: {  	_ =	shalt  }
0x73: {  	_ =	shalt  }
0x74: {  	_ =	shalt  }
0x75: {  	_ =	shalt  }
0x76: {  	_ =	shalt  }
0x77: {  	_ =	shalt  }
0x78: {  	_ =	shalt  }
0x79: {  	_ =	shalt  }
0x7a: {  	_ =	shalt  }
0x7b: {  	_ =	shalt  }
0x7c: {  	_ =	shalt  }
0x7d: {  	_ =	shalt  }
0x7e: {  	_ =	shalt  }
0x7f: {  	_ =	shalt  }
0x80: {  	_ =	shalt  }
0x81: {  	_ =	shalt  }
0x82: {  	_ =	shalt  }
0x83: {  	_ =	shalt  }
0x84: {  	_ =	shalt  }
0x85: {  	_ =	shalt  }
0x86: {  	_ =	shalt  }
0x87: {  	_ =	shalt  }
.Lfunc_end0:
.L_simem_size_0:
called_computation_lowered:
.L_overlay_start_0:
0x88: {  	s2 =	sld [smem:$0x3FD9]  }
0x89: {  	s3 =	sld [smem:$0x3FFE];
	_ =	sdelay $0x1  }
0x8a: {  	s1 =	srdreg.scid  }
0x8b: {  	s0 =	sand.u32 $0x1, s1  }
0x8c: {  	s17 =	sshll.u32 s0, $0xA;
	s2 =	sadd.s32 s3, s2  }
0x8d: {  	s2 =	sadd.s32 s2, s17  }
0x8e: {  	[smem:$0x3FB3] =	sst s2  }
0x8f: {  	_ = 	snop  }
0x90: {  	s2 =	sld [smem:$0x3FC7];
	(tm) =	ssettm $0x1  }
0x91: {  	s18 =	sld [smem:$0x3FFB];
	_ =	sdelay $0x3  }
0x92: {  	_ =	strace s18  }
0x93: {  	s3 =	sld [smem:$0x3FFC];
	_ =	sdelay $0x3  }
0x94: {  	_ =	strace s3  }
0x95: {  	s3 =	sld [smem:$0x3FFD];
	_ =	sdelay $0x3  }
0x96: {  	_ =	strace s3  }
0x97: {  	_ =	strace $0x8FFFFFFF  }
0x98: {  	s19 =	sld [smem:$0x3FDB];
	_ =	sdelay $0x1  }
0x99: {  	s4 =	simm.s32 $_scs_section_size  }
0x9a: {  	s5 =	simm.s32 $_size__tile_overlayer_lowered;
	s6 =	simm.s32 $_tile_overlayer_lowered  }
0x9b: {  	s22 =	simm.s32 $0x1BFF;
	s21 =	sshll.u32 s6, $0x1;
	s3 =	sadd.s32 s4, s19  }
0x9c: {  	s7 =	simm.s32 $0x0;
	s20 =	sshll.u32 s5, $0x1;
	s5 =	sadd.s32 s21, s3  }
0x9d: {  	[timem:s7], [sflag:s22] =	dma.local [hbm:s5], s20  }
0x9e: {  	_ =	swait.ge [sflag:s22], s20  }
0x9f: {  	s4 =	ssub.s32 $0x0, s20;
	[sflag:s22] =	ssyncset.done $0x0  }
0xa0: {  	[sflag:s22] =	ssyncadd.s32 s4;
	_ =	sdelay $0x1  }
0xa1: {  	s23 =	simm.s32 $0x1B8B  }
0xa2: {  	_ =	swait.ge [sflag:s23], $0x1  }
0xa3: {  	[sflag:s23] =	ssyncset.done $0x0  }
0xa4: {  	s25 =	simm.s32 $0x1B8E;
	s24 =	sld [smem:$0x3FFE];
	[sflag:s23] =	ssyncadd.s32 $0xFFFFFFFF  }
0xa5: {  	s26 =	simm.s32 $execute0_lowered;
	[smem:$0x3FD2] =	sst s25  }
0xa6: {  	s5 =	sshll.u32 s26, $0x1;
	_ =	strace $0x80000046;
	[dreg:$0x1] =	wrdreg $0xFFFFFFFF  }
0xa7: {  	s28 =	simm.s32 $_size_execute0_lowered;
	s3 =	sadd.s32 s3, s5;
	[dreg:$0x0] =	wrdreg $0x0  }
0xa8: {  	s5 =	sshll.u32 s28, $0x1;
	[dreg:$0x2] =	wrdreg s3  }
0xa9: {  	[dreg:$0x3] =	wrdreg s5  }
0xaa: {  	[dreg:$0x4] =	wrdreg $0xC0  }
0xab: {  	_ =	task [dreg:s7], $0x5FFFF  }
0xac: {  	[dreg:$0x1] =	wrdreg $0xFFFFFFFF  }
0xad: {  	[dreg:$0x0] =	wrdreg $0x60  }
0xae: {  	[dreg:$0x2] =	wrdreg s24  }
0xaf: {  	[dreg:$0x3] =	wrdreg s2  }
0xb0: {  	[dreg:$0x4] =	wrdreg $0xE4200  }
0xb1: {  	[dreg:$0x5] =	wrdreg $0x9  }
0xb2: {  	_ =	task.clear_ibuf [dreg:s7], $0x6FFFF;
	_ =	strace $0x90000046  }
0xb3: {  	s29 =	simm.s32 $0x9;
	_ =	strace $0x80000048  }
0xb4: {  	_ =	swait.ge [sflag:s29], $0x1  }
0xb5: {  	[sflag:s29] =	ssyncadd.s32 $0xFFFFFFFF  }
0xb6: {  	_ =	strace $0x90000048  }
0xb7: {  	_ =	sfence  }
0xb8: {  	s30 =	sld [smem:$0x0];
	_ =	sdelay $0x2  }
0xb9: {  	s31 =	sshll.u32 s1, $0xD;
	s1 =	sshrl.u32 s1, $0x2  }
0xba: {  	s3 =	sand.u32 $0x4000, s31;
	s1 =	sadd.s32 s1, s30  }
0xbb: {  	s0 =	sor.u32 s3, s0;
	s1 =	sshll.u32 s1, $0x11  }
0xbc: {  	s0 =	sor.u32 s1, s0  }
0xbd: {  	s0 =	sadd.s32 $0x8F2B, s0  }
0xbe: {  	[sflag:s0] =	ssyncadd.remote.s32 $0x1  }
0xbf: {  	_ =	sfence.sel $0xFFFF  }
0xc0: {  	[dreg:$0x0] =	wrdreg $0xFFFFFFFF;
	(pc) =	sbr.abs _section_cstart, $3  }
0xc1: {  	[dreg:$0x1] =	wrdreg $0xFFFFFFFF  }
0xc2: {  	_ =	task.clear_ibuf [dreg:s7], $0x2FFFF;
	_ =	strace $0x9FFFFFFF  }
0xc3: {  	(tm) =	ssettm $0x7FFFFFFF  }
tec
execute0_lowered:
.L_overlay_start_1:
0x0: {  	(tag) =	ssettag $0x1  }
0x1: {  	s5 =	rddreg [dreg:$0x0]  }
0x2: {  	s8 =	rddreg [dreg:$0x1]  }
0x3: {  	s1 =	rddreg [dreg:$0x2]  }
0x4: {  	s0 =	rddreg [dreg:$0x3]  }
0x5: {  	s2 =	simm.s32 $0x0;
	s3 =	srdreg.scid;
	s10 =	stileid.u32  }
0x6: {  	s22 =	simm.s32 $0x90;
	s23 =	simm.s32 $0x320;
	s24 =	simm.s32 $0x0  }
0x7: {  	[smem:$0x7FF] =	sst s2;
	s6 =	sand.u32 $0x1, s3;
	s3 =	sadd.s32 $0x148C00, s5  }
0x8: {  	s4 =	sadd.s32 $0x10400, s5;
	p0 =	slt.u32 s10, $0x2;
	s12 =	sadd.s32 $0x11940, s1  }
0x9: {  	s13 =	sadd.s32 $0x23280, s1;
	s14 =	sadd.s32 $0x34BC0, s1;
	s15 =	sadd.s32 $0x46500, s1  }
0xa: {  	s31 =	smul.u32 $0x64, s10;
	s16 =	sadd.s32 $0x57E40, s1;
	s17 =	sadd.s32 $0x69780, s1  }
0xb: {  	s18 =	smul.u32 $0x1C200, s10;
	s19 =	sadd.s32 $0x7B0C0, s1;
	s20 =	sadd.s32 $0x8CA00, s1  }
0xc: {  	s21 =	sadd.s32 $0x9E340, s1;
	s7 =	smul.u32 $0x9, s6;
	s9 =	ssub.s32 $0x2, s6  }
0xd: {  	_ =	strace $0x80000047;
	s11 =	smul.u32 $0x48, s6;
	s30 =	sshrl.u32 s9, $0x1  }
0xe: {  	s8 =	sadd.s32 s31, s8;
	s7 =	sadd.s32 s7, s5;
	s5 =	simm.s32 $0x4  }
0xf: {  	s9 =	ssub.s32 s9, s30;
	s5 =	simm.s32 @!p0 $0x3;
	s6 =	sadd.s32 $0x12800, s7  }
0x10: {  	s7 =	smax.u32 s9, $0x1;
	s9 =	sor.u32 s11, s18;
	p0 =	sne.s32 s10, $0x0  }
0x11: {  	s10 =	sshrl.u32 @!p0 s1, $0x3;
	s11 =	sshrl.u32 @!p0 s12, $0x3;
	s12 =	sshrl.u32 @!p0 s13, $0x3  }
0x12: {  	s13 =	sshrl.u32 @!p0 s14, $0x3;
	s14 =	sshrl.u32 @!p0 s15, $0x3;
	s15 =	sshrl.u32 @!p0 s16, $0x3  }
0x13: {  	s16 =	sshrl.u32 @!p0 s17, $0x3;
	s17 =	sshrl.u32 @!p0 s19, $0x3;
	s18 =	sshrl.u32 @!p0 s20, $0x3  }
0x14: {  	s19 =	sshrl.u32 @!p0 s21, $0x3;
	s20 =	simm.s32 $0x1;
	s21 =	simm.s32 $0x48  }
.LBB2_1:
0x15: {  	s26 =	simm.s32 @!p0 $0x1C01;
	s25 =	simm.s32 @!p0 $0x1  }
0x16: {  	[spmem:s10], [sflag:s26] =	dma.local @!p0 [hbm:s4], $0x2328  }
0x17: {  	_ =	swait.ge @!p0 [sflag:s25], $0x2328  }
0x18: {  	[sflag:s25] =	ssyncset.done @!p0 $0x0  }
0x19: {  	[sflag:s25] =	ssyncadd.s32 @!p0 $0xFFFFDCD8  }
0x1a: {  	[spmem:s11], [sflag:s26] =	dma.local @!p0 [hbm:s4], $0x2328  }
0x1b: {  	_ =	swait.ge @!p0 [sflag:s25], $0x2328  }
0x1c: {  	[sflag:s25] =	ssyncset.done @!p0 $0x0  }
0x1d: {  	[sflag:s25] =	ssyncadd.s32 @!p0 $0xFFFFDCD8  }
0x1e: {  	[spmem:s12], [sflag:s26] =	dma.local @!p0 [hbm:s4], $0x2328  }
0x1f: {  	_ =	swait.ge @!p0 [sflag:s25], $0x2328  }
0x20: {  	[sflag:s25] =	ssyncset.done @!p0 $0x0  }
0x21: {  	[sflag:s25] =	ssyncadd.s32 @!p0 $0xFFFFDCD8  }
0x22: {  	[spmem:s13], [sflag:s26] =	dma.local @!p0 [hbm:s4], $0x2328  }
0x23: {  	_ =	swait.ge @!p0 [sflag:s25], $0x2328  }
0x24: {  	[sflag:s25] =	ssyncset.done @!p0 $0x0  }
0x25: {  	[sflag:s25] =	ssyncadd.s32 @!p0 $0xFFFFDCD8  }
0x26: {  	[spmem:s14], [sflag:s26] =	dma.local @!p0 [hbm:s4], $0x2328  }
0x27: {  	_ =	swait.ge @!p0 [sflag:s25], $0x2328  }
0x28: {  	[sflag:s25] =	ssyncset.done @!p0 $0x0  }
0x29: {  	[sflag:s25] =	ssyncadd.s32 @!p0 $0xFFFFDCD8  }
0x2a: {  	[spmem:s15], [sflag:s26] =	dma.local @!p0 [hbm:s4], $0x2328  }
0x2b: {  	_ =	swait.ge @!p0 [sflag:s25], $0x2328  }
0x2c: {  	[sflag:s25] =	ssyncset.done @!p0 $0x0  }
0x2d: {  	[sflag:s25] =	ssyncadd.s32 @!p0 $0xFFFFDCD8  }
0x2e: {  	[spmem:s16], [sflag:s26] =	dma.local @!p0 [hbm:s4], $0x2328  }
0x2f: {  	_ =	swait.ge @!p0 [sflag:s25], $0x2328  }
0x30: {  	[sflag:s25] =	ssyncset.done @!p0 $0x0  }
0x31: {  	[sflag:s25] =	ssyncadd.s32 @!p0 $0xFFFFDCD8  }
0x32: {  	[spmem:s17], [sflag:s26] =	dma.local @!p0 [hbm:s4], $0x2328  }
0x33: {  	_ =	swait.ge @!p0 [sflag:s25], $0x2328  }
0x34: {  	[sflag:s25] =	ssyncset.done @!p0 $0x0  }
0x35: {  	[sflag:s25] =	ssyncadd.s32 @!p0 $0xFFFFDCD8  }
0x36: {  	[spmem:s18], [sflag:s26] =	dma.local @!p0 [hbm:s4], $0x2328  }
0x37: {  	_ =	swait.ge @!p0 [sflag:s25], $0x2328  }
0x38: {  	[sflag:s25] =	ssyncset.done @!p0 $0x0  }
0x39: {  	[sflag:s25] =	ssyncadd.s32 @!p0 $0xFFFFDCD8  }
0x3a: {  	[spmem:s19], [sflag:s26] =	dma.local @!p0 [hbm:s4], $0x2328  }
0x3b: {  	_ =	swait.ge @!p0 [sflag:s25], $0x2328  }
0x3c: {  	[sflag:s25] =	ssyncset.done @!p0 $0x0  }
0x3d: {  	[sflag:s25] =	ssyncadd.s32 @!p0 $0xFFFFDCD8  }
0x3e: {  	[bflag:$0x0] =	sbarrier.arrive $0xFFFF  }
0x3f: {  	[tilespmem:s2], [sflag:$0x1] =	stream.linear.gather [hbm4b:s8+s2], $0x320, $0x38;
	[tilespmem:$0x193E8] =	vst v63  }
0x40: {  	_ =	swait.ge [sflag:s20], $0x320  }
0x41: {  	s28 =	sshrl.u32 s9, $0x3;
	[sflag:s20] =	ssyncset.done $0x0  }
0x42: {  	s28 =	sadd.s32 s3, s28;
	[sflag:s20] =	ssyncadd.s32 $0xFFFFFCE0  }
0x43: {  	[tilespmem:s23], [sflag:$0x1] =	stream.strided.gather [hbm4b:s28+s21], $0xE100, s22, s21, $0x38;
	[tilespmem:$0x193E8] =	vst v63  }
0x44: {  	p1 =	sne.s32 s5, $0x1;
	_ =	swait.ge [sflag:s20], $0xE100  }
.Ltmp0:
0x45: {  	[sflag:s20] =	ssyncset.done $0x0;
	(pc) =	sbr.rel @!p1 .LBB2_3-.Ltmp0, $4  }
0x46: {  	[sflag:s20] =	ssyncadd.s32 $0xFFFF1F00  }
0x47: {  	[spmem:s1] =	stream.indirect.scatter.add.f32 [tilespmem:s23], [sflag:$0x1], $0x48, s2, s23, $0xb8;
	[tilespmem:$0x193E8] =	vst v63  }
0x48: {  	s29 =	smov.u32 s8;
	_ =	swait.ge [sflag:s20], $0xE100  }
0x49: {  	s30 =	smov.u32 s9;
	s28 =	sadd.s32 $0xFFFFFFFF, s5;
	[sflag:s20] =	ssyncset.done $0x0  }
.LBB2_2:
0x4a: {  	[sflag:s20] =	ssyncadd.s32 $0xFFFF1F00;
	s29 =	sadd.s32 $0x640, s29;
	s30 =	sadd.s32 $0x1C2000, s30  }
0x4b: {  	[tilespmem:s2], [sflag:$0x1] =	stream.linear.gather [hbm4b:s29+s2], $0x320, $0x38;
	[tilespmem:$0x193E8] =	vst v63  }
0x4c: {  	p1 =	sne.s32 s28, $0x1;
	s28 =	sadd.s32 $0xFFFFFFFF, s28;
	_ =	swait.ge [sflag:s20], $0x320  }
0x4d: {  	s31 =	sshrl.u32 s30, $0x3;
	[sflag:s20] =	ssyncset.done $0x0  }
0x4e: {  	s31 =	sadd.s32 s3, s31;
	[sflag:s20] =	ssyncadd.s32 $0xFFFFFCE0  }
0x4f: {  	[tilespmem:s23], [sflag:$0x1] =	stream.strided.gather [hbm4b:s31+s21], $0xE100, s22, s21, $0x38;
	[tilespmem:$0x193E8] =	vst v63  }
0x50: {  	_ =	swait.ge [sflag:s20], $0xE100  }
.Ltmp1:
0x51: {  	[sflag:s20] =	ssyncset.done $0x0;
	(pc) =	sbr.rel @p1 .LBB2_2-.Ltmp1, $4  }
0x52: {  	[sflag:s20] =	ssyncadd.s32 $0xFFFF1F00  }
0x53: {  	[spmem:s1] =	stream.indirect.scatter.add.f32 [tilespmem:s23], [sflag:$0x1], $0x48, s2, s23, $0xb8;
	[tilespmem:$0x193E8] =	vst v63  }
0x54: {  	_ =	swait.ge [sflag:s20], $0xE100  }
0x55: {  	[sflag:s20] =	ssyncset.done $0x0  }
.LBB2_3:
0x56: {  	s24 =	sadd.s32 $0x1, s24  }
0x57: {  	[sflag:s20] =	ssyncadd.s32 $0xFFFF1F00;
	s28 =	simm.s32 @!p0 $0x12;
	p1 =	sne.s32 s24, s7  }
.Ltmp2:
0x58: {  	s29 =	simm.s32 @!p0 $0x9;
	[bflag:$0x0] =	sbarrier.arrive $0xFFFF;
	(pc) =	sbr.rel @p1 .LBB2_1-.Ltmp2, $4  }
0x59: {  	[hbm:s6@s28], [sflag:s26] =	dma.strided @!p0 [spmem:s10@s29], $0x15F90, s25, $0x9   }
0x5a: {  	_ =	swait.ge @!p0 [sflag:s25], $0x15F90  }
0x5b: {  	[sflag:s25] =	ssyncset.done @!p0 $0x0  }
0x5c: {  	[sflag:s25] =	ssyncadd.s32 @!p0 $0xFFFEA070  }
0x5d: {  	_ =	sfence.sel $0x180000  }
0x5e: {  	[bflag:$0x0] =	sbarrier.arrive $0xFFFF  }
0x5f: {  	_ =	strace $0x90000047  }
0x60: {  	s0 =	sadd.s32 @!p0 $0x100000, s0;
	[bflag:$0x2] =	sbarrier.arrive $0xFFFF  }
0x61: {  	[sflag:s0] =	ssyncadd.tile.s32 @!p0 $0x1;
	_ =	shalt  }
.Lfunc_end2:
_tile_overlayer_lowered:
.L_overlay_start_2:
0x62: {  	(tag) =	ssettag $0x2  }
0x63: {  	s0 =	rddreg [dreg:$0x0];
	s2 =	stileid.u32  }
0x64: {  	s1 =	rddreg [dreg:$0x1];
	p0 =	sne.s32 s2, $0x0  }
0x65: {  	s3 =	rddreg [dreg:$0x2];
	[bflag:$0x3] =	sbarrier.arrive $0xFFFF;
	s2 =	simm.s32 @!p0 $0x1C01  }
0x66: {  	[timem:s3], [sflag:s2] =	dma.local @!p0 [hbm:s0], s1  }
0x67: {  	s0 =	simm.s32 @!p0 $0x1  }
0x68: {  	_ =	swait.ge @!p0 [sflag:s0], s1  }
0x69: {  	s1 =	ssub.s32 @!p0 $0x0, s1;
	[sflag:s0] =	ssyncset.done @!p0 $0x0  }
0x6a: {  	[sflag:s0] =	ssyncadd.s32 @!p0 s1  }
0x6b: {  	[bflag:$0x3] =	sbarrier.arrive $0xFFFF  }
0x6c: {  	_ =	shalt  }

// kernel: kernel.20.cloned.1.call-start
scs
__scs_entry_jumppad:
0x0: {  	(pc) =	sbr.rel $0x88, $3  }
0x1: {  	(tag) =	ssettag $0x0;
	lr =	simm.s32 $0x1  }
0x2: {  	[smem:$0x3F8C] =	sst lr;
	_ =	strace $0xD0000000  }
0x3: {  	_ = 	snop  }
0x4: {  	_ = 	snop  }
0x5: {  	_ = 	snop  }
0x6: {  	_ = 	snop  }
0x7: {  	_ = 	snop  }
__scs_overlays_trampoline_lowered:
0x8: {  	[smem:$0x3F9B] =	sst s0  }
0x9: {  	[smem:$0x3F9C] =	sst s1  }
0xa: {  	[smem:$0x3F9D] =	sst s2  }
0xb: {  	[smem:$0x3F9E] =	sst s3  }
0xc: {  	[smem:$0x3F9F] =	sst s4  }
0xd: {  	[smem:$0x3FA0] =	sst s5  }
0xe: {  	[smem:$0x3FA1] =	sst s6  }
0xf: {  	[smem:$0x3FA2] =	sst s7  }
0x10: {  	[smem:$0x3FA3] =	sst s8  }
0x11: {  	[smem:$0x3FA4] =	sst s9;
	s0 =	simm.s32 @!p0 $0x0  }
0x12: {  	s1 =	sld [smem:$0x3F8A];
	s0 =	simm.s32 @p0 $0x1  }
0x13: {  	[smem:$0x3FA5] =	sst s0;
	s0 =	simm.s32 @!p1 $0x0  }
0x14: {  	s2 =	sld [smem:$0x3F89];
	s0 =	simm.s32 @p1 $0x1  }
0x15: {  	[smem:$0x3FA6] =	sst s0;
	s0 =	simm.s32 @!p2 $0x0  }
0x16: {  	s3 =	sld [smem:$0x3FDB];
	s0 =	simm.s32 @p2 $0x1  }
0x17: {  	s4 =	simm.s32 $0x1BF5;
	[smem:$0x3FA8] =	sst s0  }
0x18: {  	s0 =	sld [smem:$0x3F8B];
	_ =	swait.ge [sflag:s4], $0x0  }
0x19: {  	s7 =	sld [smem:$0x3F8C]  }
0x1a: {  	s8 =	sadd.s32 $0xFFFFE003, lr  }
0x1b: {  	s9 =	sadd.s32 $0xFFFFFEF7, lr;
	s5 =	simm.s32 $0xFFFFFFFF;
	p2 =	slt.u32 s8, $0xFFFFF086  }
0x1c: {  	p1 =	slt.u32 s9, $0xF7A;
	s5 =	simm.s32 @!p2 $0x0  }
0x1d: {  	s5 =	simm.s32 @p1 $0x1;
	p0 =	seq.s32 s7, s2  }
0x1e: {  	s7 =	smul.u32 @!p0 $0xF7A, s2;
	p2 =	seq.s32 @!p0 s5, $0x0  }
0x1f: {  	s9 =	smul.u32 $0xF7A, s1;
	s8 =	simm.s32 @!p0 $0x1BF5;
	p2 =	por !p2, p0  }
0x20: {  	[sflag:s8] =	ssyncset.s32 @!p0 $0xFFFFF086;
	s6 =	sadd.s32 @!p0 s3, s7;
	s7 =	simm.s32 @!p0 $0x108  }
0x21: {  	s3 =	sadd.s32 s3, s9;
	s6 =	sadd.s32 @!p0 $0x88, s6;
	s7 =	simm.s32 @p2 $0x1082  }
0x22: {  	[simem:s7], [sflag:s8] =	dma.local @!p0 [hbm:s6], $0xF7A  }
0x23: {  	s9 =	sor.u32 $0xD0000000, s2;
	s6 =	simm.s32 $0x108;
	_ =	swait.ge @!p0 [sflag:s8], $0x0  }
0x24: {  	s3 =	sadd.s32 $0x88, s3;
	s6 =	simm.s32 @!p1 $0x1082;
	[sflag:s4] =	ssyncset.s32 $0xFFFFF086  }
0x25: {  	[simem:s6], [sflag:s4] =	dma.local [hbm:s3], $0xF7A  }
0x26: {  	[smem:$0x3F8C] =	sst s1;
	(tag) =	ssettag s2;
	_ =	strace s9  }
0x27: {  	s1 =	sld [smem:$0x3F9C]  }
0x28: {  	s2 =	sld [smem:$0x3F9D]  }
0x29: {  	s4 =	sld [smem:$0x3F9F]  }
0x2a: {  	p0 =	seq.s32 s5, $0x0;
	s5 =	sld [smem:$0x3FA0]  }
0x2b: {  	s6 =	sld [smem:$0x3FA1]  }
0x2c: {  	s7 =	sld [smem:$0x3FA2]  }
0x2d: {  	s3 =	simm.s32 $0x108;
	s8 =	sld [smem:$0x3FA3]  }
0x2e: {  	s3 =	simm.s32 @!p0 $0x1082;
	s9 =	sld [smem:$0x3FA4]  }
0x2f: {  	lr =	sadd.s32 s0, s3;
	s0 =	sld [smem:$0x3F9B]  }
0x30: {  	s3 =	sld [smem:$0x3F9E]  }
0x31: {  	[smem:$0x3FA7] =	sst s10  }
0x32: {  	s10 =	sld [smem:$0x3FA5];
	_ =	sdelay $0x3  }
0x33: {  	p0 =	seq.s32 s10, $0x1;
	s10 =	sld [smem:$0x3FA7];
	_ =	sdelay $0x3  }
0x34: {  	[smem:$0x3FA7] =	sst s10  }
0x35: {  	s10 =	sld [smem:$0x3FA6];
	_ =	sdelay $0x3  }
0x36: {  	p1 =	seq.s32 s10, $0x1;
	s10 =	sld [smem:$0x3FA7];
	_ =	sdelay $0x3  }
0x37: {  	[smem:$0x3FA7] =	sst s10  }
0x38: {  	s10 =	sld [smem:$0x3FA8]  }
0x39: {  	_ = 	snop;
	(pc) =	sbr.ind lr, $3  }
0x3a: {  	_ = 	snop  }
0x3b: {  	_ = 	snop  }
0x3c: {  	p2 =	seq.s32 s10, $0x1;
	s10 =	sld [smem:$0x3FA7]  }
0x3d: {  	_ =	shalt  }
0x3e: {  	_ =	shalt  }
0x3f: {  	_ =	shalt  }
0x40: {  	_ =	shalt  }
0x41: {  	_ =	shalt  }
0x42: {  	_ =	shalt  }
0x43: {  	_ =	shalt  }
0x44: {  	_ =	shalt  }
0x45: {  	_ =	shalt  }
0x46: {  	_ =	shalt  }
0x47: {  	_ =	shalt  }
0x48: {  	_ =	shalt  }
0x49: {  	_ =	shalt  }
0x4a: {  	_ =	shalt  }
0x4b: {  	_ =	shalt  }
0x4c: {  	_ =	shalt  }
0x4d: {  	_ =	shalt  }
0x4e: {  	_ =	shalt  }
0x4f: {  	_ =	shalt  }
0x50: {  	_ =	shalt  }
0x51: {  	_ =	shalt  }
0x52: {  	_ =	shalt  }
0x53: {  	_ =	shalt  }
0x54: {  	_ =	shalt  }
0x55: {  	_ =	shalt  }
0x56: {  	_ =	shalt  }
0x57: {  	_ =	shalt  }
0x58: {  	_ =	shalt  }
0x59: {  	_ =	shalt  }
0x5a: {  	_ =	shalt  }
0x5b: {  	_ =	shalt  }
0x5c: {  	_ =	shalt  }
0x5d: {  	_ =	shalt  }
0x5e: {  	_ =	shalt  }
0x5f: {  	_ =	shalt  }
0x60: {  	_ =	shalt  }
0x61: {  	_ =	shalt  }
0x62: {  	_ =	shalt  }
0x63: {  	_ =	shalt  }
0x64: {  	_ =	shalt  }
0x65: {  	_ =	shalt  }
0x66: {  	_ =	shalt  }
0x67: {  	_ =	shalt  }
0x68: {  	_ =	shalt  }
0x69: {  	_ =	shalt  }
0x6a: {  	_ =	shalt  }
0x6b: {  	_ =	shalt  }
0x6c: {  	_ =	shalt  }
0x6d: {  	_ =	shalt  }
0x6e: {  	_ =	shalt  }
0x6f: {  	_ =	shalt  }
0x70: {  	_ =	shalt  }
0x71: {  	_ =	shalt  }
0x72: {  	_ =	shalt  }
0x73: {  	_ =	shalt  }
0x74: {  	_ =	shalt  }
0x75: {  	_ =	shalt  }
0x76: {  	_ =	shalt  }
0x77: {  	_ =	shalt  }
0x78: {  	_ =	shalt  }
0x79: {  	_ =	shalt  }
0x7a: {  	_ =	shalt  }
0x7b: {  	_ =	shalt  }
0x7c: {  	_ =	shalt  }
0x7d: {  	_ =	shalt  }
0x7e: {  	_ =	shalt  }
0x7f: {  	_ =	shalt  }
0x80: {  	_ =	shalt  }
0x81: {  	_ =	shalt  }
0x82: {  	_ =	shalt  }
0x83: {  	_ =	shalt  }
0x84: {  	_ =	shalt  }
0x85: {  	_ =	shalt  }
0x86: {  	_ =	shalt  }
0x87: {  	_ =	shalt  }
.Lfunc_end0:
.L_simem_size_0:
called_computation.1_lowered:
.L_overlay_start_0:
0x88: {  	s2 =	sld [smem:$0x3FD9]  }
0x89: {  	s3 =	sld [smem:$0x3FFE];
	_ =	sdelay $0x1  }
0x8a: {  	s1 =	srdreg.scid  }
0x8b: {  	s0 =	sand.u32 $0x1, s1  }
0x8c: {  	s16 =	sshll.u32 s0, $0xA;
	s2 =	sadd.s32 s3, s2  }
0x8d: {  	s2 =	sadd.s32 s2, s16  }
0x8e: {  	[smem:$0x3FB3] =	sst s2  }
0x8f: {  	_ = 	snop  }
0x90: {  	(tm) =	ssettm $0x1  }
0x91: {  	s17 =	sld [smem:$0x3FFB];
	_ =	sdelay $0x3  }
0x92: {  	_ =	strace s17  }
0x93: {  	s2 =	sld [smem:$0x3FFC];
	_ =	sdelay $0x3  }
0x94: {  	_ =	strace s2  }
0x95: {  	s2 =	sld [smem:$0x3FFD];
	_ =	sdelay $0x3  }
0x96: {  	_ =	strace s2  }
0x97: {  	_ =	strace $0x8FFFFFFF  }
0x98: {  	s18 =	sld [smem:$0x3FDB];
	_ =	sdelay $0x1  }
0x99: {  	s19 =	simm.s32 $_scs_section_size  }
0x9a: {  	s4 =	simm.s32 $_size__tile_overlayer_lowered;
	s5 =	simm.s32 $_tile_overlayer_lowered  }
0x9b: {  	s22 =	simm.s32 $0x1BFF;
	s21 =	sshll.u32 s5, $0x1;
	s2 =	sadd.s32 s19, s18  }
0x9c: {  	s6 =	simm.s32 $0x0;
	s20 =	sshll.u32 s4, $0x1;
	s4 =	sadd.s32 s21, s2  }
0x9d: {  	[timem:s6], [sflag:s22] =	dma.local [hbm:s4], s20  }
0x9e: {  	_ =	swait.ge [sflag:s22], s20  }
0x9f: {  	s3 =	ssub.s32 $0x0, s20;
	[sflag:s22] =	ssyncset.done $0x0  }
0xa0: {  	[sflag:s22] =	ssyncadd.s32 s3;
	_ =	sdelay $0x1  }
0xa1: {  	s23 =	simm.s32 $0x1B8B  }
0xa2: {  	_ =	swait.ge [sflag:s23], $0x1  }
0xa3: {  	[sflag:s23] =	ssyncset.done $0x0  }
0xa4: {  	s25 =	simm.s32 $0x1B8E;
	s24 =	sld [smem:$0x3FFE];
	[sflag:s23] =	ssyncadd.s32 $0xFFFFFFFF  }
0xa5: {  	s26 =	simm.s32 $execute0_lowered;
	[smem:$0x3FD2] =	sst s25  }
0xa6: {  	s4 =	sshll.u32 s26, $0x1;
	_ =	strace $0x80000049;
	[dreg:$0x1] =	wrdreg $0xFFFFFFFF  }
0xa7: {  	s28 =	simm.s32 $_size_execute0_lowered;
	s2 =	sadd.s32 s2, s4;
	[dreg:$0x0] =	wrdreg $0x0  }
0xa8: {  	s4 =	sshll.u32 s28, $0x1;
	[dreg:$0x2] =	wrdreg s2  }
0xa9: {  	[dreg:$0x3] =	wrdreg s4  }
0xaa: {  	[dreg:$0x4] =	wrdreg $0xC0  }
0xab: {  	_ =	task [dreg:s6], $0x5FFFF  }
0xac: {  	[dreg:$0x1] =	wrdreg $0xFFFFFFFF  }
0xad: {  	[dreg:$0x0] =	wrdreg $0x60  }
0xae: {  	[dreg:$0x2] =	wrdreg s24  }
0xaf: {  	[dreg:$0x3] =	wrdreg $0x9  }
0xb0: {  	_ =	task.clear_ibuf [dreg:s6], $0x4FFFF;
	_ =	strace $0x90000049  }
0xb1: {  	s29 =	simm.s32 $0x9;
	_ =	strace $0x8000004B  }
0xb2: {  	_ =	swait.ge [sflag:s29], $0x1  }
0xb3: {  	[sflag:s29] =	ssyncadd.s32 $0xFFFFFFFF  }
0xb4: {  	_ =	strace $0x9000004B  }
0xb5: {  	_ =	sfence  }
0xb6: {  	s30 =	sld [smem:$0x0];
	_ =	sdelay $0x2  }
0xb7: {  	s31 =	sshll.u32 s1, $0xD;
	s1 =	sshrl.u32 s1, $0x2  }
0xb8: {  	s3 =	sand.u32 $0x4000, s31;
	s1 =	sadd.s32 s1, s30  }
0xb9: {  	s0 =	sor.u32 s3, s0;
	s1 =	sshll.u32 s1, $0x11  }
0xba: {  	s0 =	sor.u32 s1, s0  }
0xbb: {  	s0 =	sadd.s32 $0x8F2B, s0  }
0xbc: {  	[sflag:s0] =	ssyncadd.remote.s32 $0x1  }
0xbd: {  	_ =	sfence.sel $0xFFFF  }
0xbe: {  	[dreg:$0x0] =	wrdreg $0xFFFFFFFF;
	(pc) =	sbr.abs _section_cstart, $3  }
0xbf: {  	[dreg:$0x1] =	wrdreg $0xFFFFFFFF  }
0xc0: {  	_ =	task.clear_ibuf [dreg:s6], $0x2FFFF;
	_ =	strace $0x9FFFFFFF  }
0xc1: {  	(tm) =	ssettm $0x7FFFFFFF  }
tec
execute0_lowered:
.L_overlay_start_1:
0x0: {  	(tag) =	ssettag $0x1  }
0x1: {  	s5 =	rddreg [dreg:$0x0]  }
0x2: {  	s0 =	rddreg [dreg:$0x1];
	s2 =	simm.s32 $0x0;
	s1 =	stileid.u32  }
0x3: {  	s3 =	srdreg.scid;
	s12 =	simm.s32 $0x1;
	s13 =	simm.s32 $0x0  }
0x4: {  	[smem:$0x7FF] =	sst s2;
	s6 =	smul.u32 $0x64, s1;
	s7 =	sand.u32 $0x1, s3  }
0x5: {  	s3 =	sadd.s32 $0x54000, s5;
	s8 =	smul.u32 $0x3840, s1;
	s4 =	sadd.s32 $0x80000, s5  }
.Ltmp0:
0x6: {  	_ =	strace $0x8000004A;
	s9 =	ssub.s32 $0x2, s7;
	(pc) =	sbr.rel .LBB2_1-.Ltmp0, $4  }
0x7: {  	p0 =	seq.s32 s7, $0x1;
	s30 =	sshrl.u32 s9, $0x1;
	s11 =	sadd.s32 s8, s5  }
0x8: {  	s10 =	sadd.s32 s6, s5;
	s31 =	ssub.s32 s9, s30;
	s6 =	sadd.s32 $0xAC000, s11  }
0x9: {  	s7 =	sadd.s32 $0x4A200, s10;
	s8 =	sadd.s32 $0x40400, s10;
	s9 =	sadd.s32 $0x62A400, s11  }
0xa: {  	s10 =	simm.s32 $0x2;
	s11 =	simm.s32 $0x320;
	s5 =	smax.u32 s31, $0x1  }
.LBB2_7:
0xb: {  	s15 =	sadd.s32 s15, s8;
	[sflag:s10] =	ssyncadd.s32 $0xFFFE3E00  }
0xc: {  	[tilespmem:s2], [sflag:$0x2] =	stream.linear.gather [hbm4b:s15+s2], $0x320, $0x38;
	[tilespmem:$0x1C520] =	vst v63  }
0xd: {  	_ =	swait.ge [sflag:s10], $0x320  }
0xe: {  	[sflag:s10] =	ssyncset.done $0x0  }
0xf: {  	[sflag:s10] =	ssyncadd.s32 $0xFFFFFCE0  }
0x10: {  	[tilespmem:s11], [sflag:$0x1] =	stream.indirect.gather [hbm4b:s4+s11], $0x90, s2, s11, $0xb8;
	[tilespmem:$0x1C520] =	vst v63  }
0x11: {  	_ =	swait.ge [sflag:s12], $0x1C200  }
0x12: {  	[sflag:s12] =	ssyncset.done $0x0  }
0x13: {  	[sflag:s12] =	ssyncadd.s32 $0xFFFE3E00  }
0x14: {  	[hbm4b:s14+s2] =	stream.linear.scatter [tilespmem:s11], [sflag:$0x2], $0x1C200, $0x38;
	[tilespmem:$0x1C520] =	vst v63  }
0x15: {  	_ =	swait.ge [sflag:s10], $0x1C200  }
0x16: {  	[sflag:s10] =	ssyncset.done $0x0  }
0x17: {  	[sflag:s10] =	ssyncadd.s32 $0xFFFE3E00  }
.LBB2_8:
0x18: {  	s13 =	sadd.s32 $0x1, s13  }
0x19: {  	p1 =	sne.s32 s13, s5  }
.Ltmp1:
0x1a: {  	_ = 	snop;
	(pc) =	sbr.rel @!p1 .LBB2_9-.Ltmp1, $1  }
0x1b: {  	_ =	sdelay $0x3  }
.LBB2_1:
.Ltmp2:
0x1c: {  	(pc) =	sbr.rel @!p0 .LBB2_2-.Ltmp2, $1  }
0x1d: {  	_ =	sdelay $0x3  }
0x1e: {  	s14 =	sadd.s32 $0x0, s8  }
0x1f: {  	[tilespmem:s2], [sflag:$0x2] =	stream.linear.gather [hbm4b:s14+s2], $0x320, $0x38;
	[tilespmem:$0x1C520] =	vst v63  }
0x20: {  	_ =	swait.ge [sflag:s10], $0x320  }
0x21: {  	[sflag:s10] =	ssyncset.done $0x0  }
0x22: {  	[sflag:s10] =	ssyncadd.s32 $0xFFFFFCE0  }
0x23: {  	[tilespmem:s11], [sflag:$0x1] =	stream.indirect.gather [hbm4b:s4+s11], $0x90, s2, s11, $0xb8;
	[tilespmem:$0x1C520] =	vst v63  }
0x24: {  	_ =	swait.ge [sflag:s12], $0x1C200  }
0x25: {  	[sflag:s12] =	ssyncset.done $0x0  }
0x26: {  	[sflag:s12] =	ssyncadd.s32 $0xFFFE3E00  }
0x27: {  	[hbm4b:s9+s2] =	stream.linear.scatter [tilespmem:s11], [sflag:$0x2], $0x1C200, $0x38;
	[tilespmem:$0x1C520] =	vst v63  }
0x28: {  	s15 =	simm.s32 $0x640;
	_ =	swait.ge [sflag:s10], $0x1C200  }
0x29: {  	s16 =	simm.s32 $0xC80;
	s14 =	sadd.s32 $0x38400, s9;
	[sflag:s10] =	ssyncset.done $0x0  }
.LBB2_6:
0x2a: {  	s17 =	sadd.s32 s15, s8  }
0x2b: {  	[sflag:s10] =	ssyncadd.s32 $0xFFFE3E00;
	s15 =	smov.u32 s16;
	s18 =	sadd.s32 $0x640, s16  }
0x2c: {  	[tilespmem:s2], [sflag:$0x2] =	stream.linear.gather [hbm4b:s17+s2], $0x320, $0x38;
	[tilespmem:$0x1C520] =	vst v63  }
0x2d: {  	p1 =	sne.s32 s16, $0x9600;
	_ =	swait.ge [sflag:s10], $0x320  }
0x2e: {  	[sflag:s10] =	ssyncset.done $0x0  }
0x2f: {  	[sflag:s10] =	ssyncadd.s32 $0xFFFFFCE0  }
0x30: {  	[tilespmem:s11], [sflag:$0x1] =	stream.indirect.gather [hbm4b:s4+s11], $0x90, s2, s11, $0xb8;
	[tilespmem:$0x1C520] =	vst v63  }
0x31: {  	_ =	swait.ge [sflag:s12], $0x1C200  }
.Ltmp3:
0x32: {  	[sflag:s12] =	ssyncset.done $0x0;
	(pc) =	sbr.rel @p1 .LBB2_6-.Ltmp3, $4  }
0x33: {  	[sflag:s12] =	ssyncadd.s32 $0xFFFE3E00  }
0x34: {  	[hbm4b:s14+s2] =	stream.linear.scatter [tilespmem:s11], [sflag:$0x2], $0x1C200, $0x38;
	[tilespmem:$0x1C520] =	vst v63  }
0x35: {  	_ =	swait.ge [sflag:s10], $0x1C200  }
0x36: {  	s16 =	smov.u32 s18;
	s14 =	sadd.s32 $0x38400, s14;
	[sflag:s10] =	ssyncset.done $0x0  }
.Ltmp4:
0x37: {  	_ = 	snop;
	(pc) =	sbr.rel .LBB2_7-.Ltmp4, $1  }
0x38: {  	_ =	sdelay $0x3  }
.LBB2_2:
0x39: {  	s14 =	sadd.s32 $0x0, s7  }
0x3a: {  	[tilespmem:s2], [sflag:$0x2] =	stream.linear.gather [hbm4b:s14+s2], $0x320, $0x38;
	[tilespmem:$0x1C520] =	vst v63  }
0x3b: {  	_ =	swait.ge [sflag:s10], $0x320  }
0x3c: {  	[sflag:s10] =	ssyncset.done $0x0  }
0x3d: {  	[sflag:s10] =	ssyncadd.s32 $0xFFFFFCE0  }
0x3e: {  	[tilespmem:s11], [sflag:$0x1] =	stream.indirect.gather [hbm4b:s3+s11], $0x90, s2, s11, $0xb8;
	[tilespmem:$0x1C520] =	vst v63  }
0x3f: {  	_ =	swait.ge [sflag:s12], $0x1C200  }
0x40: {  	[sflag:s12] =	ssyncset.done $0x0  }
0x41: {  	[sflag:s12] =	ssyncadd.s32 $0xFFFE3E00  }
0x42: {  	[hbm4b:s6+s2] =	stream.linear.scatter [tilespmem:s11], [sflag:$0x2], $0x1C200, $0x38;
	[tilespmem:$0x1C520] =	vst v63  }
0x43: {  	s15 =	simm.s32 $0x640;
	_ =	swait.ge [sflag:s10], $0x1C200  }
0x44: {  	s16 =	simm.s32 $0xC80;
	s14 =	sadd.s32 $0x38400, s6;
	[sflag:s10] =	ssyncset.done $0x0  }
.LBB2_3:
0x45: {  	s17 =	sadd.s32 s15, s7  }
0x46: {  	[sflag:s10] =	ssyncadd.s32 $0xFFFE3E00;
	s15 =	smov.u32 s16;
	s18 =	sadd.s32 $0x640, s16  }
0x47: {  	[tilespmem:s2], [sflag:$0x2] =	stream.linear.gather [hbm4b:s17+s2], $0x320, $0x38;
	[tilespmem:$0x1C520] =	vst v63  }
0x48: {  	p1 =	seq.s32 s16, $0x9600;
	_ =	swait.ge [sflag:s10], $0x320  }
0x49: {  	[sflag:s10] =	ssyncset.done $0x0  }
0x4a: {  	[sflag:s10] =	ssyncadd.s32 $0xFFFFFCE0  }
0x4b: {  	[tilespmem:s11], [sflag:$0x1] =	stream.indirect.gather [hbm4b:s3+s11], $0x90, s2, s11, $0xb8;
	[tilespmem:$0x1C520] =	vst v63  }
0x4c: {  	_ =	swait.ge [sflag:s12], $0x1C200  }
.Ltmp5:
0x4d: {  	[sflag:s12] =	ssyncset.done $0x0;
	(pc) =	sbr.rel @!p1 .LBB2_3-.Ltmp5, $4  }
0x4e: {  	[sflag:s12] =	ssyncadd.s32 $0xFFFE3E00  }
0x4f: {  	[hbm4b:s14+s2] =	stream.linear.scatter [tilespmem:s11], [sflag:$0x2], $0x1C200, $0x38;
	[tilespmem:$0x1C520] =	vst v63  }
0x50: {  	_ =	swait.ge [sflag:s10], $0x1C200  }
0x51: {  	s16 =	smov.u32 s18;
	s14 =	sadd.s32 $0x38400, s14;
	[sflag:s10] =	ssyncset.done $0x0  }
0x52: {  	s15 =	sadd.s32 s15, s7;
	[sflag:s10] =	ssyncadd.s32 $0xFFFE3E00  }
0x53: {  	[tilespmem:s2], [sflag:$0x2] =	stream.linear.gather [hbm4b:s15+s2], $0x320, $0x38;
	[tilespmem:$0x1C520] =	vst v63  }
0x54: {  	_ =	swait.ge [sflag:s10], $0x320  }
0x55: {  	[sflag:s10] =	ssyncset.done $0x0  }
0x56: {  	[sflag:s10] =	ssyncadd.s32 $0xFFFFFCE0  }
0x57: {  	[tilespmem:s11], [sflag:$0x1] =	stream.indirect.gather [hbm4b:s3+s11], $0x90, s2, s11, $0xb8;
	[tilespmem:$0x1C520] =	vst v63  }
0x58: {  	_ =	swait.ge [sflag:s12], $0x1C200  }
0x59: {  	[sflag:s12] =	ssyncset.done $0x0  }
.Ltmp6:
0x5a: {  	[sflag:s12] =	ssyncadd.s32 $0xFFFE3E00;
	(pc) =	sbr.rel .LBB2_8-.Ltmp6, $4  }
0x5b: {  	[hbm4b:s14+s2] =	stream.linear.scatter [tilespmem:s11], [sflag:$0x2], $0x1C200, $0x38;
	[tilespmem:$0x1C520] =	vst v63  }
0x5c: {  	_ =	swait.ge [sflag:s10], $0x1C200  }
0x5d: {  	[sflag:s10] =	ssyncset.done $0x0  }
0x5e: {  	[sflag:s10] =	ssyncadd.s32 $0xFFFE3E00  }
.LBB2_9:
0x5f: {  	_ =	sfence.sel $0x180000  }
0x60: {  	[bflag:$0x0] =	sbarrier.arrive $0xFFFF  }
0x61: {  	p0 =	sne.s32 s1, $0x0;
	_ =	strace $0x9000004A  }
0x62: {  	s0 =	sadd.s32 @!p0 $0x100000, s0;
	[bflag:$0x2] =	sbarrier.arrive $0xFFFF  }
0x63: {  	[sflag:s0] =	ssyncadd.tile.s32 @!p0 $0x1;
	_ =	shalt  }
.Lfunc_end2:
_tile_overlayer_lowered:
.L_overlay_start_2:
0x64: {  	(tag) =	ssettag $0x2  }
0x65: {  	s0 =	rddreg [dreg:$0x0];
	s2 =	stileid.u32  }
0x66: {  	s1 =	rddreg [dreg:$0x1];
	p0 =	sne.s32 s2, $0x0  }
0x67: {  	s3 =	rddreg [dreg:$0x2];
	[bflag:$0x3] =	sbarrier.arrive $0xFFFF;
	s2 =	simm.s32 @!p0 $0x1C02  }
0x68: {  	[timem:s3], [sflag:s2] =	dma.local @!p0 [hbm:s0], s1  }
0x69: {  	s0 =	simm.s32 @!p0 $0x2  }
0x6a: {  	_ =	swait.ge @!p0 [sflag:s0], s1  }
0x6b: {  	s1 =	ssub.s32 @!p0 $0x0, s1;
	[sflag:s0] =	ssyncset.done @!p0 $0x0  }
0x6c: {  	[sflag:s0] =	ssyncadd.s32 @!p0 s1  }
0x6d: {  	[bflag:$0x3] =	sbarrier.arrive $0xFFFF  }
0x6e: {  	_ =	shalt  }

// kernel: kernel.23.cloned.1.call-start
scs
__scs_entry_jumppad:
0x0: {  	(pc) =	sbr.rel $0x88, $3  }
0x1: {  	(tag) =	ssettag $0x0;
	lr =	simm.s32 $0x1  }
0x2: {  	[smem:$0x3F8C] =	sst lr;
	_ =	strace $0xD0000000  }
0x3: {  	_ = 	snop  }
0x4: {  	_ = 	snop  }
0x5: {  	_ = 	snop  }
0x6: {  	_ = 	snop  }
0x7: {  	_ = 	snop  }
__scs_overlays_trampoline_lowered:
0x8: {  	[smem:$0x3F9B] =	sst s0  }
0x9: {  	[smem:$0x3F9C] =	sst s1  }
0xa: {  	[smem:$0x3F9D] =	sst s2  }
0xb: {  	[smem:$0x3F9E] =	sst s3  }
0xc: {  	[smem:$0x3F9F] =	sst s4  }
0xd: {  	[smem:$0x3FA0] =	sst s5  }
0xe: {  	[smem:$0x3FA1] =	sst s6  }
0xf: {  	[smem:$0x3FA2] =	sst s7  }
0x10: {  	[smem:$0x3FA3] =	sst s8  }
0x11: {  	[smem:$0x3FA4] =	sst s9;
	s0 =	simm.s32 @!p0 $0x0  }
0x12: {  	s1 =	sld [smem:$0x3F8A];
	s0 =	simm.s32 @p0 $0x1  }
0x13: {  	[smem:$0x3FA5] =	sst s0;
	s0 =	simm.s32 @!p1 $0x0  }
0x14: {  	s2 =	sld [smem:$0x3F89];
	s0 =	simm.s32 @p1 $0x1  }
0x15: {  	[smem:$0x3FA6] =	sst s0;
	s0 =	simm.s32 @!p2 $0x0  }
0x16: {  	s3 =	sld [smem:$0x3FDB];
	s0 =	simm.s32 @p2 $0x1  }
0x17: {  	s4 =	simm.s32 $0x1BF5;
	[smem:$0x3FA8] =	sst s0  }
0x18: {  	s0 =	sld [smem:$0x3F8B];
	_ =	swait.ge [sflag:s4], $0x0  }
0x19: {  	s7 =	sld [smem:$0x3F8C]  }
0x1a: {  	s8 =	sadd.s32 $0xFFFFE003, lr  }
0x1b: {  	s9 =	sadd.s32 $0xFFFFFEF7, lr;
	s5 =	simm.s32 $0xFFFFFFFF;
	p2 =	slt.u32 s8, $0xFFFFF086  }
0x1c: {  	p1 =	slt.u32 s9, $0xF7A;
	s5 =	simm.s32 @!p2 $0x0  }
0x1d: {  	s5 =	simm.s32 @p1 $0x1;
	p0 =	seq.s32 s7, s2  }
0x1e: {  	s7 =	smul.u32 @!p0 $0xF7A, s2;
	p2 =	seq.s32 @!p0 s5, $0x0  }
0x1f: {  	s9 =	smul.u32 $0xF7A, s1;
	s8 =	simm.s32 @!p0 $0x1BF5;
	p2 =	por !p2, p0  }
0x20: {  	[sflag:s8] =	ssyncset.s32 @!p0 $0xFFFFF086;
	s6 =	sadd.s32 @!p0 s3, s7;
	s7 =	simm.s32 @!p0 $0x108  }
0x21: {  	s3 =	sadd.s32 s3, s9;
	s6 =	sadd.s32 @!p0 $0x88, s6;
	s7 =	simm.s32 @p2 $0x1082  }
0x22: {  	[simem:s7], [sflag:s8] =	dma.local @!p0 [hbm:s6], $0xF7A  }
0x23: {  	s9 =	sor.u32 $0xD0000000, s2;
	s6 =	simm.s32 $0x108;
	_ =	swait.ge @!p0 [sflag:s8], $0x0  }
0x24: {  	s3 =	sadd.s32 $0x88, s3;
	s6 =	simm.s32 @!p1 $0x1082;
	[sflag:s4] =	ssyncset.s32 $0xFFFFF086  }
0x25: {  	[simem:s6], [sflag:s4] =	dma.local [hbm:s3], $0xF7A  }
0x26: {  	[smem:$0x3F8C] =	sst s1;
	(tag) =	ssettag s2;
	_ =	strace s9  }
0x27: {  	s1 =	sld [smem:$0x3F9C]  }
0x28: {  	s2 =	sld [smem:$0x3F9D]  }
0x29: {  	s4 =	sld [smem:$0x3F9F]  }
0x2a: {  	p0 =	seq.s32 s5, $0x0;
	s5 =	sld [smem:$0x3FA0]  }
0x2b: {  	s6 =	sld [smem:$0x3FA1]  }
0x2c: {  	s7 =	sld [smem:$0x3FA2]  }
0x2d: {  	s3 =	simm.s32 $0x108;
	s8 =	sld [smem:$0x3FA3]  }
0x2e: {  	s3 =	simm.s32 @!p0 $0x1082;
	s9 =	sld [smem:$0x3FA4]  }
0x2f: {  	lr =	sadd.s32 s0, s3;
	s0 =	sld [smem:$0x3F9B]  }
0x30: {  	s3 =	sld [smem:$0x3F9E]  }
0x31: {  	[smem:$0x3FA7] =	sst s10  }
0x32: {  	s10 =	sld [smem:$0x3FA5];
	_ =	sdelay $0x3  }
0x33: {  	p0 =	seq.s32 s10, $0x1;
	s10 =	sld [smem:$0x3FA7];
	_ =	sdelay $0x3  }
0x34: {  	[smem:$0x3FA7] =	sst s10  }
0x35: {  	s10 =	sld [smem:$0x3FA6];
	_ =	sdelay $0x3  }
0x36: {  	p1 =	seq.s32 s10, $0x1;
	s10 =	sld [smem:$0x3FA7];
	_ =	sdelay $0x3  }
0x37: {  	[smem:$0x3FA7] =	sst s10  }
0x38: {  	s10 =	sld [smem:$0x3FA8]  }
0x39: {  	_ = 	snop;
	(pc) =	sbr.ind lr, $3  }
0x3a: {  	_ = 	snop  }
0x3b: {  	_ = 	snop  }
0x3c: {  	p2 =	seq.s32 s10, $0x1;
	s10 =	sld [smem:$0x3FA7]  }
0x3d: {  	_ =	shalt  }
0x3e: {  	_ =	shalt  }
0x3f: {  	_ =	shalt  }
0x40: {  	_ =	shalt  }
0x41: {  	_ =	shalt  }
0x42: {  	_ =	shalt  }
0x43: {  	_ =	shalt  }
0x44: {  	_ =	shalt  }
0x45: {  	_ =	shalt  }
0x46: {  	_ =	shalt  }
0x47: {  	_ =	shalt  }
0x48: {  	_ =	shalt  }
0x49: {  	_ =	shalt  }
0x4a: {  	_ =	shalt  }
0x4b: {  	_ =	shalt  }
0x4c: {  	_ =	shalt  }
0x4d: {  	_ =	shalt  }
0x4e: {  	_ =	shalt  }
0x4f: {  	_ =	shalt  }
0x50: {  	_ =	shalt  }
0x51: {  	_ =	shalt  }
0x52: {  	_ =	shalt  }
0x53: {  	_ =	shalt  }
0x54: {  	_ =	shalt  }
0x55: {  	_ =	shalt  }
0x56: {  	_ =	shalt  }
0x57: {  	_ =	shalt  }
0x58: {  	_ =	shalt  }
0x59: {  	_ =	shalt  }
0x5a: {  	_ =	shalt  }
0x5b: {  	_ =	shalt  }
0x5c: {  	_ =	shalt  }
0x5d: {  	_ =	shalt  }
0x5e: {  	_ =	shalt  }
0x5f: {  	_ =	shalt  }
0x60: {  	_ =	shalt  }
0x61: {  	_ =	shalt  }
0x62: {  	_ =	shalt  }
0x63: {  	_ =	shalt  }
0x64: {  	_ =	shalt  }
0x65: {  	_ =	shalt  }
0x66: {  	_ =	shalt  }
0x67: {  	_ =	shalt  }
0x68: {  	_ =	shalt  }
0x69: {  	_ =	shalt  }
0x6a: {  	_ =	shalt  }
0x6b: {  	_ =	shalt  }
0x6c: {  	_ =	shalt  }
0x6d: {  	_ =	shalt  }
0x6e: {  	_ =	shalt  }
0x6f: {  	_ =	shalt  }
0x70: {  	_ =	shalt  }
0x71: {  	_ =	shalt  }
0x72: {  	_ =	shalt  }
0x73: {  	_ =	shalt  }
0x74: {  	_ =	shalt  }
0x75: {  	_ =	shalt  }
0x76: {  	_ =	shalt  }
0x77: {  	_ =	shalt  }
0x78: {  	_ =	shalt  }
0x79: {  	_ =	shalt  }
0x7a: {  	_ =	shalt  }
0x7b: {  	_ =	shalt  }
0x7c: {  	_ =	shalt  }
0x7d: {  	_ =	shalt  }
0x7e: {  	_ =	shalt  }
0x7f: {  	_ =	shalt  }
0x80: {  	_ =	shalt  }
0x81: {  	_ =	shalt  }
0x82: {  	_ =	shalt  }
0x83: {  	_ =	shalt  }
0x84: {  	_ =	shalt  }
0x85: {  	_ =	shalt  }
0x86: {  	_ =	shalt  }
0x87: {  	_ =	shalt  }
.Lfunc_end0:
.L_simem_size_0:
called_computation.2_lowered:
.L_overlay_start_0:
0x88: {  	s2 =	sld [smem:$0x3FD9]  }
0x89: {  	s3 =	sld [smem:$0x3FFE];
	_ =	sdelay $0x1  }
0x8a: {  	s1 =	srdreg.scid  }
0x8b: {  	s0 =	sand.u32 $0x1, s1  }
0x8c: {  	s16 =	sshll.u32 s0, $0xA;
	s2 =	sadd.s32 s3, s2  }
0x8d: {  	s2 =	sadd.s32 s2, s16  }
0x8e: {  	[smem:$0x3FB3] =	sst s2  }
0x8f: {  	_ = 	snop  }
0x90: {  	(tm) =	ssettm $0x1  }
0x91: {  	s17 =	sld [smem:$0x3FFB];
	_ =	sdelay $0x3  }
0x92: {  	_ =	strace s17  }
0x93: {  	s2 =	sld [smem:$0x3FFC];
	_ =	sdelay $0x3  }
0x94: {  	_ =	strace s2  }
0x95: {  	s2 =	sld [smem:$0x3FFD];
	_ =	sdelay $0x3  }
0x96: {  	_ =	strace s2  }
0x97: {  	_ =	strace $0x8FFFFFFF  }
0x98: {  	s18 =	sld [smem:$0x3FDB];
	_ =	sdelay $0x1  }
0x99: {  	s19 =	simm.s32 $_scs_section_size  }
0x9a: {  	s4 =	simm.s32 $_size__tile_overlayer_lowered;
	s5 =	simm.s32 $_tile_overlayer_lowered  }
0x9b: {  	s22 =	simm.s32 $0x1BFF;
	s21 =	sshll.u32 s5, $0x1;
	s2 =	sadd.s32 s19, s18  }
0x9c: {  	s6 =	simm.s32 $0x0;
	s20 =	sshll.u32 s4, $0x1;
	s4 =	sadd.s32 s21, s2  }
0x9d: {  	[timem:s6], [sflag:s22] =	dma.local [hbm:s4], s20  }
0x9e: {  	_ =	swait.ge [sflag:s22], s20  }
0x9f: {  	s3 =	ssub.s32 $0x0, s20;
	[sflag:s22] =	ssyncset.done $0x0  }
0xa0: {  	[sflag:s22] =	ssyncadd.s32 s3;
	_ =	sdelay $0x1  }
0xa1: {  	s23 =	simm.s32 $0x1B8B  }
0xa2: {  	_ =	swait.ge [sflag:s23], $0x1  }
0xa3: {  	[sflag:s23] =	ssyncset.done $0x0  }
0xa4: {  	s25 =	simm.s32 $0x1B8E;
	s24 =	sld [smem:$0x3FFE];
	[sflag:s23] =	ssyncadd.s32 $0xFFFFFFFF  }
0xa5: {  	s26 =	simm.s32 $execute0_lowered;
	[smem:$0x3FD2] =	sst s25  }
0xa6: {  	s4 =	sshll.u32 s26, $0x1;
	_ =	strace $0x8000004C;
	[dreg:$0x1] =	wrdreg $0xFFFFFFFF  }
0xa7: {  	s28 =	simm.s32 $_size_execute0_lowered;
	s2 =	sadd.s32 s2, s4;
	[dreg:$0x0] =	wrdreg $0x0  }
0xa8: {  	s4 =	sshll.u32 s28, $0x1;
	[dreg:$0x2] =	wrdreg s2  }
0xa9: {  	[dreg:$0x3] =	wrdreg s4  }
0xaa: {  	[dreg:$0x4] =	wrdreg $0xC0  }
0xab: {  	_ =	task [dreg:s6], $0x5FFFF  }
0xac: {  	[dreg:$0x1] =	wrdreg $0xFFFFFFFF  }
0xad: {  	[dreg:$0x0] =	wrdreg $0x60  }
0xae: {  	[dreg:$0x2] =	wrdreg s24  }
0xaf: {  	[dreg:$0x3] =	wrdreg $0xE4200  }
0xb0: {  	[dreg:$0x4] =	wrdreg $0x9  }
0xb1: {  	_ =	task.clear_ibuf [dreg:s6], $0x5FFFF;
	_ =	strace $0x9000004C  }
0xb2: {  	s29 =	simm.s32 $0x9;
	_ =	strace $0x8000004E  }
0xb3: {  	_ =	swait.ge [sflag:s29], $0x1  }
0xb4: {  	[sflag:s29] =	ssyncadd.s32 $0xFFFFFFFF  }
0xb5: {  	_ =	strace $0x9000004E  }
0xb6: {  	_ =	sfence  }
0xb7: {  	s30 =	sld [smem:$0x0];
	_ =	sdelay $0x2  }
0xb8: {  	s31 =	sshll.u32 s1, $0xD;
	s1 =	sshrl.u32 s1, $0x2  }
0xb9: {  	s3 =	sand.u32 $0x4000, s31;
	s1 =	sadd.s32 s1, s30  }
0xba: {  	s0 =	sor.u32 s3, s0;
	s1 =	sshll.u32 s1, $0x11  }
0xbb: {  	s0 =	sor.u32 s1, s0  }
0xbc: {  	s0 =	sadd.s32 $0x8F2B, s0  }
0xbd: {  	[sflag:s0] =	ssyncadd.remote.s32 $0x1  }
0xbe: {  	_ =	sfence.sel $0xFFFF  }
0xbf: {  	[dreg:$0x0] =	wrdreg $0xFFFFFFFF;
	(pc) =	sbr.abs _section_cstart, $3  }
0xc0: {  	[dreg:$0x1] =	wrdreg $0xFFFFFFFF  }
0xc1: {  	_ =	task.clear_ibuf [dreg:s6], $0x2FFFF;
	_ =	strace $0x9FFFFFFF  }
0xc2: {  	(tm) =	ssettm $0x7FFFFFFF  }
0xc3: {  	_ =	shalt  }
tec
execute0_lowered:
.L_overlay_start_1:
0x0: {  	(tag) =	ssettag $0x1  }
0x1: {  	s0 =	srdreg.scid  }
0x2: {  	s3 =	rddreg [dreg:$0x0];
	s8 =	stileid.u32  }
0x3: {  	s1 =	rddreg [dreg:$0x1];
	s2 =	simm.s32 $0x0;
	s19 =	simm.s32 $0x48  }
0x4: {  	s20 =	simm.s32 $0x90;
	s21 =	simm.s32 $0x320;
	s22 =	simm.s32 $0x0  }
0x5: {  	s4 =	sand.u32 $0x1, s0;
	s6 =	smul.u32 $0x1C200, s8;
	s0 =	rddreg [dreg:$0x2]  }
0x6: {  	[smem:$0x7FF] =	sst s2;
	s30 =	smul.u32 $0x64, s8;
	s10 =	sadd.s32 $0x11940, s1  }
0x7: {  	s11 =	sadd.s32 $0x23280, s1;
	s12 =	sadd.s32 $0x34BC0, s1;
	s13 =	sadd.s32 $0x46500, s1  }
0x8: {  	s14 =	sadd.s32 $0x57E40, s1;
	s15 =	sadd.s32 $0x69780, s1;
	s16 =	sadd.s32 $0x7B0C0, s1  }
0x9: {  	s17 =	sadd.s32 $0x8CA00, s1;
	s18 =	sadd.s32 $0x9E340, s1;
	s5 =	smul.u32 $0x48, s4  }
0xa: {  	p0 =	sne.s32 s8, $0x0;
	s7 =	smul.u32 $0x9, s4;
	s4 =	ssub.s32 $0x2, s4  }
0xb: {  	_ =	strace $0x8000004D;
	s8 =	sshrl.u32 @!p0 s1, $0x3;
	s5 =	sor.u32 s5, s6  }
0xc: {  	s31 =	sshrl.u32 s4, $0x1;
	s6 =	sadd.s32 s30, s3;
	s5 =	sshrl.u32 s5, $0x3  }
0xd: {  	s7 =	sadd.s32 s7, s3;
	s6 =	sadd.s32 $0x4A200, s6;
	s9 =	sadd.s32 s5, s3  }
0xe: {  	s5 =	ssub.s32 s4, s31;
	s3 =	sadd.s32 $0x10400, s3;
	s4 =	sadd.s32 $0x54000, s7  }
0xf: {  	s5 =	smax.u32 s5, $0x1;
	s7 =	sadd.s32 $0x108A800, s9;
	s9 =	sshrl.u32 @!p0 s10, $0x3  }
0x10: {  	s10 =	sshrl.u32 @!p0 s11, $0x3;
	s11 =	sshrl.u32 @!p0 s12, $0x3;
	s12 =	sshrl.u32 @!p0 s13, $0x3  }
0x11: {  	s13 =	sshrl.u32 @!p0 s14, $0x3;
	s14 =	sshrl.u32 @!p0 s15, $0x3;
	s15 =	sshrl.u32 @!p0 s16, $0x3  }
0x12: {  	s16 =	sshrl.u32 @!p0 s17, $0x3;
	s17 =	sshrl.u32 @!p0 s18, $0x3;
	s18 =	simm.s32 $0x1  }
.LBB2_1:
0x13: {  	s23 =	simm.s32 @!p0 $0x1C01;
	s24 =	simm.s32 @!p0 $0x1  }
0x14: {  	[spmem:s8], [sflag:s23] =	dma.local @!p0 [hbm:s3], $0x2328  }
0x15: {  	_ =	swait.ge @!p0 [sflag:s24], $0x2328  }
0x16: {  	[sflag:s24] =	ssyncset.done @!p0 $0x0  }
0x17: {  	[sflag:s24] =	ssyncadd.s32 @!p0 $0xFFFFDCD8  }
0x18: {  	[spmem:s9], [sflag:s23] =	dma.local @!p0 [hbm:s3], $0x2328  }
0x19: {  	_ =	swait.ge @!p0 [sflag:s24], $0x2328  }
0x1a: {  	[sflag:s24] =	ssyncset.done @!p0 $0x0  }
0x1b: {  	[sflag:s24] =	ssyncadd.s32 @!p0 $0xFFFFDCD8  }
0x1c: {  	[spmem:s10], [sflag:s23] =	dma.local @!p0 [hbm:s3], $0x2328  }
0x1d: {  	_ =	swait.ge @!p0 [sflag:s24], $0x2328  }
0x1e: {  	[sflag:s24] =	ssyncset.done @!p0 $0x0  }
0x1f: {  	[sflag:s24] =	ssyncadd.s32 @!p0 $0xFFFFDCD8  }
0x20: {  	[spmem:s11], [sflag:s23] =	dma.local @!p0 [hbm:s3], $0x2328  }
0x21: {  	_ =	swait.ge @!p0 [sflag:s24], $0x2328  }
0x22: {  	[sflag:s24] =	ssyncset.done @!p0 $0x0  }
0x23: {  	[sflag:s24] =	ssyncadd.s32 @!p0 $0xFFFFDCD8  }
0x24: {  	[spmem:s12], [sflag:s23] =	dma.local @!p0 [hbm:s3], $0x2328  }
0x25: {  	_ =	swait.ge @!p0 [sflag:s24], $0x2328  }
0x26: {  	[sflag:s24] =	ssyncset.done @!p0 $0x0  }
0x27: {  	[sflag:s24] =	ssyncadd.s32 @!p0 $0xFFFFDCD8  }
0x28: {  	[spmem:s13], [sflag:s23] =	dma.local @!p0 [hbm:s3], $0x2328  }
0x29: {  	_ =	swait.ge @!p0 [sflag:s24], $0x2328  }
0x2a: {  	[sflag:s24] =	ssyncset.done @!p0 $0x0  }
0x2b: {  	[sflag:s24] =	ssyncadd.s32 @!p0 $0xFFFFDCD8  }
0x2c: {  	[spmem:s14], [sflag:s23] =	dma.local @!p0 [hbm:s3], $0x2328  }
0x2d: {  	_ =	swait.ge @!p0 [sflag:s24], $0x2328  }
0x2e: {  	[sflag:s24] =	ssyncset.done @!p0 $0x0  }
0x2f: {  	[sflag:s24] =	ssyncadd.s32 @!p0 $0xFFFFDCD8  }
0x30: {  	[spmem:s15], [sflag:s23] =	dma.local @!p0 [hbm:s3], $0x2328  }
0x31: {  	_ =	swait.ge @!p0 [sflag:s24], $0x2328  }
0x32: {  	[sflag:s24] =	ssyncset.done @!p0 $0x0  }
0x33: {  	[sflag:s24] =	ssyncadd.s32 @!p0 $0xFFFFDCD8  }
0x34: {  	[spmem:s16], [sflag:s23] =	dma.local @!p0 [hbm:s3], $0x2328  }
0x35: {  	_ =	swait.ge @!p0 [sflag:s24], $0x2328  }
0x36: {  	[sflag:s24] =	ssyncset.done @!p0 $0x0  }
0x37: {  	[sflag:s24] =	ssyncadd.s32 @!p0 $0xFFFFDCD8  }
0x38: {  	[spmem:s17], [sflag:s23] =	dma.local @!p0 [hbm:s3], $0x2328  }
0x39: {  	_ =	swait.ge @!p0 [sflag:s24], $0x2328  }
0x3a: {  	[sflag:s24] =	ssyncset.done @!p0 $0x0  }
0x3b: {  	[sflag:s24] =	ssyncadd.s32 @!p0 $0xFFFFDCD8  }
0x3c: {  	s31 =	sadd.s32 $0x0, s6;
	[bflag:$0x0] =	sbarrier.arrive $0xFFFF  }
0x3d: {  	[tilespmem:s2], [sflag:$0x1] =	stream.linear.gather [hbm4b:s31+s2], $0x320, $0x38;
	[tilespmem:$0x193E8] =	vst v63  }
0x3e: {  	_ =	swait.ge [sflag:s18], $0x320  }
0x3f: {  	[sflag:s18] =	ssyncset.done $0x0  }
0x40: {  	[sflag:s18] =	ssyncadd.s32 $0xFFFFFCE0  }
0x41: {  	[tilespmem:s21], [sflag:$0x1] =	stream.strided.gather [hbm4b:s7+s19], $0xE100, s20, s19, $0x38;
	[tilespmem:$0x193E8] =	vst v63  }
0x42: {  	_ =	swait.ge [sflag:s18], $0xE100  }
0x43: {  	[sflag:s18] =	ssyncset.done $0x0  }
0x44: {  	[sflag:s18] =	ssyncadd.s32 $0xFFFF1F00  }
0x45: {  	[spmem:s1] =	stream.indirect.scatter.add.f32 [tilespmem:s21], [sflag:$0x1], $0x48, s2, s21, $0xb8;
	[tilespmem:$0x193E8] =	vst v63  }
0x46: {  	s25 =	simm.s32 $0xC80;
	_ =	swait.ge [sflag:s18], $0xE100  }
0x47: {  	s23 =	sadd.s32 $0x38400, s7;
	s24 =	simm.s32 $0x640;
	[sflag:s18] =	ssyncset.done $0x0  }
.LBB2_2:
0x48: {  	s26 =	sadd.s32 s24, s6  }
0x49: {  	[sflag:s18] =	ssyncadd.s32 $0xFFFF1F00;
	s24 =	smov.u32 s25;
	s28 =	sadd.s32 $0x640, s25  }
0x4a: {  	[tilespmem:s2], [sflag:$0x1] =	stream.linear.gather [hbm4b:s26+s2], $0x320, $0x38;
	[tilespmem:$0x193E8] =	vst v63  }
0x4b: {  	p1 =	sne.s32 s25, $0x9600;
	_ =	swait.ge [sflag:s18], $0x320  }
0x4c: {  	[sflag:s18] =	ssyncset.done $0x0  }
0x4d: {  	[sflag:s18] =	ssyncadd.s32 $0xFFFFFCE0  }
0x4e: {  	[tilespmem:s21], [sflag:$0x1] =	stream.strided.gather [hbm4b:s23+s19], $0xE100, s20, s19, $0x38;
	[tilespmem:$0x193E8] =	vst v63  }
0x4f: {  	_ =	swait.ge [sflag:s18], $0xE100  }
.Ltmp0:
0x50: {  	[sflag:s18] =	ssyncset.done $0x0;
	(pc) =	sbr.rel @p1 .LBB2_2-.Ltmp0, $4  }
0x51: {  	[sflag:s18] =	ssyncadd.s32 $0xFFFF1F00  }
0x52: {  	[spmem:s1] =	stream.indirect.scatter.add.f32 [tilespmem:s21], [sflag:$0x1], $0x48, s2, s21, $0xb8;
	[tilespmem:$0x193E8] =	vst v63  }
0x53: {  	_ =	swait.ge [sflag:s18], $0xE100  }
0x54: {  	s25 =	smov.u32 s28;
	s23 =	sadd.s32 $0x38400, s23;
	[sflag:s18] =	ssyncset.done $0x0  }
0x55: {  	s24 =	sadd.s32 s24, s6;
	[sflag:s18] =	ssyncadd.s32 $0xFFFF1F00  }
0x56: {  	[tilespmem:s2], [sflag:$0x1] =	stream.linear.gather [hbm4b:s24+s2], $0x320, $0x38;
	[tilespmem:$0x193E8] =	vst v63  }
0x57: {  	_ =	swait.ge [sflag:s18], $0x320  }
0x58: {  	[sflag:s18] =	ssyncset.done $0x0  }
0x59: {  	[sflag:s18] =	ssyncadd.s32 $0xFFFFFCE0  }
0x5a: {  	[tilespmem:s21], [sflag:$0x1] =	stream.strided.gather [hbm4b:s23+s19], $0xE100, s20, s19, $0x38;
	[tilespmem:$0x193E8] =	vst v63  }
0x5b: {  	_ =	swait.ge [sflag:s18], $0xE100  }
0x5c: {  	[sflag:s18] =	ssyncset.done $0x0  }
0x5d: {  	[sflag:s18] =	ssyncadd.s32 $0xFFFF1F00  }
0x5e: {  	[spmem:s1] =	stream.indirect.scatter.add.f32 [tilespmem:s21], [sflag:$0x1], $0x48, s2, s21, $0xb8;
	[tilespmem:$0x193E8] =	vst v63  }
0x5f: {  	s25 =	simm.s32 @!p0 $0x9;
	_ =	swait.ge [sflag:s18], $0xE100  }
0x60: {  	s26 =	simm.s32 @!p0 $0x1C01;
	s22 =	sadd.s32 $0x1, s22;
	[sflag:s18] =	ssyncset.done $0x0  }
0x61: {  	s24 =	simm.s32 @!p0 $0x12;
	p1 =	sne.s32 s22, s5;
	[sflag:s18] =	ssyncadd.s32 $0xFFFF1F00  }
.Ltmp1:
0x62: {  	s23 =	simm.s32 @!p0 $0x1;
	[bflag:$0x0] =	sbarrier.arrive $0xFFFF;
	(pc) =	sbr.rel @p1 .LBB2_1-.Ltmp1, $4  }
0x63: {  	[hbm:s4@s24], [sflag:s26] =	dma.strided @!p0 [spmem:s8@s25], $0x15F90, s23, $0x9   }
0x64: {  	_ =	swait.ge @!p0 [sflag:s23], $0x15F90  }
0x65: {  	[sflag:s23] =	ssyncset.done @!p0 $0x0  }
0x66: {  	[sflag:s23] =	ssyncadd.s32 @!p0 $0xFFFEA070  }
0x67: {  	_ =	sfence.sel $0x180000  }
0x68: {  	[bflag:$0x0] =	sbarrier.arrive $0xFFFF  }
0x69: {  	_ =	strace $0x9000004D  }
0x6a: {  	s0 =	sadd.s32 @!p0 $0x100000, s0;
	[bflag:$0x2] =	sbarrier.arrive $0xFFFF  }
0x6b: {  	[sflag:s0] =	ssyncadd.tile.s32 @!p0 $0x1;
	_ =	shalt  }
.Lfunc_end2:
_tile_overlayer_lowered:
.L_overlay_start_2:
0x6c: {  	(tag) =	ssettag $0x2  }
0x6d: {  	s0 =	rddreg [dreg:$0x0];
	s2 =	stileid.u32  }
0x6e: {  	s1 =	rddreg [dreg:$0x1];
	p0 =	sne.s32 s2, $0x0  }
0x6f: {  	s3 =	rddreg [dreg:$0x2];
	[bflag:$0x3] =	sbarrier.arrive $0xFFFF;
	s2 =	simm.s32 @!p0 $0x1C01  }
0x70: {  	[timem:s3], [sflag:s2] =	dma.local @!p0 [hbm:s0], s1  }
0x71: {  	s0 =	simm.s32 @!p0 $0x1  }
0x72: {  	_ =	swait.ge @!p0 [sflag:s0], s1  }
0x73: {  	s1 =	ssub.s32 @!p0 $0x0, s1;
	[sflag:s0] =	ssyncset.done @!p0 $0x0  }
0x74: {  	[sflag:s0] =	ssyncadd.s32 @!p0 s1  }
0x75: {  	[bflag:$0x3] =	sbarrier.arrive $0xFFFF  }
0x76: {  	_ =	shalt  }

// kernel: kernel.26.cloned.1.call-start
scs
__scs_entry_jumppad:
0x0: {  	(pc) =	sbr.rel $0x88, $3  }
0x1: {  	(tag) =	ssettag $0x0;
	lr =	simm.s32 $0x1  }
0x2: {  	[smem:$0x3F8C] =	sst lr;
	_ =	strace $0xD0000000  }
0x3: {  	_ = 	snop  }
0x4: {  	_ = 	snop  }
0x5: {  	_ = 	snop  }
0x6: {  	_ = 	snop  }
0x7: {  	_ = 	snop  }
__scs_overlays_trampoline_lowered:
0x8: {  	[smem:$0x3F9B] =	sst s0  }
0x9: {  	[smem:$0x3F9C] =	sst s1  }
0xa: {  	[smem:$0x3F9D] =	sst s2  }
0xb: {  	[smem:$0x3F9E] =	sst s3  }
0xc: {  	[smem:$0x3F9F] =	sst s4  }
0xd: {  	[smem:$0x3FA0] =	sst s5  }
0xe: {  	[smem:$0x3FA1] =	sst s6  }
0xf: {  	[smem:$0x3FA2] =	sst s7  }
0x10: {  	[smem:$0x3FA3] =	sst s8  }
0x11: {  	[smem:$0x3FA4] =	sst s9;
	s0 =	simm.s32 @!p0 $0x0  }
0x12: {  	s1 =	sld [smem:$0x3F8A];
	s0 =	simm.s32 @p0 $0x1  }
0x13: {  	[smem:$0x3FA5] =	sst s0;
	s0 =	simm.s32 @!p1 $0x0  }
0x14: {  	s2 =	sld [smem:$0x3F89];
	s0 =	simm.s32 @p1 $0x1  }
0x15: {  	[smem:$0x3FA6] =	sst s0;
	s0 =	simm.s32 @!p2 $0x0  }
0x16: {  	s3 =	sld [smem:$0x3FDB];
	s0 =	simm.s32 @p2 $0x1  }
0x17: {  	s4 =	simm.s32 $0x1BF5;
	[smem:$0x3FA8] =	sst s0  }
0x18: {  	s0 =	sld [smem:$0x3F8B];
	_ =	swait.ge [sflag:s4], $0x0  }
0x19: {  	s7 =	sld [smem:$0x3F8C]  }
0x1a: {  	s8 =	sadd.s32 $0xFFFFE003, lr  }
0x1b: {  	s9 =	sadd.s32 $0xFFFFFEF7, lr;
	s5 =	simm.s32 $0xFFFFFFFF;
	p2 =	slt.u32 s8, $0xFFFFF086  }
0x1c: {  	p1 =	slt.u32 s9, $0xF7A;
	s5 =	simm.s32 @!p2 $0x0  }
0x1d: {  	s5 =	simm.s32 @p1 $0x1;
	p0 =	seq.s32 s7, s2  }
0x1e: {  	s7 =	smul.u32 @!p0 $0xF7A, s2;
	p2 =	seq.s32 @!p0 s5, $0x0  }
0x1f: {  	s9 =	smul.u32 $0xF7A, s1;
	s8 =	simm.s32 @!p0 $0x1BF5;
	p2 =	por !p2, p0  }
0x20: {  	[sflag:s8] =	ssyncset.s32 @!p0 $0xFFFFF086;
	s6 =	sadd.s32 @!p0 s3, s7;
	s7 =	simm.s32 @!p0 $0x108  }
0x21: {  	s3 =	sadd.s32 s3, s9;
	s6 =	sadd.s32 @!p0 $0x88, s6;
	s7 =	simm.s32 @p2 $0x1082  }
0x22: {  	[simem:s7], [sflag:s8] =	dma.local @!p0 [hbm:s6], $0xF7A  }
0x23: {  	s9 =	sor.u32 $0xD0000000, s2;
	s6 =	simm.s32 $0x108;
	_ =	swait.ge @!p0 [sflag:s8], $0x0  }
0x24: {  	s3 =	sadd.s32 $0x88, s3;
	s6 =	simm.s32 @!p1 $0x1082;
	[sflag:s4] =	ssyncset.s32 $0xFFFFF086  }
0x25: {  	[simem:s6], [sflag:s4] =	dma.local [hbm:s3], $0xF7A  }
0x26: {  	[smem:$0x3F8C] =	sst s1;
	(tag) =	ssettag s2;
	_ =	strace s9  }
0x27: {  	s1 =	sld [smem:$0x3F9C]  }
0x28: {  	s2 =	sld [smem:$0x3F9D]  }
0x29: {  	s4 =	sld [smem:$0x3F9F]  }
0x2a: {  	p0 =	seq.s32 s5, $0x0;
	s5 =	sld [smem:$0x3FA0]  }
0x2b: {  	s6 =	sld [smem:$0x3FA1]  }
0x2c: {  	s7 =	sld [smem:$0x3FA2]  }
0x2d: {  	s3 =	simm.s32 $0x108;
	s8 =	sld [smem:$0x3FA3]  }
0x2e: {  	s3 =	simm.s32 @!p0 $0x1082;
	s9 =	sld [smem:$0x3FA4]  }
0x2f: {  	lr =	sadd.s32 s0, s3;
	s0 =	sld [smem:$0x3F9B]  }
0x30: {  	s3 =	sld [smem:$0x3F9E]  }
0x31: {  	[smem:$0x3FA7] =	sst s10  }
0x32: {  	s10 =	sld [smem:$0x3FA5];
	_ =	sdelay $0x3  }
0x33: {  	p0 =	seq.s32 s10, $0x1;
	s10 =	sld [smem:$0x3FA7];
	_ =	sdelay $0x3  }
0x34: {  	[smem:$0x3FA7] =	sst s10  }
0x35: {  	s10 =	sld [smem:$0x3FA6];
	_ =	sdelay $0x3  }
0x36: {  	p1 =	seq.s32 s10, $0x1;
	s10 =	sld [smem:$0x3FA7];
	_ =	sdelay $0x3  }
0x37: {  	[smem:$0x3FA7] =	sst s10  }
0x38: {  	s10 =	sld [smem:$0x3FA8]  }
0x39: {  	_ = 	snop;
	(pc) =	sbr.ind lr, $3  }
0x3a: {  	_ = 	snop  }
0x3b: {  	_ = 	snop  }
0x3c: {  	p2 =	seq.s32 s10, $0x1;
	s10 =	sld [smem:$0x3FA7]  }
0x3d: {  	_ =	shalt  }
0x3e: {  	_ =	shalt  }
0x3f: {  	_ =	shalt  }
0x40: {  	_ =	shalt  }
0x41: {  	_ =	shalt  }
0x42: {  	_ =	shalt  }
0x43: {  	_ =	shalt  }
0x44: {  	_ =	shalt  }
0x45: {  	_ =	shalt  }
0x46: {  	_ =	shalt  }
0x47: {  	_ =	shalt  }
0x48: {  	_ =	shalt  }
0x49: {  	_ =	shalt  }
0x4a: {  	_ =	shalt  }
0x4b: {  	_ =	shalt  }
0x4c: {  	_ =	shalt  }
0x4d: {  	_ =	shalt  }
0x4e: {  	_ =	shalt  }
0x4f: {  	_ =	shalt  }
0x50: {  	_ =	shalt  }
0x51: {  	_ =	shalt  }
0x52: {  	_ =	shalt  }
0x53: {  	_ =	shalt  }
0x54: {  	_ =	shalt  }
0x55: {  	_ =	shalt  }
0x56: {  	_ =	shalt  }
0x57: {  	_ =	shalt  }
0x58: {  	_ =	shalt  }
0x59: {  	_ =	shalt  }
0x5a: {  	_ =	shalt  }
0x5b: {  	_ =	shalt  }
0x5c: {  	_ =	shalt  }
0x5d: {  	_ =	shalt  }
0x5e: {  	_ =	shalt  }
0x5f: {  	_ =	shalt  }
0x60: {  	_ =	shalt  }
0x61: {  	_ =	shalt  }
0x62: {  	_ =	shalt  }
0x63: {  	_ =	shalt  }
0x64: {  	_ =	shalt  }
0x65: {  	_ =	shalt  }
0x66: {  	_ =	shalt  }
0x67: {  	_ =	shalt  }
0x68: {  	_ =	shalt  }
0x69: {  	_ =	shalt  }
0x6a: {  	_ =	shalt  }
0x6b: {  	_ =	shalt  }
0x6c: {  	_ =	shalt  }
0x6d: {  	_ =	shalt  }
0x6e: {  	_ =	shalt  }
0x6f: {  	_ =	shalt  }
0x70: {  	_ =	shalt  }
0x71: {  	_ =	shalt  }
0x72: {  	_ =	shalt  }
0x73: {  	_ =	shalt  }
0x74: {  	_ =	shalt  }
0x75: {  	_ =	shalt  }
0x76: {  	_ =	shalt  }
0x77: {  	_ =	shalt  }
0x78: {  	_ =	shalt  }
0x79: {  	_ =	shalt  }
0x7a: {  	_ =	shalt  }
0x7b: {  	_ =	shalt  }
0x7c: {  	_ =	shalt  }
0x7d: {  	_ =	shalt  }
0x7e: {  	_ =	shalt  }
0x7f: {  	_ =	shalt  }
0x80: {  	_ =	shalt  }
0x81: {  	_ =	shalt  }
0x82: {  	_ =	shalt  }
0x83: {  	_ =	shalt  }
0x84: {  	_ =	shalt  }
0x85: {  	_ =	shalt  }
0x86: {  	_ =	shalt  }
0x87: {  	_ =	shalt  }
.Lfunc_end0:
.L_simem_size_0:
called_computation.3_lowered:
.L_overlay_start_0:
0x88: {  	s2 =	sld [smem:$0x3FD9]  }
0x89: {  	s3 =	sld [smem:$0x3FFE];
	_ =	sdelay $0x1  }
0x8a: {  	s1 =	srdreg.scid  }
0x8b: {  	s0 =	sand.u32 $0x1, s1  }
0x8c: {  	s16 =	sshll.u32 s0, $0xA;
	s2 =	sadd.s32 s3, s2  }
0x8d: {  	s2 =	sadd.s32 s2, s16  }
0x8e: {  	[smem:$0x3FB3] =	sst s2  }
0x8f: {  	_ = 	snop  }
0x90: {  	(tm) =	ssettm $0x1  }
0x91: {  	s17 =	sld [smem:$0x3FFB];
	_ =	sdelay $0x3  }
0x92: {  	_ =	strace s17  }
0x93: {  	s2 =	sld [smem:$0x3FFC];
	_ =	sdelay $0x3  }
0x94: {  	_ =	strace s2  }
0x95: {  	s2 =	sld [smem:$0x3FFD];
	_ =	sdelay $0x3  }
0x96: {  	_ =	strace s2  }
0x97: {  	_ =	strace $0x8FFFFFFF  }
0x98: {  	s18 =	sld [smem:$0x3FDB];
	_ =	sdelay $0x1  }
0x99: {  	s19 =	simm.s32 $_scs_section_size  }
0x9a: {  	s4 =	simm.s32 $_size__tile_overlayer_lowered;
	s5 =	simm.s32 $_tile_overlayer_lowered  }
0x9b: {  	s22 =	simm.s32 $0x1BFF;
	s21 =	sshll.u32 s5, $0x1;
	s2 =	sadd.s32 s19, s18  }
0x9c: {  	s6 =	simm.s32 $0x0;
	s20 =	sshll.u32 s4, $0x1;
	s4 =	sadd.s32 s21, s2  }
0x9d: {  	[timem:s6], [sflag:s22] =	dma.local [hbm:s4], s20  }
0x9e: {  	_ =	swait.ge [sflag:s22], s20  }
0x9f: {  	s3 =	ssub.s32 $0x0, s20;
	[sflag:s22] =	ssyncset.done $0x0  }
0xa0: {  	[sflag:s22] =	ssyncadd.s32 s3;
	_ =	sdelay $0x1  }
0xa1: {  	s23 =	simm.s32 $0x1B8B  }
0xa2: {  	_ =	swait.ge [sflag:s23], $0x1  }
0xa3: {  	[sflag:s23] =	ssyncset.done $0x0  }
0xa4: {  	s25 =	simm.s32 $0x1B8E;
	s24 =	sld [smem:$0x3FFE];
	[sflag:s23] =	ssyncadd.s32 $0xFFFFFFFF  }
0xa5: {  	s26 =	simm.s32 $execute0_lowered;
	[smem:$0x3FD2] =	sst s25  }
0xa6: {  	s4 =	sshll.u32 s26, $0x1;
	_ =	strace $0x8000004F;
	[dreg:$0x1] =	wrdreg $0xFFFFFFFF  }
0xa7: {  	s28 =	simm.s32 $_size_execute0_lowered;
	s2 =	sadd.s32 s2, s4;
	[dreg:$0x0] =	wrdreg $0x0  }
0xa8: {  	s4 =	sshll.u32 s28, $0x1;
	[dreg:$0x2] =	wrdreg s2  }
0xa9: {  	[dreg:$0x3] =	wrdreg s4  }
0xaa: {  	[dreg:$0x4] =	wrdreg $0xC0  }
0xab: {  	_ =	task [dreg:s6], $0x5FFFF  }
0xac: {  	[dreg:$0x1] =	wrdreg $0xFFFFFFFF  }
0xad: {  	[dreg:$0x0] =	wrdreg $0x60  }
0xae: {  	[dreg:$0x2] =	wrdreg s24  }
0xaf: {  	[dreg:$0x3] =	wrdreg $0x9  }
0xb0: {  	_ =	task.clear_ibuf [dreg:s6], $0x4FFFF;
	_ =	strace $0x9000004F  }
0xb1: {  	s29 =	simm.s32 $0x9;
	_ =	strace $0x80000051  }
0xb2: {  	_ =	swait.ge [sflag:s29], $0x1  }
0xb3: {  	[sflag:s29] =	ssyncadd.s32 $0xFFFFFFFF  }
0xb4: {  	_ =	strace $0x90000051  }
0xb5: {  	_ =	sfence  }
0xb6: {  	s30 =	sld [smem:$0x0];
	_ =	sdelay $0x2  }
0xb7: {  	s31 =	sshll.u32 s1, $0xD;
	s1 =	sshrl.u32 s1, $0x2  }
0xb8: {  	s3 =	sand.u32 $0x4000, s31;
	s1 =	sadd.s32 s1, s30  }
0xb9: {  	s0 =	sor.u32 s3, s0;
	s1 =	sshll.u32 s1, $0x11  }
0xba: {  	s0 =	sor.u32 s1, s0  }
0xbb: {  	s0 =	sadd.s32 $0x8F2B, s0  }
0xbc: {  	[sflag:s0] =	ssyncadd.remote.s32 $0x1  }
0xbd: {  	_ =	sfence.sel $0xFFFF  }
0xbe: {  	[dreg:$0x0] =	wrdreg $0xFFFFFFFF;
	(pc) =	sbr.abs _section_cstart, $3  }
0xbf: {  	[dreg:$0x1] =	wrdreg $0xFFFFFFFF  }
0xc0: {  	_ =	task.clear_ibuf [dreg:s6], $0x2FFFF;
	_ =	strace $0x9FFFFFFF  }
0xc1: {  	(tm) =	ssettm $0x7FFFFFFF  }
tec
execute0_lowered:
.L_overlay_start_1:
0x0: {  	(tag) =	ssettag $0x1  }
0x1: {  	s5 =	rddreg [dreg:$0x0]  }
0x2: {  	s0 =	rddreg [dreg:$0x1];
	s2 =	simm.s32 $0x0;
	s1 =	stileid.u32  }
0x3: {  	s3 =	srdreg.scid;
	s12 =	simm.s32 $0x1;
	s13 =	simm.s32 $0x0  }
0x4: {  	[smem:$0x7FF] =	sst s2;
	s6 =	smul.u32 $0x64, s1;
	s7 =	sand.u32 $0x1, s3  }
0x5: {  	s3 =	sadd.s32 $0x54000, s5;
	s8 =	smul.u32 $0x3840, s1;
	s4 =	sadd.s32 $0x81800, s5  }
.Ltmp0:
0x6: {  	_ =	strace $0x80000050;
	s9 =	ssub.s32 $0x2, s7;
	(pc) =	sbr.rel .LBB2_1-.Ltmp0, $4  }
0x7: {  	p0 =	seq.s32 s7, $0x1;
	s30 =	sshrl.u32 s9, $0x1;
	s11 =	sadd.s32 s8, s5  }
0x8: {  	s10 =	sadd.s32 s6, s5;
	s31 =	ssub.s32 s9, s30;
	s6 =	sadd.s32 $0xAD800, s11  }
0x9: {  	s7 =	sadd.s32 $0x4A200, s10;
	s8 =	sadd.s32 $0x40400, s10;
	s9 =	sadd.s32 $0x108A800, s11  }
0xa: {  	s10 =	simm.s32 $0x2;
	s11 =	simm.s32 $0x320;
	s5 =	smax.u32 s31, $0x1  }
.LBB2_7:
0xb: {  	s15 =	sadd.s32 s15, s8;
	[sflag:s10] =	ssyncadd.s32 $0xFFFE3E00  }
0xc: {  	[tilespmem:s2], [sflag:$0x2] =	stream.linear.gather [hbm4b:s15+s2], $0x320, $0x38;
	[tilespmem:$0x1C520] =	vst v63  }
0xd: {  	_ =	swait.ge [sflag:s10], $0x320  }
0xe: {  	[sflag:s10] =	ssyncset.done $0x0  }
0xf: {  	[sflag:s10] =	ssyncadd.s32 $0xFFFFFCE0  }
0x10: {  	[tilespmem:s11], [sflag:$0x1] =	stream.indirect.gather [hbm4b:s4+s11], $0x90, s2, s11, $0xb8;
	[tilespmem:$0x1C520] =	vst v63  }
0x11: {  	_ =	swait.ge [sflag:s12], $0x1C200  }
0x12: {  	[sflag:s12] =	ssyncset.done $0x0  }
0x13: {  	[sflag:s12] =	ssyncadd.s32 $0xFFFE3E00  }
0x14: {  	[hbm4b:s14+s2] =	stream.linear.scatter [tilespmem:s11], [sflag:$0x2], $0x1C200, $0x38;
	[tilespmem:$0x1C520] =	vst v63  }
0x15: {  	_ =	swait.ge [sflag:s10], $0x1C200  }
0x16: {  	[sflag:s10] =	ssyncset.done $0x0  }
0x17: {  	[sflag:s10] =	ssyncadd.s32 $0xFFFE3E00  }
.LBB2_8:
0x18: {  	s13 =	sadd.s32 $0x1, s13  }
0x19: {  	p1 =	sne.s32 s13, s5  }
.Ltmp1:
0x1a: {  	_ = 	snop;
	(pc) =	sbr.rel @!p1 .LBB2_9-.Ltmp1, $1  }
0x1b: {  	_ =	sdelay $0x3  }
.LBB2_1:
.Ltmp2:
0x1c: {  	(pc) =	sbr.rel @!p0 .LBB2_2-.Ltmp2, $1  }
0x1d: {  	_ =	sdelay $0x3  }
0x1e: {  	s14 =	sadd.s32 $0x0, s8  }
0x1f: {  	[tilespmem:s2], [sflag:$0x2] =	stream.linear.gather [hbm4b:s14+s2], $0x320, $0x38;
	[tilespmem:$0x1C520] =	vst v63  }
0x20: {  	_ =	swait.ge [sflag:s10], $0x320  }
0x21: {  	[sflag:s10] =	ssyncset.done $0x0  }
0x22: {  	[sflag:s10] =	ssyncadd.s32 $0xFFFFFCE0  }
0x23: {  	[tilespmem:s11], [sflag:$0x1] =	stream.indirect.gather [hbm4b:s4+s11], $0x90, s2, s11, $0xb8;
	[tilespmem:$0x1C520] =	vst v63  }
0x24: {  	_ =	swait.ge [sflag:s12], $0x1C200  }
0x25: {  	[sflag:s12] =	ssyncset.done $0x0  }
0x26: {  	[sflag:s12] =	ssyncadd.s32 $0xFFFE3E00  }
0x27: {  	[hbm4b:s9+s2] =	stream.linear.scatter [tilespmem:s11], [sflag:$0x2], $0x1C200, $0x38;
	[tilespmem:$0x1C520] =	vst v63  }
0x28: {  	s15 =	simm.s32 $0x640;
	_ =	swait.ge [sflag:s10], $0x1C200  }
0x29: {  	s16 =	simm.s32 $0xC80;
	s14 =	sadd.s32 $0x38400, s9;
	[sflag:s10] =	ssyncset.done $0x0  }
.LBB2_6:
0x2a: {  	s17 =	sadd.s32 s15, s8  }
0x2b: {  	[sflag:s10] =	ssyncadd.s32 $0xFFFE3E00;
	s15 =	smov.u32 s16;
	s18 =	sadd.s32 $0x640, s16  }
0x2c: {  	[tilespmem:s2], [sflag:$0x2] =	stream.linear.gather [hbm4b:s17+s2], $0x320, $0x38;
	[tilespmem:$0x1C520] =	vst v63  }
0x2d: {  	p1 =	sne.s32 s16, $0x9600;
	_ =	swait.ge [sflag:s10], $0x320  }
0x2e: {  	[sflag:s10] =	ssyncset.done $0x0  }
0x2f: {  	[sflag:s10] =	ssyncadd.s32 $0xFFFFFCE0  }
0x30: {  	[tilespmem:s11], [sflag:$0x1] =	stream.indirect.gather [hbm4b:s4+s11], $0x90, s2, s11, $0xb8;
	[tilespmem:$0x1C520] =	vst v63  }
0x31: {  	_ =	swait.ge [sflag:s12], $0x1C200  }
.Ltmp3:
0x32: {  	[sflag:s12] =	ssyncset.done $0x0;
	(pc) =	sbr.rel @p1 .LBB2_6-.Ltmp3, $4  }
0x33: {  	[sflag:s12] =	ssyncadd.s32 $0xFFFE3E00  }
0x34: {  	[hbm4b:s14+s2] =	stream.linear.scatter [tilespmem:s11], [sflag:$0x2], $0x1C200, $0x38;
	[tilespmem:$0x1C520] =	vst v63  }
0x35: {  	_ =	swait.ge [sflag:s10], $0x1C200  }
0x36: {  	s16 =	smov.u32 s18;
	s14 =	sadd.s32 $0x38400, s14;
	[sflag:s10] =	ssyncset.done $0x0  }
.Ltmp4:
0x37: {  	_ = 	snop;
	(pc) =	sbr.rel .LBB2_7-.Ltmp4, $1  }
0x38: {  	_ =	sdelay $0x3  }
.LBB2_2:
0x39: {  	s14 =	sadd.s32 $0x0, s7  }
0x3a: {  	[tilespmem:s2], [sflag:$0x2] =	stream.linear.gather [hbm4b:s14+s2], $0x320, $0x38;
	[tilespmem:$0x1C520] =	vst v63  }
0x3b: {  	_ =	swait.ge [sflag:s10], $0x320  }
0x3c: {  	[sflag:s10] =	ssyncset.done $0x0  }
0x3d: {  	[sflag:s10] =	ssyncadd.s32 $0xFFFFFCE0  }
0x3e: {  	[tilespmem:s11], [sflag:$0x1] =	stream.indirect.gather [hbm4b:s3+s11], $0x90, s2, s11, $0xb8;
	[tilespmem:$0x1C520] =	vst v63  }
0x3f: {  	_ =	swait.ge [sflag:s12], $0x1C200  }
0x40: {  	[sflag:s12] =	ssyncset.done $0x0  }
0x41: {  	[sflag:s12] =	ssyncadd.s32 $0xFFFE3E00  }
0x42: {  	[hbm4b:s6+s2] =	stream.linear.scatter [tilespmem:s11], [sflag:$0x2], $0x1C200, $0x38;
	[tilespmem:$0x1C520] =	vst v63  }
0x43: {  	s15 =	simm.s32 $0x640;
	_ =	swait.ge [sflag:s10], $0x1C200  }
0x44: {  	s16 =	simm.s32 $0xC80;
	s14 =	sadd.s32 $0x38400, s6;
	[sflag:s10] =	ssyncset.done $0x0  }
.LBB2_3:
0x45: {  	s17 =	sadd.s32 s15, s7  }
0x46: {  	[sflag:s10] =	ssyncadd.s32 $0xFFFE3E00;
	s15 =	smov.u32 s16;
	s18 =	sadd.s32 $0x640, s16  }
0x47: {  	[tilespmem:s2], [sflag:$0x2] =	stream.linear.gather [hbm4b:s17+s2], $0x320, $0x38;
	[tilespmem:$0x1C520] =	vst v63  }
0x48: {  	p1 =	seq.s32 s16, $0x9600;
	_ =	swait.ge [sflag:s10], $0x320  }
0x49: {  	[sflag:s10] =	ssyncset.done $0x0  }
0x4a: {  	[sflag:s10] =	ssyncadd.s32 $0xFFFFFCE0  }
0x4b: {  	[tilespmem:s11], [sflag:$0x1] =	stream.indirect.gather [hbm4b:s3+s11], $0x90, s2, s11, $0xb8;
	[tilespmem:$0x1C520] =	vst v63  }
0x4c: {  	_ =	swait.ge [sflag:s12], $0x1C200  }
.Ltmp5:
0x4d: {  	[sflag:s12] =	ssyncset.done $0x0;
	(pc) =	sbr.rel @!p1 .LBB2_3-.Ltmp5, $4  }
0x4e: {  	[sflag:s12] =	ssyncadd.s32 $0xFFFE3E00  }
0x4f: {  	[hbm4b:s14+s2] =	stream.linear.scatter [tilespmem:s11], [sflag:$0x2], $0x1C200, $0x38;
	[tilespmem:$0x1C520] =	vst v63  }
0x50: {  	_ =	swait.ge [sflag:s10], $0x1C200  }
0x51: {  	s16 =	smov.u32 s18;
	s14 =	sadd.s32 $0x38400, s14;
	[sflag:s10] =	ssyncset.done $0x0  }
0x52: {  	s15 =	sadd.s32 s15, s7;
	[sflag:s10] =	ssyncadd.s32 $0xFFFE3E00  }
0x53: {  	[tilespmem:s2], [sflag:$0x2] =	stream.linear.gather [hbm4b:s15+s2], $0x320, $0x38;
	[tilespmem:$0x1C520] =	vst v63  }
0x54: {  	_ =	swait.ge [sflag:s10], $0x320  }
0x55: {  	[sflag:s10] =	ssyncset.done $0x0  }
0x56: {  	[sflag:s10] =	ssyncadd.s32 $0xFFFFFCE0  }
0x57: {  	[tilespmem:s11], [sflag:$0x1] =	stream.indirect.gather [hbm4b:s3+s11], $0x90, s2, s11, $0xb8;
	[tilespmem:$0x1C520] =	vst v63  }
0x58: {  	_ =	swait.ge [sflag:s12], $0x1C200  }
0x59: {  	[sflag:s12] =	ssyncset.done $0x0  }
.Ltmp6:
0x5a: {  	[sflag:s12] =	ssyncadd.s32 $0xFFFE3E00;
	(pc) =	sbr.rel .LBB2_8-.Ltmp6, $4  }
0x5b: {  	[hbm4b:s14+s2] =	stream.linear.scatter [tilespmem:s11], [sflag:$0x2], $0x1C200, $0x38;
	[tilespmem:$0x1C520] =	vst v63  }
0x5c: {  	_ =	swait.ge [sflag:s10], $0x1C200  }
0x5d: {  	[sflag:s10] =	ssyncset.done $0x0  }
0x5e: {  	[sflag:s10] =	ssyncadd.s32 $0xFFFE3E00  }
.LBB2_9:
0x5f: {  	_ =	sfence.sel $0x180000  }
0x60: {  	[bflag:$0x0] =	sbarrier.arrive $0xFFFF  }
0x61: {  	p0 =	sne.s32 s1, $0x0;
	_ =	strace $0x90000050  }
0x62: {  	s0 =	sadd.s32 @!p0 $0x100000, s0;
	[bflag:$0x2] =	sbarrier.arrive $0xFFFF  }
0x63: {  	[sflag:s0] =	ssyncadd.tile.s32 @!p0 $0x1;
	_ =	shalt  }
.Lfunc_end2:
_tile_overlayer_lowered:
.L_overlay_start_2:
0x64: {  	(tag) =	ssettag $0x2  }
0x65: {  	s0 =	rddreg [dreg:$0x0];
	s2 =	stileid.u32  }
0x66: {  	s1 =	rddreg [dreg:$0x1];
	p0 =	sne.s32 s2, $0x0  }
0x67: {  	s3 =	rddreg [dreg:$0x2];
	[bflag:$0x3] =	sbarrier.arrive $0xFFFF;
	s2 =	simm.s32 @!p0 $0x1C02  }
0x68: {  	[timem:s3], [sflag:s2] =	dma.local @!p0 [hbm:s0], s1  }
0x69: {  	s0 =	simm.s32 @!p0 $0x2  }
0x6a: {  	_ =	swait.ge @!p0 [sflag:s0], s1  }
0x6b: {  	s1 =	ssub.s32 @!p0 $0x0, s1;
	[sflag:s0] =	ssyncset.done @!p0 $0x0  }
0x6c: {  	[sflag:s0] =	ssyncadd.s32 @!p0 s1  }
0x6d: {  	[bflag:$0x3] =	sbarrier.arrive $0xFFFF  }
0x6e: {  	_ =	shalt  }

// kernel: kernel.29.cloned.1.call-start
scs
__scs_entry_jumppad:
0x0: {  	(pc) =	sbr.rel $0x88, $3  }
0x1: {  	(tag) =	ssettag $0x0;
	lr =	simm.s32 $0x1  }
0x2: {  	[smem:$0x3F8C] =	sst lr;
	_ =	strace $0xD0000000  }
0x3: {  	_ = 	snop  }
0x4: {  	_ = 	snop  }
0x5: {  	_ = 	snop  }
0x6: {  	_ = 	snop  }
0x7: {  	_ = 	snop  }
__scs_overlays_trampoline_lowered:
0x8: {  	[smem:$0x3F9B] =	sst s0  }
0x9: {  	[smem:$0x3F9C] =	sst s1  }
0xa: {  	[smem:$0x3F9D] =	sst s2  }
0xb: {  	[smem:$0x3F9E] =	sst s3  }
0xc: {  	[smem:$0x3F9F] =	sst s4  }
0xd: {  	[smem:$0x3FA0] =	sst s5  }
0xe: {  	[smem:$0x3FA1] =	sst s6  }
0xf: {  	[smem:$0x3FA2] =	sst s7  }
0x10: {  	[smem:$0x3FA3] =	sst s8  }
0x11: {  	[smem:$0x3FA4] =	sst s9;
	s0 =	simm.s32 @!p0 $0x0  }
0x12: {  	s1 =	sld [smem:$0x3F8A];
	s0 =	simm.s32 @p0 $0x1  }
0x13: {  	[smem:$0x3FA5] =	sst s0;
	s0 =	simm.s32 @!p1 $0x0  }
0x14: {  	s2 =	sld [smem:$0x3F89];
	s0 =	simm.s32 @p1 $0x1  }
0x15: {  	[smem:$0x3FA6] =	sst s0;
	s0 =	simm.s32 @!p2 $0x0  }
0x16: {  	s3 =	sld [smem:$0x3FDB];
	s0 =	simm.s32 @p2 $0x1  }
0x17: {  	s4 =	simm.s32 $0x1BF5;
	[smem:$0x3FA8] =	sst s0  }
0x18: {  	s0 =	sld [smem:$0x3F8B];
	_ =	swait.ge [sflag:s4], $0x0  }
0x19: {  	s7 =	sld [smem:$0x3F8C]  }
0x1a: {  	s8 =	sadd.s32 $0xFFFFE003, lr  }
0x1b: {  	s9 =	sadd.s32 $0xFFFFFEF7, lr;
	s5 =	simm.s32 $0xFFFFFFFF;
	p2 =	slt.u32 s8, $0xFFFFF086  }
0x1c: {  	p1 =	slt.u32 s9, $0xF7A;
	s5 =	simm.s32 @!p2 $0x0  }
0x1d: {  	s5 =	simm.s32 @p1 $0x1;
	p0 =	seq.s32 s7, s2  }
0x1e: {  	s7 =	smul.u32 @!p0 $0xF7A, s2;
	p2 =	seq.s32 @!p0 s5, $0x0  }
0x1f: {  	s9 =	smul.u32 $0xF7A, s1;
	s8 =	simm.s32 @!p0 $0x1BF5;
	p2 =	por !p2, p0  }
0x20: {  	[sflag:s8] =	ssyncset.s32 @!p0 $0xFFFFF086;
	s6 =	sadd.s32 @!p0 s3, s7;
	s7 =	simm.s32 @!p0 $0x108  }
0x21: {  	s3 =	sadd.s32 s3, s9;
	s6 =	sadd.s32 @!p0 $0x88, s6;
	s7 =	simm.s32 @p2 $0x1082  }
0x22: {  	[simem:s7], [sflag:s8] =	dma.local @!p0 [hbm:s6], $0xF7A  }
0x23: {  	s9 =	sor.u32 $0xD0000000, s2;
	s6 =	simm.s32 $0x108;
	_ =	swait.ge @!p0 [sflag:s8], $0x0  }
0x24: {  	s3 =	sadd.s32 $0x88, s3;
	s6 =	simm.s32 @!p1 $0x1082;
	[sflag:s4] =	ssyncset.s32 $0xFFFFF086  }
0x25: {  	[simem:s6], [sflag:s4] =	dma.local [hbm:s3], $0xF7A  }
0x26: {  	[smem:$0x3F8C] =	sst s1;
	(tag) =	ssettag s2;
	_ =	strace s9  }
0x27: {  	s1 =	sld [smem:$0x3F9C]  }
0x28: {  	s2 =	sld [smem:$0x3F9D]  }
0x29: {  	s4 =	sld [smem:$0x3F9F]  }
0x2a: {  	p0 =	seq.s32 s5, $0x0;
	s5 =	sld [smem:$0x3FA0]  }
0x2b: {  	s6 =	sld [smem:$0x3FA1]  }
0x2c: {  	s7 =	sld [smem:$0x3FA2]  }
0x2d: {  	s3 =	simm.s32 $0x108;
	s8 =	sld [smem:$0x3FA3]  }
0x2e: {  	s3 =	simm.s32 @!p0 $0x1082;
	s9 =	sld [smem:$0x3FA4]  }
0x2f: {  	lr =	sadd.s32 s0, s3;
	s0 =	sld [smem:$0x3F9B]  }
0x30: {  	s3 =	sld [smem:$0x3F9E]  }
0x31: {  	[smem:$0x3FA7] =	sst s10  }
0x32: {  	s10 =	sld [smem:$0x3FA5];
	_ =	sdelay $0x3  }
0x33: {  	p0 =	seq.s32 s10, $0x1;
	s10 =	sld [smem:$0x3FA7];
	_ =	sdelay $0x3  }
0x34: {  	[smem:$0x3FA7] =	sst s10  }
0x35: {  	s10 =	sld [smem:$0x3FA6];
	_ =	sdelay $0x3  }
0x36: {  	p1 =	seq.s32 s10, $0x1;
	s10 =	sld [smem:$0x3FA7];
	_ =	sdelay $0x3  }
0x37: {  	[smem:$0x3FA7] =	sst s10  }
0x38: {  	s10 =	sld [smem:$0x3FA8]  }
0x39: {  	_ = 	snop;
	(pc) =	sbr.ind lr, $3  }
0x3a: {  	_ = 	snop  }
0x3b: {  	_ = 	snop  }
0x3c: {  	p2 =	seq.s32 s10, $0x1;
	s10 =	sld [smem:$0x3FA7]  }
0x3d: {  	_ =	shalt  }
0x3e: {  	_ =	shalt  }
0x3f: {  	_ =	shalt  }
0x40: {  	_ =	shalt  }
0x41: {  	_ =	shalt  }
0x42: {  	_ =	shalt  }
0x43: {  	_ =	shalt  }
0x44: {  	_ =	shalt  }
0x45: {  	_ =	shalt  }
0x46: {  	_ =	shalt  }
0x47: {  	_ =	shalt  }
0x48: {  	_ =	shalt  }
0x49: {  	_ =	shalt  }
0x4a: {  	_ =	shalt  }
0x4b: {  	_ =	shalt  }
0x4c: {  	_ =	shalt  }
0x4d: {  	_ =	shalt  }
0x4e: {  	_ =	shalt  }
0x4f: {  	_ =	shalt  }
0x50: {  	_ =	shalt  }
0x51: {  	_ =	shalt  }
0x52: {  	_ =	shalt  }
0x53: {  	_ =	shalt  }
0x54: {  	_ =	shalt  }
0x55: {  	_ =	shalt  }
0x56: {  	_ =	shalt  }
0x57: {  	_ =	shalt  }
0x58: {  	_ =	shalt  }
0x59: {  	_ =	shalt  }
0x5a: {  	_ =	shalt  }
0x5b: {  	_ =	shalt  }
0x5c: {  	_ =	shalt  }
0x5d: {  	_ =	shalt  }
0x5e: {  	_ =	shalt  }
0x5f: {  	_ =	shalt  }
0x60: {  	_ =	shalt  }
0x61: {  	_ =	shalt  }
0x62: {  	_ =	shalt  }
0x63: {  	_ =	shalt  }
0x64: {  	_ =	shalt  }
0x65: {  	_ =	shalt  }
0x66: {  	_ =	shalt  }
0x67: {  	_ =	shalt  }
0x68: {  	_ =	shalt  }
0x69: {  	_ =	shalt  }
0x6a: {  	_ =	shalt  }
0x6b: {  	_ =	shalt  }
0x6c: {  	_ =	shalt  }
0x6d: {  	_ =	shalt  }
0x6e: {  	_ =	shalt  }
0x6f: {  	_ =	shalt  }
0x70: {  	_ =	shalt  }
0x71: {  	_ =	shalt  }
0x72: {  	_ =	shalt  }
0x73: {  	_ =	shalt  }
0x74: {  	_ =	shalt  }
0x75: {  	_ =	shalt  }
0x76: {  	_ =	shalt  }
0x77: {  	_ =	shalt  }
0x78: {  	_ =	shalt  }
0x79: {  	_ =	shalt  }
0x7a: {  	_ =	shalt  }
0x7b: {  	_ =	shalt  }
0x7c: {  	_ =	shalt  }
0x7d: {  	_ =	shalt  }
0x7e: {  	_ =	shalt  }
0x7f: {  	_ =	shalt  }
0x80: {  	_ =	shalt  }
0x81: {  	_ =	shalt  }
0x82: {  	_ =	shalt  }
0x83: {  	_ =	shalt  }
0x84: {  	_ =	shalt  }
0x85: {  	_ =	shalt  }
0x86: {  	_ =	shalt  }
0x87: {  	_ =	shalt  }
.Lfunc_end0:
.L_simem_size_0:
called_computation.4_lowered:
.L_overlay_start_0:
0x88: {  	s2 =	sld [smem:$0x3FD9]  }
0x89: {  	s3 =	sld [smem:$0x3FFE];
	_ =	sdelay $0x1  }
0x8a: {  	s1 =	srdreg.scid  }
0x8b: {  	s0 =	sand.u32 $0x1, s1  }
0x8c: {  	s16 =	sshll.u32 s0, $0xA;
	s2 =	sadd.s32 s3, s2  }
0x8d: {  	s2 =	sadd.s32 s2, s16  }
0x8e: {  	[smem:$0x3FB3] =	sst s2  }
0x8f: {  	_ = 	snop  }
0x90: {  	(tm) =	ssettm $0x1  }
0x91: {  	s17 =	sld [smem:$0x3FFB];
	_ =	sdelay $0x3  }
0x92: {  	_ =	strace s17  }
0x93: {  	s2 =	sld [smem:$0x3FFC];
	_ =	sdelay $0x3  }
0x94: {  	_ =	strace s2  }
0x95: {  	s2 =	sld [smem:$0x3FFD];
	_ =	sdelay $0x3  }
0x96: {  	_ =	strace s2  }
0x97: {  	_ =	strace $0x8FFFFFFF  }
0x98: {  	s18 =	sld [smem:$0x3FDB];
	_ =	sdelay $0x1  }
0x99: {  	s19 =	simm.s32 $_scs_section_size  }
0x9a: {  	s4 =	simm.s32 $_size__tile_overlayer_lowered;
	s5 =	simm.s32 $_tile_overlayer_lowered  }
0x9b: {  	s22 =	simm.s32 $0x1BFF;
	s21 =	sshll.u32 s5, $0x1;
	s2 =	sadd.s32 s19, s18  }
0x9c: {  	s6 =	simm.s32 $0x0;
	s20 =	sshll.u32 s4, $0x1;
	s4 =	sadd.s32 s21, s2  }
0x9d: {  	[timem:s6], [sflag:s22] =	dma.local [hbm:s4], s20  }
0x9e: {  	_ =	swait.ge [sflag:s22], s20  }
0x9f: {  	s3 =	ssub.s32 $0x0, s20;
	[sflag:s22] =	ssyncset.done $0x0  }
0xa0: {  	[sflag:s22] =	ssyncadd.s32 s3;
	_ =	sdelay $0x1  }
0xa1: {  	s23 =	simm.s32 $0x1B8B  }
0xa2: {  	_ =	swait.ge [sflag:s23], $0x1  }
0xa3: {  	[sflag:s23] =	ssyncset.done $0x0  }
0xa4: {  	s25 =	simm.s32 $0x1B8E;
	s24 =	sld [smem:$0x3FFE];
	[sflag:s23] =	ssyncadd.s32 $0xFFFFFFFF  }
0xa5: {  	s26 =	simm.s32 $execute0_lowered;
	[smem:$0x3FD2] =	sst s25  }
0xa6: {  	s4 =	sshll.u32 s26, $0x1;
	_ =	strace $0x80000052;
	[dreg:$0x1] =	wrdreg $0xFFFFFFFF  }
0xa7: {  	s28 =	simm.s32 $_size_execute0_lowered;
	s2 =	sadd.s32 s2, s4;
	[dreg:$0x0] =	wrdreg $0x0  }
0xa8: {  	s4 =	sshll.u32 s28, $0x1;
	[dreg:$0x2] =	wrdreg s2  }
0xa9: {  	[dreg:$0x3] =	wrdreg s4  }
0xaa: {  	[dreg:$0x4] =	wrdreg $0xC0  }
0xab: {  	_ =	task [dreg:s6], $0x5FFFF  }
0xac: {  	[dreg:$0x1] =	wrdreg $0xFFFFFFFF  }
0xad: {  	[dreg:$0x0] =	wrdreg $0x60  }
0xae: {  	[dreg:$0x2] =	wrdreg s24  }
0xaf: {  	[dreg:$0x3] =	wrdreg $0xE4200  }
0xb0: {  	[dreg:$0x4] =	wrdreg $0x9  }
0xb1: {  	_ =	task.clear_ibuf [dreg:s6], $0x5FFFF;
	_ =	strace $0x90000052  }
0xb2: {  	s29 =	simm.s32 $0x9;
	_ =	strace $0x80000054  }
0xb3: {  	_ =	swait.ge [sflag:s29], $0x1  }
0xb4: {  	[sflag:s29] =	ssyncadd.s32 $0xFFFFFFFF  }
0xb5: {  	_ =	strace $0x90000054  }
0xb6: {  	_ =	sfence  }
0xb7: {  	s30 =	sld [smem:$0x0];
	_ =	sdelay $0x2  }
0xb8: {  	s31 =	sshll.u32 s1, $0xD;
	s1 =	sshrl.u32 s1, $0x2  }
0xb9: {  	s3 =	sand.u32 $0x4000, s31;
	s1 =	sadd.s32 s1, s30  }
0xba: {  	s0 =	sor.u32 s3, s0;
	s1 =	sshll.u32 s1, $0x11  }
0xbb: {  	s0 =	sor.u32 s1, s0  }
0xbc: {  	s0 =	sadd.s32 $0x8F2B, s0  }
0xbd: {  	[sflag:s0] =	ssyncadd.remote.s32 $0x1  }
0xbe: {  	_ =	sfence.sel $0xFFFF  }
0xbf: {  	[dreg:$0x0] =	wrdreg $0xFFFFFFFF;
	(pc) =	sbr.abs _section_cstart, $3  }
0xc0: {  	[dreg:$0x1] =	wrdreg $0xFFFFFFFF  }
0xc1: {  	_ =	task.clear_ibuf [dreg:s6], $0x2FFFF;
	_ =	strace $0x9FFFFFFF  }
0xc2: {  	(tm) =	ssettm $0x7FFFFFFF  }
0xc3: {  	_ =	shalt  }
tec
execute0_lowered:
.L_overlay_start_1:
0x0: {  	(tag) =	ssettag $0x1  }
0x1: {  	s0 =	srdreg.scid  }
0x2: {  	s3 =	rddreg [dreg:$0x0];
	s8 =	stileid.u32  }
0x3: {  	s1 =	rddreg [dreg:$0x1];
	s2 =	simm.s32 $0x0;
	s19 =	simm.s32 $0x48  }
0x4: {  	s20 =	simm.s32 $0x90;
	s21 =	simm.s32 $0x320;
	s22 =	simm.s32 $0x0  }
0x5: {  	s4 =	sand.u32 $0x1, s0;
	s6 =	smul.u32 $0x1C200, s8;
	s0 =	rddreg [dreg:$0x2]  }
0x6: {  	[smem:$0x7FF] =	sst s2;
	s30 =	smul.u32 $0x64, s8;
	s10 =	sadd.s32 $0x11940, s1  }
0x7: {  	s11 =	sadd.s32 $0x23280, s1;
	s12 =	sadd.s32 $0x34BC0, s1;
	s13 =	sadd.s32 $0x46500, s1  }
0x8: {  	s14 =	sadd.s32 $0x57E40, s1;
	s15 =	sadd.s32 $0x69780, s1;
	s16 =	sadd.s32 $0x7B0C0, s1  }
0x9: {  	s17 =	sadd.s32 $0x8CA00, s1;
	s18 =	sadd.s32 $0x9E340, s1;
	s5 =	smul.u32 $0x48, s4  }
0xa: {  	p0 =	sne.s32 s8, $0x0;
	s7 =	smul.u32 $0x9, s4;
	s4 =	ssub.s32 $0x2, s4  }
0xb: {  	_ =	strace $0x80000053;
	s8 =	sshrl.u32 @!p0 s1, $0x3;
	s5 =	sor.u32 s5, s6  }
0xc: {  	s31 =	sshrl.u32 s4, $0x1;
	s6 =	sadd.s32 s30, s3;
	s5 =	sshrl.u32 s5, $0x3  }
0xd: {  	s7 =	sadd.s32 s7, s3;
	s6 =	sadd.s32 $0x4A200, s6;
	s9 =	sadd.s32 s5, s3  }
0xe: {  	s5 =	ssub.s32 s4, s31;
	s3 =	sadd.s32 $0x10400, s3;
	s4 =	sadd.s32 $0x54000, s7  }
0xf: {  	s5 =	smax.u32 s5, $0x1;
	s7 =	sadd.s32 $0x81800, s9;
	s9 =	sshrl.u32 @!p0 s10, $0x3  }
0x10: {  	s10 =	sshrl.u32 @!p0 s11, $0x3;
	s11 =	sshrl.u32 @!p0 s12, $0x3;
	s12 =	sshrl.u32 @!p0 s13, $0x3  }
0x11: {  	s13 =	sshrl.u32 @!p0 s14, $0x3;
	s14 =	sshrl.u32 @!p0 s15, $0x3;
	s15 =	sshrl.u32 @!p0 s16, $0x3  }
0x12: {  	s16 =	sshrl.u32 @!p0 s17, $0x3;
	s17 =	sshrl.u32 @!p0 s18, $0x3;
	s18 =	simm.s32 $0x1  }
.LBB2_1:
0x13: {  	s23 =	simm.s32 @!p0 $0x1C01;
	s24 =	simm.s32 @!p0 $0x1  }
0x14: {  	[spmem:s8], [sflag:s23] =	dma.local @!p0 [hbm:s3], $0x2328  }
0x15: {  	_ =	swait.ge @!p0 [sflag:s24], $0x2328  }
0x16: {  	[sflag:s24] =	ssyncset.done @!p0 $0x0  }
0x17: {  	[sflag:s24] =	ssyncadd.s32 @!p0 $0xFFFFDCD8  }
0x18: {  	[spmem:s9], [sflag:s23] =	dma.local @!p0 [hbm:s3], $0x2328  }
0x19: {  	_ =	swait.ge @!p0 [sflag:s24], $0x2328  }
0x1a: {  	[sflag:s24] =	ssyncset.done @!p0 $0x0  }
0x1b: {  	[sflag:s24] =	ssyncadd.s32 @!p0 $0xFFFFDCD8  }
0x1c: {  	[spmem:s10], [sflag:s23] =	dma.local @!p0 [hbm:s3], $0x2328  }
0x1d: {  	_ =	swait.ge @!p0 [sflag:s24], $0x2328  }
0x1e: {  	[sflag:s24] =	ssyncset.done @!p0 $0x0  }
0x1f: {  	[sflag:s24] =	ssyncadd.s32 @!p0 $0xFFFFDCD8  }
0x20: {  	[spmem:s11], [sflag:s23] =	dma.local @!p0 [hbm:s3], $0x2328  }
0x21: {  	_ =	swait.ge @!p0 [sflag:s24], $0x2328  }
0x22: {  	[sflag:s24] =	ssyncset.done @!p0 $0x0  }
0x23: {  	[sflag:s24] =	ssyncadd.s32 @!p0 $0xFFFFDCD8  }
0x24: {  	[spmem:s12], [sflag:s23] =	dma.local @!p0 [hbm:s3], $0x2328  }
0x25: {  	_ =	swait.ge @!p0 [sflag:s24], $0x2328  }
0x26: {  	[sflag:s24] =	ssyncset.done @!p0 $0x0  }
0x27: {  	[sflag:s24] =	ssyncadd.s32 @!p0 $0xFFFFDCD8  }
0x28: {  	[spmem:s13], [sflag:s23] =	dma.local @!p0 [hbm:s3], $0x2328  }
0x29: {  	_ =	swait.ge @!p0 [sflag:s24], $0x2328  }
0x2a: {  	[sflag:s24] =	ssyncset.done @!p0 $0x0  }
0x2b: {  	[sflag:s24] =	ssyncadd.s32 @!p0 $0xFFFFDCD8  }
0x2c: {  	[spmem:s14], [sflag:s23] =	dma.local @!p0 [hbm:s3], $0x2328  }
0x2d: {  	_ =	swait.ge @!p0 [sflag:s24], $0x2328  }
0x2e: {  	[sflag:s24] =	ssyncset.done @!p0 $0x0  }
0x2f: {  	[sflag:s24] =	ssyncadd.s32 @!p0 $0xFFFFDCD8  }
0x30: {  	[spmem:s15], [sflag:s23] =	dma.local @!p0 [hbm:s3], $0x2328  }
0x31: {  	_ =	swait.ge @!p0 [sflag:s24], $0x2328  }
0x32: {  	[sflag:s24] =	ssyncset.done @!p0 $0x0  }
0x33: {  	[sflag:s24] =	ssyncadd.s32 @!p0 $0xFFFFDCD8  }
0x34: {  	[spmem:s16], [sflag:s23] =	dma.local @!p0 [hbm:s3], $0x2328  }
0x35: {  	_ =	swait.ge @!p0 [sflag:s24], $0x2328  }
0x36: {  	[sflag:s24] =	ssyncset.done @!p0 $0x0  }
0x37: {  	[sflag:s24] =	ssyncadd.s32 @!p0 $0xFFFFDCD8  }
0x38: {  	[spmem:s17], [sflag:s23] =	dma.local @!p0 [hbm:s3], $0x2328  }
0x39: {  	_ =	swait.ge @!p0 [sflag:s24], $0x2328  }
0x3a: {  	[sflag:s24] =	ssyncset.done @!p0 $0x0  }
0x3b: {  	[sflag:s24] =	ssyncadd.s32 @!p0 $0xFFFFDCD8  }
0x3c: {  	s31 =	sadd.s32 $0x0, s6;
	[bflag:$0x0] =	sbarrier.arrive $0xFFFF  }
0x3d: {  	[tilespmem:s2], [sflag:$0x1] =	stream.linear.gather [hbm4b:s31+s2], $0x320, $0x38;
	[tilespmem:$0x193E8] =	vst v63  }
0x3e: {  	_ =	swait.ge [sflag:s18], $0x320  }
0x3f: {  	[sflag:s18] =	ssyncset.done $0x0  }
0x40: {  	[sflag:s18] =	ssyncadd.s32 $0xFFFFFCE0  }
0x41: {  	[tilespmem:s21], [sflag:$0x1] =	stream.strided.gather [hbm4b:s7+s19], $0xE100, s20, s19, $0x38;
	[tilespmem:$0x193E8] =	vst v63  }
0x42: {  	_ =	swait.ge [sflag:s18], $0xE100  }
0x43: {  	[sflag:s18] =	ssyncset.done $0x0  }
0x44: {  	[sflag:s18] =	ssyncadd.s32 $0xFFFF1F00  }
0x45: {  	[spmem:s1] =	stream.indirect.scatter.add.f32 [tilespmem:s21], [sflag:$0x1], $0x48, s2, s21, $0xb8;
	[tilespmem:$0x193E8] =	vst v63  }
0x46: {  	s25 =	simm.s32 $0xC80;
	_ =	swait.ge [sflag:s18], $0xE100  }
0x47: {  	s23 =	sadd.s32 $0x38400, s7;
	s24 =	simm.s32 $0x640;
	[sflag:s18] =	ssyncset.done $0x0  }
.LBB2_2:
0x48: {  	s26 =	sadd.s32 s24, s6  }
0x49: {  	[sflag:s18] =	ssyncadd.s32 $0xFFFF1F00;
	s24 =	smov.u32 s25;
	s28 =	sadd.s32 $0x640, s25  }
0x4a: {  	[tilespmem:s2], [sflag:$0x1] =	stream.linear.gather [hbm4b:s26+s2], $0x320, $0x38;
	[tilespmem:$0x193E8] =	vst v63  }
0x4b: {  	p1 =	sne.s32 s25, $0x9600;
	_ =	swait.ge [sflag:s18], $0x320  }
0x4c: {  	[sflag:s18] =	ssyncset.done $0x0  }
0x4d: {  	[sflag:s18] =	ssyncadd.s32 $0xFFFFFCE0  }
0x4e: {  	[tilespmem:s21], [sflag:$0x1] =	stream.strided.gather [hbm4b:s23+s19], $0xE100, s20, s19, $0x38;
	[tilespmem:$0x193E8] =	vst v63  }
0x4f: {  	_ =	swait.ge [sflag:s18], $0xE100  }
.Ltmp0:
0x50: {  	[sflag:s18] =	ssyncset.done $0x0;
	(pc) =	sbr.rel @p1 .LBB2_2-.Ltmp0, $4  }
0x51: {  	[sflag:s18] =	ssyncadd.s32 $0xFFFF1F00  }
0x52: {  	[spmem:s1] =	stream.indirect.scatter.add.f32 [tilespmem:s21], [sflag:$0x1], $0x48, s2, s21, $0xb8;
	[tilespmem:$0x193E8] =	vst v63  }
0x53: {  	_ =	swait.ge [sflag:s18], $0xE100  }
0x54: {  	s25 =	smov.u32 s28;
	s23 =	sadd.s32 $0x38400, s23;
	[sflag:s18] =	ssyncset.done $0x0  }
0x55: {  	s24 =	sadd.s32 s24, s6;
	[sflag:s18] =	ssyncadd.s32 $0xFFFF1F00  }
0x56: {  	[tilespmem:s2], [sflag:$0x1] =	stream.linear.gather [hbm4b:s24+s2], $0x320, $0x38;
	[tilespmem:$0x193E8] =	vst v63  }
0x57: {  	_ =	swait.ge [sflag:s18], $0x320  }
0x58: {  	[sflag:s18] =	ssyncset.done $0x0  }
0x59: {  	[sflag:s18] =	ssyncadd.s32 $0xFFFFFCE0  }
0x5a: {  	[tilespmem:s21], [sflag:$0x1] =	stream.strided.gather [hbm4b:s23+s19], $0xE100, s20, s19, $0x38;
	[tilespmem:$0x193E8] =	vst v63  }
0x5b: {  	_ =	swait.ge [sflag:s18], $0xE100  }
0x5c: {  	[sflag:s18] =	ssyncset.done $0x0  }
0x5d: {  	[sflag:s18] =	ssyncadd.s32 $0xFFFF1F00  }
0x5e: {  	[spmem:s1] =	stream.indirect.scatter.add.f32 [tilespmem:s21], [sflag:$0x1], $0x48, s2, s21, $0xb8;
	[tilespmem:$0x193E8] =	vst v63  }
0x5f: {  	s25 =	simm.s32 @!p0 $0x9;
	_ =	swait.ge [sflag:s18], $0xE100  }
0x60: {  	s26 =	simm.s32 @!p0 $0x1C01;
	s22 =	sadd.s32 $0x1, s22;
	[sflag:s18] =	ssyncset.done $0x0  }
0x61: {  	s24 =	simm.s32 @!p0 $0x12;
	p1 =	sne.s32 s22, s5;
	[sflag:s18] =	ssyncadd.s32 $0xFFFF1F00  }
.Ltmp1:
0x62: {  	s23 =	simm.s32 @!p0 $0x1;
	[bflag:$0x0] =	sbarrier.arrive $0xFFFF;
	(pc) =	sbr.rel @p1 .LBB2_1-.Ltmp1, $4  }
0x63: {  	[hbm:s4@s24], [sflag:s26] =	dma.strided @!p0 [spmem:s8@s25], $0x15F90, s23, $0x9   }
0x64: {  	_ =	swait.ge @!p0 [sflag:s23], $0x15F90  }
0x65: {  	[sflag:s23] =	ssyncset.done @!p0 $0x0  }
0x66: {  	[sflag:s23] =	ssyncadd.s32 @!p0 $0xFFFEA070  }
0x67: {  	_ =	sfence.sel $0x180000  }
0x68: {  	[bflag:$0x0] =	sbarrier.arrive $0xFFFF  }
0x69: {  	_ =	strace $0x90000053  }
0x6a: {  	s0 =	sadd.s32 @!p0 $0x100000, s0;
	[bflag:$0x2] =	sbarrier.arrive $0xFFFF  }
0x6b: {  	[sflag:s0] =	ssyncadd.tile.s32 @!p0 $0x1;
	_ =	shalt  }
.Lfunc_end2:
_tile_overlayer_lowered:
.L_overlay_start_2:
0x6c: {  	(tag) =	ssettag $0x2  }
0x6d: {  	s0 =	rddreg [dreg:$0x0];
	s2 =	stileid.u32  }
0x6e: {  	s1 =	rddreg [dreg:$0x1];
	p0 =	sne.s32 s2, $0x0  }
0x6f: {  	s3 =	rddreg [dreg:$0x2];
	[bflag:$0x3] =	sbarrier.arrive $0xFFFF;
	s2 =	simm.s32 @!p0 $0x1C01  }
0x70: {  	[timem:s3], [sflag:s2] =	dma.local @!p0 [hbm:s0], s1  }
0x71: {  	s0 =	simm.s32 @!p0 $0x1  }
0x72: {  	_ =	swait.ge @!p0 [sflag:s0], s1  }
0x73: {  	s1 =	ssub.s32 @!p0 $0x0, s1;
	[sflag:s0] =	ssyncset.done @!p0 $0x0  }
0x74: {  	[sflag:s0] =	ssyncadd.s32 @!p0 s1  }
0x75: {  	[bflag:$0x3] =	sbarrier.arrive $0xFFFF  }
0x76: {  	_ =	shalt  }

// kernel: kernel.32.cloned.1.call-start
scs
__scs_entry_jumppad:
0x0: {  	(pc) =	sbr.rel $0x88, $3  }
0x1: {  	(tag) =	ssettag $0x0;
	lr =	simm.s32 $0x1  }
0x2: {  	[smem:$0x3F8C] =	sst lr;
	_ =	strace $0xD0000000  }
0x3: {  	_ = 	snop  }
0x4: {  	_ = 	snop  }
0x5: {  	_ = 	snop  }
0x6: {  	_ = 	snop  }
0x7: {  	_ = 	snop  }
__scs_overlays_trampoline_lowered:
0x8: {  	[smem:$0x3F9B] =	sst s0  }
0x9: {  	[smem:$0x3F9C] =	sst s1  }
0xa: {  	[smem:$0x3F9D] =	sst s2  }
0xb: {  	[smem:$0x3F9E] =	sst s3  }
0xc: {  	[smem:$0x3F9F] =	sst s4  }
0xd: {  	[smem:$0x3FA0] =	sst s5  }
0xe: {  	[smem:$0x3FA1] =	sst s6  }
0xf: {  	[smem:$0x3FA2] =	sst s7  }
0x10: {  	[smem:$0x3FA3] =	sst s8  }
0x11: {  	[smem:$0x3FA4] =	sst s9;
	s0 =	simm.s32 @!p0 $0x0  }
0x12: {  	s1 =	sld [smem:$0x3F8A];
	s0 =	simm.s32 @p0 $0x1  }
0x13: {  	[smem:$0x3FA5] =	sst s0;
	s0 =	simm.s32 @!p1 $0x0  }
0x14: {  	s2 =	sld [smem:$0x3F89];
	s0 =	simm.s32 @p1 $0x1  }
0x15: {  	[smem:$0x3FA6] =	sst s0;
	s0 =	simm.s32 @!p2 $0x0  }
0x16: {  	s3 =	sld [smem:$0x3FDB];
	s0 =	simm.s32 @p2 $0x1  }
0x17: {  	s4 =	simm.s32 $0x1BF5;
	[smem:$0x3FA8] =	sst s0  }
0x18: {  	s0 =	sld [smem:$0x3F8B];
	_ =	swait.ge [sflag:s4], $0x0  }
0x19: {  	s7 =	sld [smem:$0x3F8C]  }
0x1a: {  	s8 =	sadd.s32 $0xFFFFE003, lr  }
0x1b: {  	s9 =	sadd.s32 $0xFFFFFEF7, lr;
	s5 =	simm.s32 $0xFFFFFFFF;
	p2 =	slt.u32 s8, $0xFFFFF086  }
0x1c: {  	p1 =	slt.u32 s9, $0xF7A;
	s5 =	simm.s32 @!p2 $0x0  }
0x1d: {  	s5 =	simm.s32 @p1 $0x1;
	p0 =	seq.s32 s7, s2  }
0x1e: {  	s7 =	smul.u32 @!p0 $0xF7A, s2;
	p2 =	seq.s32 @!p0 s5, $0x0  }
0x1f: {  	s9 =	smul.u32 $0xF7A, s1;
	s8 =	simm.s32 @!p0 $0x1BF5;
	p2 =	por !p2, p0  }
0x20: {  	[sflag:s8] =	ssyncset.s32 @!p0 $0xFFFFF086;
	s6 =	sadd.s32 @!p0 s3, s7;
	s7 =	simm.s32 @!p0 $0x108  }
0x21: {  	s3 =	sadd.s32 s3, s9;
	s6 =	sadd.s32 @!p0 $0x88, s6;
	s7 =	simm.s32 @p2 $0x1082  }
0x22: {  	[simem:s7], [sflag:s8] =	dma.local @!p0 [hbm:s6], $0xF7A  }
0x23: {  	s9 =	sor.u32 $0xD0000000, s2;
	s6 =	simm.s32 $0x108;
	_ =	swait.ge @!p0 [sflag:s8], $0x0  }
0x24: {  	s3 =	sadd.s32 $0x88, s3;
	s6 =	simm.s32 @!p1 $0x1082;
	[sflag:s4] =	ssyncset.s32 $0xFFFFF086  }
0x25: {  	[simem:s6], [sflag:s4] =	dma.local [hbm:s3], $0xF7A  }
0x26: {  	[smem:$0x3F8C] =	sst s1;
	(tag) =	ssettag s2;
	_ =	strace s9  }
0x27: {  	s1 =	sld [smem:$0x3F9C]  }
0x28: {  	s2 =	sld [smem:$0x3F9D]  }
0x29: {  	s4 =	sld [smem:$0x3F9F]  }
0x2a: {  	p0 =	seq.s32 s5, $0x0;
	s5 =	sld [smem:$0x3FA0]  }
0x2b: {  	s6 =	sld [smem:$0x3FA1]  }
0x2c: {  	s7 =	sld [smem:$0x3FA2]  }
0x2d: {  	s3 =	simm.s32 $0x108;
	s8 =	sld [smem:$0x3FA3]  }
0x2e: {  	s3 =	simm.s32 @!p0 $0x1082;
	s9 =	sld [smem:$0x3FA4]  }
0x2f: {  	lr =	sadd.s32 s0, s3;
	s0 =	sld [smem:$0x3F9B]  }
0x30: {  	s3 =	sld [smem:$0x3F9E]  }
0x31: {  	[smem:$0x3FA7] =	sst s10  }
0x32: {  	s10 =	sld [smem:$0x3FA5];
	_ =	sdelay $0x3  }
0x33: {  	p0 =	seq.s32 s10, $0x1;
	s10 =	sld [smem:$0x3FA7];
	_ =	sdelay $0x3  }
0x34: {  	[smem:$0x3FA7] =	sst s10  }
0x35: {  	s10 =	sld [smem:$0x3FA6];
	_ =	sdelay $0x3  }
0x36: {  	p1 =	seq.s32 s10, $0x1;
	s10 =	sld [smem:$0x3FA7];
	_ =	sdelay $0x3  }
0x37: {  	[smem:$0x3FA7] =	sst s10  }
0x38: {  	s10 =	sld [smem:$0x3FA8]  }
0x39: {  	_ = 	snop;
	(pc) =	sbr.ind lr, $3  }
0x3a: {  	_ = 	snop  }
0x3b: {  	_ = 	snop  }
0x3c: {  	p2 =	seq.s32 s10, $0x1;
	s10 =	sld [smem:$0x3FA7]  }
0x3d: {  	_ =	shalt  }
0x3e: {  	_ =	shalt  }
0x3f: {  	_ =	shalt  }
0x40: {  	_ =	shalt  }
0x41: {  	_ =	shalt  }
0x42: {  	_ =	shalt  }
0x43: {  	_ =	shalt  }
0x44: {  	_ =	shalt  }
0x45: {  	_ =	shalt  }
0x46: {  	_ =	shalt  }
0x47: {  	_ =	shalt  }
0x48: {  	_ =	shalt  }
0x49: {  	_ =	shalt  }
0x4a: {  	_ =	shalt  }
0x4b: {  	_ =	shalt  }
0x4c: {  	_ =	shalt  }
0x4d: {  	_ =	shalt  }
0x4e: {  	_ =	shalt  }
0x4f: {  	_ =	shalt  }
0x50: {  	_ =	shalt  }
0x51: {  	_ =	shalt  }
0x52: {  	_ =	shalt  }
0x53: {  	_ =	shalt  }
0x54: {  	_ =	shalt  }
0x55: {  	_ =	shalt  }
0x56: {  	_ =	shalt  }
0x57: {  	_ =	shalt  }
0x58: {  	_ =	shalt  }
0x59: {  	_ =	shalt  }
0x5a: {  	_ =	shalt  }
0x5b: {  	_ =	shalt  }
0x5c: {  	_ =	shalt  }
0x5d: {  	_ =	shalt  }
0x5e: {  	_ =	shalt  }
0x5f: {  	_ =	shalt  }
0x60: {  	_ =	shalt  }
0x61: {  	_ =	shalt  }
0x62: {  	_ =	shalt  }
0x63: {  	_ =	shalt  }
0x64: {  	_ =	shalt  }
0x65: {  	_ =	shalt  }
0x66: {  	_ =	shalt  }
0x67: {  	_ =	shalt  }
0x68: {  	_ =	shalt  }
0x69: {  	_ =	shalt  }
0x6a: {  	_ =	shalt  }
0x6b: {  	_ =	shalt  }
0x6c: {  	_ =	shalt  }
0x6d: {  	_ =	shalt  }
0x6e: {  	_ =	shalt  }
0x6f: {  	_ =	shalt  }
0x70: {  	_ =	shalt  }
0x71: {  	_ =	shalt  }
0x72: {  	_ =	shalt  }
0x73: {  	_ =	shalt  }
0x74: {  	_ =	shalt  }
0x75: {  	_ =	shalt  }
0x76: {  	_ =	shalt  }
0x77: {  	_ =	shalt  }
0x78: {  	_ =	shalt  }
0x79: {  	_ =	shalt  }
0x7a: {  	_ =	shalt  }
0x7b: {  	_ =	shalt  }
0x7c: {  	_ =	shalt  }
0x7d: {  	_ =	shalt  }
0x7e: {  	_ =	shalt  }
0x7f: {  	_ =	shalt  }
0x80: {  	_ =	shalt  }
0x81: {  	_ =	shalt  }
0x82: {  	_ =	shalt  }
0x83: {  	_ =	shalt  }
0x84: {  	_ =	shalt  }
0x85: {  	_ =	shalt  }
0x86: {  	_ =	shalt  }
0x87: {  	_ =	shalt  }
.Lfunc_end0:
.L_simem_size_0:
called_computation.5_lowered:
.L_overlay_start_0:
0x88: {  	s2 =	sld [smem:$0x3FD9]  }
0x89: {  	s3 =	sld [smem:$0x3FFE];
	_ =	sdelay $0x1  }
0x8a: {  	s1 =	srdreg.scid  }
0x8b: {  	s0 =	sand.u32 $0x1, s1  }
0x8c: {  	s16 =	sshll.u32 s0, $0xA;
	s2 =	sadd.s32 s3, s2  }
0x8d: {  	s2 =	sadd.s32 s2, s16  }
0x8e: {  	[smem:$0x3FB3] =	sst s2  }
0x8f: {  	_ = 	snop  }
0x90: {  	(tm) =	ssettm $0x1  }
0x91: {  	s17 =	sld [smem:$0x3FFB];
	_ =	sdelay $0x3  }
0x92: {  	_ =	strace s17  }
0x93: {  	s2 =	sld [smem:$0x3FFC];
	_ =	sdelay $0x3  }
0x94: {  	_ =	strace s2  }
0x95: {  	s2 =	sld [smem:$0x3FFD];
	_ =	sdelay $0x3  }
0x96: {  	_ =	strace s2  }
0x97: {  	_ =	strace $0x8FFFFFFF  }
0x98: {  	s18 =	sld [smem:$0x3FDB];
	_ =	sdelay $0x1  }
0x99: {  	s19 =	simm.s32 $_scs_section_size  }
0x9a: {  	s4 =	simm.s32 $_size__tile_overlayer_lowered;
	s5 =	simm.s32 $_tile_overlayer_lowered  }
0x9b: {  	s22 =	simm.s32 $0x1BFF;
	s21 =	sshll.u32 s5, $0x1;
	s2 =	sadd.s32 s19, s18  }
0x9c: {  	s6 =	simm.s32 $0x0;
	s20 =	sshll.u32 s4, $0x1;
	s4 =	sadd.s32 s21, s2  }
0x9d: {  	[timem:s6], [sflag:s22] =	dma.local [hbm:s4], s20  }
0x9e: {  	_ =	swait.ge [sflag:s22], s20  }
0x9f: {  	s3 =	ssub.s32 $0x0, s20;
	[sflag:s22] =	ssyncset.done $0x0  }
0xa0: {  	[sflag:s22] =	ssyncadd.s32 s3;
	_ =	sdelay $0x1  }
0xa1: {  	s23 =	simm.s32 $0x1B8B  }
0xa2: {  	_ =	swait.ge [sflag:s23], $0x1  }
0xa3: {  	[sflag:s23] =	ssyncset.done $0x0  }
0xa4: {  	s25 =	simm.s32 $0x1B8E;
	s24 =	sld [smem:$0x3FFE];
	[sflag:s23] =	ssyncadd.s32 $0xFFFFFFFF  }
0xa5: {  	s26 =	simm.s32 $execute0_lowered;
	[smem:$0x3FD2] =	sst s25  }
0xa6: {  	s4 =	sshll.u32 s26, $0x1;
	_ =	strace $0x80000055;
	[dreg:$0x1] =	wrdreg $0xFFFFFFFF  }
0xa7: {  	s28 =	simm.s32 $_size_execute0_lowered;
	s2 =	sadd.s32 s2, s4;
	[dreg:$0x0] =	wrdreg $0x0  }
0xa8: {  	s4 =	sshll.u32 s28, $0x1;
	[dreg:$0x2] =	wrdreg s2  }
0xa9: {  	[dreg:$0x3] =	wrdreg s4  }
0xaa: {  	[dreg:$0x4] =	wrdreg $0xC0  }
0xab: {  	_ =	task [dreg:s6], $0x5FFFF  }
0xac: {  	[dreg:$0x1] =	wrdreg $0xFFFFFFFF  }
0xad: {  	[dreg:$0x0] =	wrdreg $0x60  }
0xae: {  	[dreg:$0x2] =	wrdreg s24  }
0xaf: {  	[dreg:$0x3] =	wrdreg $0x9  }
0xb0: {  	_ =	task.clear_ibuf [dreg:s6], $0x4FFFF;
	_ =	strace $0x90000055  }
0xb1: {  	s29 =	simm.s32 $0x9;
	_ =	strace $0x80000057  }
0xb2: {  	_ =	swait.ge [sflag:s29], $0x1  }
0xb3: {  	[sflag:s29] =	ssyncadd.s32 $0xFFFFFFFF  }
0xb4: {  	_ =	strace $0x90000057  }
0xb5: {  	_ =	sfence  }
0xb6: {  	s30 =	sld [smem:$0x0];
	_ =	sdelay $0x2  }
0xb7: {  	s31 =	sshll.u32 s1, $0xD;
	s1 =	sshrl.u32 s1, $0x2  }
0xb8: {  	s3 =	sand.u32 $0x4000, s31;
	s1 =	sadd.s32 s1, s30  }
0xb9: {  	s0 =	sor.u32 s3, s0;
	s1 =	sshll.u32 s1, $0x11  }
0xba: {  	s0 =	sor.u32 s1, s0  }
0xbb: {  	s0 =	sadd.s32 $0x8F2B, s0  }
0xbc: {  	[sflag:s0] =	ssyncadd.remote.s32 $0x1  }
0xbd: {  	_ =	sfence.sel $0xFFFF  }
0xbe: {  	[dreg:$0x0] =	wrdreg $0xFFFFFFFF;
	(pc) =	sbr.abs _section_cstart, $3  }
0xbf: {  	[dreg:$0x1] =	wrdreg $0xFFFFFFFF  }
0xc0: {  	_ =	task.clear_ibuf [dreg:s6], $0x2FFFF;
	_ =	strace $0x9FFFFFFF  }
0xc1: {  	(tm) =	ssettm $0x7FFFFFFF  }
tec
execute0_lowered:
.L_overlay_start_1:
0x0: {  	(tag) =	ssettag $0x1  }
0x1: {  	s5 =	rddreg [dreg:$0x0]  }
0x2: {  	s0 =	rddreg [dreg:$0x1];
	s2 =	simm.s32 $0x0;
	s1 =	stileid.u32  }
0x3: {  	s3 =	srdreg.scid;
	s12 =	simm.s32 $0x1;
	s13 =	simm.s32 $0x0  }
0x4: {  	[smem:$0x7FF] =	sst s2;
	s6 =	smul.u32 $0x64, s1;
	s7 =	sand.u32 $0x1, s3  }
0x5: {  	s3 =	sadd.s32 $0x54000, s5;
	s8 =	smul.u32 $0x3840, s1;
	s4 =	sadd.s32 $0x81800, s5  }
.Ltmp0:
0x6: {  	_ =	strace $0x80000056;
	s9 =	ssub.s32 $0x2, s7;
	(pc) =	sbr.rel .LBB2_1-.Ltmp0, $4  }
0x7: {  	p0 =	seq.s32 s7, $0x1;
	s30 =	sshrl.u32 s9, $0x1;
	s11 =	sadd.s32 s8, s5  }
0x8: {  	s10 =	sadd.s32 s6, s5;
	s31 =	ssub.s32 s9, s30;
	s6 =	sadd.s32 $0xAD800, s11  }
0x9: {  	s7 =	sadd.s32 $0x4A200, s10;
	s8 =	sadd.s32 $0x40400, s10;
	s9 =	sadd.s32 $0x108A800, s11  }
0xa: {  	s10 =	simm.s32 $0x2;
	s11 =	simm.s32 $0x320;
	s5 =	smax.u32 s31, $0x1  }
.LBB2_7:
0xb: {  	s15 =	sadd.s32 s15, s8;
	[sflag:s10] =	ssyncadd.s32 $0xFFFE3E00  }
0xc: {  	[tilespmem:s2], [sflag:$0x2] =	stream.linear.gather [hbm4b:s15+s2], $0x320, $0x38;
	[tilespmem:$0x1C520] =	vst v63  }
0xd: {  	_ =	swait.ge [sflag:s10], $0x320  }
0xe: {  	[sflag:s10] =	ssyncset.done $0x0  }
0xf: {  	[sflag:s10] =	ssyncadd.s32 $0xFFFFFCE0  }
0x10: {  	[tilespmem:s11], [sflag:$0x1] =	stream.indirect.gather [hbm4b:s4+s11], $0x90, s2, s11, $0xb8;
	[tilespmem:$0x1C520] =	vst v63  }
0x11: {  	_ =	swait.ge [sflag:s12], $0x1C200  }
0x12: {  	[sflag:s12] =	ssyncset.done $0x0  }
0x13: {  	[sflag:s12] =	ssyncadd.s32 $0xFFFE3E00  }
0x14: {  	[hbm4b:s14+s2] =	stream.linear.scatter [tilespmem:s11], [sflag:$0x2], $0x1C200, $0x38;
	[tilespmem:$0x1C520] =	vst v63  }
0x15: {  	_ =	swait.ge [sflag:s10], $0x1C200  }
0x16: {  	[sflag:s10] =	ssyncset.done $0x0  }
0x17: {  	[sflag:s10] =	ssyncadd.s32 $0xFFFE3E00  }
.LBB2_8:
0x18: {  	s13 =	sadd.s32 $0x1, s13  }
0x19: {  	p1 =	sne.s32 s13, s5  }
.Ltmp1:
0x1a: {  	_ = 	snop;
	(pc) =	sbr.rel @!p1 .LBB2_9-.Ltmp1, $1  }
0x1b: {  	_ =	sdelay $0x3  }
.LBB2_1:
.Ltmp2:
0x1c: {  	(pc) =	sbr.rel @!p0 .LBB2_2-.Ltmp2, $1  }
0x1d: {  	_ =	sdelay $0x3  }
0x1e: {  	s14 =	sadd.s32 $0x0, s8  }
0x1f: {  	[tilespmem:s2], [sflag:$0x2] =	stream.linear.gather [hbm4b:s14+s2], $0x320, $0x38;
	[tilespmem:$0x1C520] =	vst v63  }
0x20: {  	_ =	swait.ge [sflag:s10], $0x320  }
0x21: {  	[sflag:s10] =	ssyncset.done $0x0  }
0x22: {  	[sflag:s10] =	ssyncadd.s32 $0xFFFFFCE0  }
0x23: {  	[tilespmem:s11], [sflag:$0x1] =	stream.indirect.gather [hbm4b:s4+s11], $0x90, s2, s11, $0xb8;
	[tilespmem:$0x1C520] =	vst v63  }
0x24: {  	_ =	swait.ge [sflag:s12], $0x1C200  }
0x25: {  	[sflag:s12] =	ssyncset.done $0x0  }
0x26: {  	[sflag:s12] =	ssyncadd.s32 $0xFFFE3E00  }
0x27: {  	[hbm4b:s9+s2] =	stream.linear.scatter [tilespmem:s11], [sflag:$0x2], $0x1C200, $0x38;
	[tilespmem:$0x1C520] =	vst v63  }
0x28: {  	s15 =	simm.s32 $0x640;
	_ =	swait.ge [sflag:s10], $0x1C200  }
0x29: {  	s16 =	simm.s32 $0xC80;
	s14 =	sadd.s32 $0x38400, s9;
	[sflag:s10] =	ssyncset.done $0x0  }
.LBB2_6:
0x2a: {  	s17 =	sadd.s32 s15, s8  }
0x2b: {  	[sflag:s10] =	ssyncadd.s32 $0xFFFE3E00;
	s15 =	smov.u32 s16;
	s18 =	sadd.s32 $0x640, s16  }
0x2c: {  	[tilespmem:s2], [sflag:$0x2] =	stream.linear.gather [hbm4b:s17+s2], $0x320, $0x38;
	[tilespmem:$0x1C520] =	vst v63  }
0x2d: {  	p1 =	sne.s32 s16, $0x9600;
	_ =	swait.ge [sflag:s10], $0x320  }
0x2e: {  	[sflag:s10] =	ssyncset.done $0x0  }
0x2f: {  	[sflag:s10] =	ssyncadd.s32 $0xFFFFFCE0  }
0x30: {  	[tilespmem:s11], [sflag:$0x1] =	stream.indirect.gather [hbm4b:s4+s11], $0x90, s2, s11, $0xb8;
	[tilespmem:$0x1C520] =	vst v63  }
0x31: {  	_ =	swait.ge [sflag:s12], $0x1C200  }
.Ltmp3:
0x32: {  	[sflag:s12] =	ssyncset.done $0x0;
	(pc) =	sbr.rel @p1 .LBB2_6-.Ltmp3, $4  }
0x33: {  	[sflag:s12] =	ssyncadd.s32 $0xFFFE3E00  }
0x34: {  	[hbm4b:s14+s2] =	stream.linear.scatter [tilespmem:s11], [sflag:$0x2], $0x1C200, $0x38;
	[tilespmem:$0x1C520] =	vst v63  }
0x35: {  	_ =	swait.ge [sflag:s10], $0x1C200  }
0x36: {  	s16 =	smov.u32 s18;
	s14 =	sadd.s32 $0x38400, s14;
	[sflag:s10] =	ssyncset.done $0x0  }
.Ltmp4:
0x37: {  	_ = 	snop;
	(pc) =	sbr.rel .LBB2_7-.Ltmp4, $1  }
0x38: {  	_ =	sdelay $0x3  }
.LBB2_2:
0x39: {  	s14 =	sadd.s32 $0x0, s7  }
0x3a: {  	[tilespmem:s2], [sflag:$0x2] =	stream.linear.gather [hbm4b:s14+s2], $0x320, $0x38;
	[tilespmem:$0x1C520] =	vst v63  }
0x3b: {  	_ =	swait.ge [sflag:s10], $0x320  }
0x3c: {  	[sflag:s10] =	ssyncset.done $0x0  }
0x3d: {  	[sflag:s10] =	ssyncadd.s32 $0xFFFFFCE0  }
0x3e: {  	[tilespmem:s11], [sflag:$0x1] =	stream.indirect.gather [hbm4b:s3+s11], $0x90, s2, s11, $0xb8;
	[tilespmem:$0x1C520] =	vst v63  }
0x3f: {  	_ =	swait.ge [sflag:s12], $0x1C200  }
0x40: {  	[sflag:s12] =	ssyncset.done $0x0  }
0x41: {  	[sflag:s12] =	ssyncadd.s32 $0xFFFE3E00  }
0x42: {  	[hbm4b:s6+s2] =	stream.linear.scatter [tilespmem:s11], [sflag:$0x2], $0x1C200, $0x38;
	[tilespmem:$0x1C520] =	vst v63  }
0x43: {  	s15 =	simm.s32 $0x640;
	_ =	swait.ge [sflag:s10], $0x1C200  }
0x44: {  	s16 =	simm.s32 $0xC80;
	s14 =	sadd.s32 $0x38400, s6;
	[sflag:s10] =	ssyncset.done $0x0  }
.LBB2_3:
0x45: {  	s17 =	sadd.s32 s15, s7  }
0x46: {  	[sflag:s10] =	ssyncadd.s32 $0xFFFE3E00;
	s15 =	smov.u32 s16;
	s18 =	sadd.s32 $0x640, s16  }
0x47: {  	[tilespmem:s2], [sflag:$0x2] =	stream.linear.gather [hbm4b:s17+s2], $0x320, $0x38;
	[tilespmem:$0x1C520] =	vst v63  }
0x48: {  	p1 =	seq.s32 s16, $0x9600;
	_ =	swait.ge [sflag:s10], $0x320  }
0x49: {  	[sflag:s10] =	ssyncset.done $0x0  }
0x4a: {  	[sflag:s10] =	ssyncadd.s32 $0xFFFFFCE0  }
0x4b: {  	[tilespmem:s11], [sflag:$0x1] =	stream.indirect.gather [hbm4b:s3+s11], $0x90, s2, s11, $0xb8;
	[tilespmem:$0x1C520] =	vst v63  }
0x4c: {  	_ =	swait.ge [sflag:s12], $0x1C200  }
.Ltmp5:
0x4d: {  	[sflag:s12] =	ssyncset.done $0x0;
	(pc) =	sbr.rel @!p1 .LBB2_3-.Ltmp5, $4  }
0x4e: {  	[sflag:s12] =	ssyncadd.s32 $0xFFFE3E00  }
0x4f: {  	[hbm4b:s14+s2] =	stream.linear.scatter [tilespmem:s11], [sflag:$0x2], $0x1C200, $0x38;
	[tilespmem:$0x1C520] =	vst v63  }
0x50: {  	_ =	swait.ge [sflag:s10], $0x1C200  }
0x51: {  	s16 =	smov.u32 s18;
	s14 =	sadd.s32 $0x38400, s14;
	[sflag:s10] =	ssyncset.done $0x0  }
0x52: {  	s15 =	sadd.s32 s15, s7;
	[sflag:s10] =	ssyncadd.s32 $0xFFFE3E00  }
0x53: {  	[tilespmem:s2], [sflag:$0x2] =	stream.linear.gather [hbm4b:s15+s2], $0x320, $0x38;
	[tilespmem:$0x1C520] =	vst v63  }
0x54: {  	_ =	swait.ge [sflag:s10], $0x320  }
0x55: {  	[sflag:s10] =	ssyncset.done $0x0  }
0x56: {  	[sflag:s10] =	ssyncadd.s32 $0xFFFFFCE0  }
0x57: {  	[tilespmem:s11], [sflag:$0x1] =	stream.indirect.gather [hbm4b:s3+s11], $0x90, s2, s11, $0xb8;
	[tilespmem:$0x1C520] =	vst v63  }
0x58: {  	_ =	swait.ge [sflag:s12], $0x1C200  }
0x59: {  	[sflag:s12] =	ssyncset.done $0x0  }
.Ltmp6:
0x5a: {  	[sflag:s12] =	ssyncadd.s32 $0xFFFE3E00;
	(pc) =	sbr.rel .LBB2_8-.Ltmp6, $4  }
0x5b: {  	[hbm4b:s14+s2] =	stream.linear.scatter [tilespmem:s11], [sflag:$0x2], $0x1C200, $0x38;
	[tilespmem:$0x1C520] =	vst v63  }
0x5c: {  	_ =	swait.ge [sflag:s10], $0x1C200  }
0x5d: {  	[sflag:s10] =	ssyncset.done $0x0  }
0x5e: {  	[sflag:s10] =	ssyncadd.s32 $0xFFFE3E00  }
.LBB2_9:
0x5f: {  	_ =	sfence.sel $0x180000  }
0x60: {  	[bflag:$0x0] =	sbarrier.arrive $0xFFFF  }
0x61: {  	p0 =	sne.s32 s1, $0x0;
	_ =	strace $0x90000056  }
0x62: {  	s0 =	sadd.s32 @!p0 $0x100000, s0;
	[bflag:$0x2] =	sbarrier.arrive $0xFFFF  }
0x63: {  	[sflag:s0] =	ssyncadd.tile.s32 @!p0 $0x1;
	_ =	shalt  }
.Lfunc_end2:
_tile_overlayer_lowered:
.L_overlay_start_2:
0x64: {  	(tag) =	ssettag $0x2  }
0x65: {  	s0 =	rddreg [dreg:$0x0];
	s2 =	stileid.u32  }
0x66: {  	s1 =	rddreg [dreg:$0x1];
	p0 =	sne.s32 s2, $0x0  }
0x67: {  	s3 =	rddreg [dreg:$0x2];
	[bflag:$0x3] =	sbarrier.arrive $0xFFFF;
	s2 =	simm.s32 @!p0 $0x1C02  }
0x68: {  	[timem:s3], [sflag:s2] =	dma.local @!p0 [hbm:s0], s1  }
0x69: {  	s0 =	simm.s32 @!p0 $0x2  }
0x6a: {  	_ =	swait.ge @!p0 [sflag:s0], s1  }
0x6b: {  	s1 =	ssub.s32 @!p0 $0x0, s1;
	[sflag:s0] =	ssyncset.done @!p0 $0x0  }
0x6c: {  	[sflag:s0] =	ssyncadd.s32 @!p0 s1  }
0x6d: {  	[bflag:$0x3] =	sbarrier.arrive $0xFFFF  }
0x6e: {  	_ =	shalt  }

// kernel: kernel.35.cloned.1.call-start
scs
__scs_entry_jumppad:
0x0: {  	(pc) =	sbr.rel $0x88, $3  }
0x1: {  	(tag) =	ssettag $0x0;
	lr =	simm.s32 $0x1  }
0x2: {  	[smem:$0x3F8C] =	sst lr;
	_ =	strace $0xD0000000  }
0x3: {  	_ = 	snop  }
0x4: {  	_ = 	snop  }
0x5: {  	_ = 	snop  }
0x6: {  	_ = 	snop  }
0x7: {  	_ = 	snop  }
__scs_overlays_trampoline_lowered:
0x8: {  	[smem:$0x3F9B] =	sst s0  }
0x9: {  	[smem:$0x3F9C] =	sst s1  }
0xa: {  	[smem:$0x3F9D] =	sst s2  }
0xb: {  	[smem:$0x3F9E] =	sst s3  }
0xc: {  	[smem:$0x3F9F] =	sst s4  }
0xd: {  	[smem:$0x3FA0] =	sst s5  }
0xe: {  	[smem:$0x3FA1] =	sst s6  }
0xf: {  	[smem:$0x3FA2] =	sst s7  }
0x10: {  	[smem:$0x3FA3] =	sst s8  }
0x11: {  	[smem:$0x3FA4] =	sst s9;
	s0 =	simm.s32 @!p0 $0x0  }
0x12: {  	s1 =	sld [smem:$0x3F8A];
	s0 =	simm.s32 @p0 $0x1  }
0x13: {  	[smem:$0x3FA5] =	sst s0;
	s0 =	simm.s32 @!p1 $0x0  }
0x14: {  	s2 =	sld [smem:$0x3F89];
	s0 =	simm.s32 @p1 $0x1  }
0x15: {  	[smem:$0x3FA6] =	sst s0;
	s0 =	simm.s32 @!p2 $0x0  }
0x16: {  	s3 =	sld [smem:$0x3FDB];
	s0 =	simm.s32 @p2 $0x1  }
0x17: {  	s4 =	simm.s32 $0x1BF5;
	[smem:$0x3FA8] =	sst s0  }
0x18: {  	s0 =	sld [smem:$0x3F8B];
	_ =	swait.ge [sflag:s4], $0x0  }
0x19: {  	s7 =	sld [smem:$0x3F8C]  }
0x1a: {  	s8 =	sadd.s32 $0xFFFFE003, lr  }
0x1b: {  	s9 =	sadd.s32 $0xFFFFFEF7, lr;
	s5 =	simm.s32 $0xFFFFFFFF;
	p2 =	slt.u32 s8, $0xFFFFF086  }
0x1c: {  	p1 =	slt.u32 s9, $0xF7A;
	s5 =	simm.s32 @!p2 $0x0  }
0x1d: {  	s5 =	simm.s32 @p1 $0x1;
	p0 =	seq.s32 s7, s2  }
0x1e: {  	s7 =	smul.u32 @!p0 $0xF7A, s2;
	p2 =	seq.s32 @!p0 s5, $0x0  }
0x1f: {  	s9 =	smul.u32 $0xF7A, s1;
	s8 =	simm.s32 @!p0 $0x1BF5;
	p2 =	por !p2, p0  }
0x20: {  	[sflag:s8] =	ssyncset.s32 @!p0 $0xFFFFF086;
	s6 =	sadd.s32 @!p0 s3, s7;
	s7 =	simm.s32 @!p0 $0x108  }
0x21: {  	s3 =	sadd.s32 s3, s9;
	s6 =	sadd.s32 @!p0 $0x88, s6;
	s7 =	simm.s32 @p2 $0x1082  }
0x22: {  	[simem:s7], [sflag:s8] =	dma.local @!p0 [hbm:s6], $0xF7A  }
0x23: {  	s9 =	sor.u32 $0xD0000000, s2;
	s6 =	simm.s32 $0x108;
	_ =	swait.ge @!p0 [sflag:s8], $0x0  }
0x24: {  	s3 =	sadd.s32 $0x88, s3;
	s6 =	simm.s32 @!p1 $0x1082;
	[sflag:s4] =	ssyncset.s32 $0xFFFFF086  }
0x25: {  	[simem:s6], [sflag:s4] =	dma.local [hbm:s3], $0xF7A  }
0x26: {  	[smem:$0x3F8C] =	sst s1;
	(tag) =	ssettag s2;
	_ =	strace s9  }
0x27: {  	s1 =	sld [smem:$0x3F9C]  }
0x28: {  	s2 =	sld [smem:$0x3F9D]  }
0x29: {  	s4 =	sld [smem:$0x3F9F]  }
0x2a: {  	p0 =	seq.s32 s5, $0x0;
	s5 =	sld [smem:$0x3FA0]  }
0x2b: {  	s6 =	sld [smem:$0x3FA1]  }
0x2c: {  	s7 =	sld [smem:$0x3FA2]  }
0x2d: {  	s3 =	simm.s32 $0x108;
	s8 =	sld [smem:$0x3FA3]  }
0x2e: {  	s3 =	simm.s32 @!p0 $0x1082;
	s9 =	sld [smem:$0x3FA4]  }
0x2f: {  	lr =	sadd.s32 s0, s3;
	s0 =	sld [smem:$0x3F9B]  }
0x30: {  	s3 =	sld [smem:$0x3F9E]  }
0x31: {  	[smem:$0x3FA7] =	sst s10  }
0x32: {  	s10 =	sld [smem:$0x3FA5];
	_ =	sdelay $0x3  }
0x33: {  	p0 =	seq.s32 s10, $0x1;
	s10 =	sld [smem:$0x3FA7];
	_ =	sdelay $0x3  }
0x34: {  	[smem:$0x3FA7] =	sst s10  }
0x35: {  	s10 =	sld [smem:$0x3FA6];
	_ =	sdelay $0x3  }
0x36: {  	p1 =	seq.s32 s10, $0x1;
	s10 =	sld [smem:$0x3FA7];
	_ =	sdelay $0x3  }
0x37: {  	[smem:$0x3FA7] =	sst s10  }
0x38: {  	s10 =	sld [smem:$0x3FA8]  }
0x39: {  	_ = 	snop;
	(pc) =	sbr.ind lr, $3  }
0x3a: {  	_ = 	snop  }
0x3b: {  	_ = 	snop  }
0x3c: {  	p2 =	seq.s32 s10, $0x1;
	s10 =	sld [smem:$0x3FA7]  }
0x3d: {  	_ =	shalt  }
0x3e: {  	_ =	shalt  }
0x3f: {  	_ =	shalt  }
0x40: {  	_ =	shalt  }
0x41: {  	_ =	shalt  }
0x42: {  	_ =	shalt  }
0x43: {  	_ =	shalt  }
0x44: {  	_ =	shalt  }
0x45: {  	_ =	shalt  }
0x46: {  	_ =	shalt  }
0x47: {  	_ =	shalt  }
0x48: {  	_ =	shalt  }
0x49: {  	_ =	shalt  }
0x4a: {  	_ =	shalt  }
0x4b: {  	_ =	shalt  }
0x4c: {  	_ =	shalt  }
0x4d: {  	_ =	shalt  }
0x4e: {  	_ =	shalt  }
0x4f: {  	_ =	shalt  }
0x50: {  	_ =	shalt  }
0x51: {  	_ =	shalt  }
0x52: {  	_ =	shalt  }
0x53: {  	_ =	shalt  }
0x54: {  	_ =	shalt  }
0x55: {  	_ =	shalt  }
0x56: {  	_ =	shalt  }
0x57: {  	_ =	shalt  }
0x58: {  	_ =	shalt  }
0x59: {  	_ =	shalt  }
0x5a: {  	_ =	shalt  }
0x5b: {  	_ =	shalt  }
0x5c: {  	_ =	shalt  }
0x5d: {  	_ =	shalt  }
0x5e: {  	_ =	shalt  }
0x5f: {  	_ =	shalt  }
0x60: {  	_ =	shalt  }
0x61: {  	_ =	shalt  }
0x62: {  	_ =	shalt  }
0x63: {  	_ =	shalt  }
0x64: {  	_ =	shalt  }
0x65: {  	_ =	shalt  }
0x66: {  	_ =	shalt  }
0x67: {  	_ =	shalt  }
0x68: {  	_ =	shalt  }
0x69: {  	_ =	shalt  }
0x6a: {  	_ =	shalt  }
0x6b: {  	_ =	shalt  }
0x6c: {  	_ =	shalt  }
0x6d: {  	_ =	shalt  }
0x6e: {  	_ =	shalt  }
0x6f: {  	_ =	shalt  }
0x70: {  	_ =	shalt  }
0x71: {  	_ =	shalt  }
0x72: {  	_ =	shalt  }
0x73: {  	_ =	shalt  }
0x74: {  	_ =	shalt  }
0x75: {  	_ =	shalt  }
0x76: {  	_ =	shalt  }
0x77: {  	_ =	shalt  }
0x78: {  	_ =	shalt  }
0x79: {  	_ =	shalt  }
0x7a: {  	_ =	shalt  }
0x7b: {  	_ =	shalt  }
0x7c: {  	_ =	shalt  }
0x7d: {  	_ =	shalt  }
0x7e: {  	_ =	shalt  }
0x7f: {  	_ =	shalt  }
0x80: {  	_ =	shalt  }
0x81: {  	_ =	shalt  }
0x82: {  	_ =	shalt  }
0x83: {  	_ =	shalt  }
0x84: {  	_ =	shalt  }
0x85: {  	_ =	shalt  }
0x86: {  	_ =	shalt  }
0x87: {  	_ =	shalt  }
.Lfunc_end0:
.L_simem_size_0:
called_computation.6_lowered:
.L_overlay_start_0:
0x88: {  	s2 =	sld [smem:$0x3FD9]  }
0x89: {  	s3 =	sld [smem:$0x3FFE];
	_ =	sdelay $0x1  }
0x8a: {  	s1 =	srdreg.scid  }
0x8b: {  	s0 =	sand.u32 $0x1, s1  }
0x8c: {  	s16 =	sshll.u32 s0, $0xA;
	s2 =	sadd.s32 s3, s2  }
0x8d: {  	s2 =	sadd.s32 s2, s16  }
0x8e: {  	[smem:$0x3FB3] =	sst s2  }
0x8f: {  	_ = 	snop  }
0x90: {  	(tm) =	ssettm $0x1  }
0x91: {  	s17 =	sld [smem:$0x3FFB];
	_ =	sdelay $0x3  }
0x92: {  	_ =	strace s17  }
0x93: {  	s2 =	sld [smem:$0x3FFC];
	_ =	sdelay $0x3  }
0x94: {  	_ =	strace s2  }
0x95: {  	s2 =	sld [smem:$0x3FFD];
	_ =	sdelay $0x3  }
0x96: {  	_ =	strace s2  }
0x97: {  	_ =	strace $0x8FFFFFFF  }
0x98: {  	s18 =	sld [smem:$0x3FDB];
	_ =	sdelay $0x1  }
0x99: {  	s19 =	simm.s32 $_scs_section_size  }
0x9a: {  	s4 =	simm.s32 $_size__tile_overlayer_lowered;
	s5 =	simm.s32 $_tile_overlayer_lowered  }
0x9b: {  	s22 =	simm.s32 $0x1BFF;
	s21 =	sshll.u32 s5, $0x1;
	s2 =	sadd.s32 s19, s18  }
0x9c: {  	s6 =	simm.s32 $0x0;
	s20 =	sshll.u32 s4, $0x1;
	s4 =	sadd.s32 s21, s2  }
0x9d: {  	[timem:s6], [sflag:s22] =	dma.local [hbm:s4], s20  }
0x9e: {  	_ =	swait.ge [sflag:s22], s20  }
0x9f: {  	s3 =	ssub.s32 $0x0, s20;
	[sflag:s22] =	ssyncset.done $0x0  }
0xa0: {  	[sflag:s22] =	ssyncadd.s32 s3;
	_ =	sdelay $0x1  }
0xa1: {  	s23 =	simm.s32 $0x1B8B  }
0xa2: {  	_ =	swait.ge [sflag:s23], $0x1  }
0xa3: {  	[sflag:s23] =	ssyncset.done $0x0  }
0xa4: {  	s25 =	simm.s32 $0x1B8E;
	s24 =	sld [smem:$0x3FFE];
	[sflag:s23] =	ssyncadd.s32 $0xFFFFFFFF  }
0xa5: {  	s26 =	simm.s32 $execute0_lowered;
	[smem:$0x3FD2] =	sst s25  }
0xa6: {  	s4 =	sshll.u32 s26, $0x1;
	_ =	strace $0x80000058;
	[dreg:$0x1] =	wrdreg $0xFFFFFFFF  }
0xa7: {  	s28 =	simm.s32 $_size_execute0_lowered;
	s2 =	sadd.s32 s2, s4;
	[dreg:$0x0] =	wrdreg $0x0  }
0xa8: {  	s4 =	sshll.u32 s28, $0x1;
	[dreg:$0x2] =	wrdreg s2  }
0xa9: {  	[dreg:$0x3] =	wrdreg s4  }
0xaa: {  	[dreg:$0x4] =	wrdreg $0xC0  }
0xab: {  	_ =	task [dreg:s6], $0x5FFFF  }
0xac: {  	[dreg:$0x1] =	wrdreg $0xFFFFFFFF  }
0xad: {  	[dreg:$0x0] =	wrdreg $0x60  }
0xae: {  	[dreg:$0x2] =	wrdreg s24  }
0xaf: {  	[dreg:$0x3] =	wrdreg $0xE4200  }
0xb0: {  	[dreg:$0x4] =	wrdreg $0x9  }
0xb1: {  	_ =	task.clear_ibuf [dreg:s6], $0x5FFFF;
	_ =	strace $0x90000058  }
0xb2: {  	s29 =	simm.s32 $0x9;
	_ =	strace $0x8000005A  }
0xb3: {  	_ =	swait.ge [sflag:s29], $0x1  }
0xb4: {  	[sflag:s29] =	ssyncadd.s32 $0xFFFFFFFF  }
0xb5: {  	_ =	strace $0x9000005A  }
0xb6: {  	_ =	sfence  }
0xb7: {  	s30 =	sld [smem:$0x0];
	_ =	sdelay $0x2  }
0xb8: {  	s31 =	sshll.u32 s1, $0xD;
	s1 =	sshrl.u32 s1, $0x2  }
0xb9: {  	s3 =	sand.u32 $0x4000, s31;
	s1 =	sadd.s32 s1, s30  }
0xba: {  	s0 =	sor.u32 s3, s0;
	s1 =	sshll.u32 s1, $0x11  }
0xbb: {  	s0 =	sor.u32 s1, s0  }
0xbc: {  	s0 =	sadd.s32 $0x8F2B, s0  }
0xbd: {  	[sflag:s0] =	ssyncadd.remote.s32 $0x1  }
0xbe: {  	_ =	sfence.sel $0xFFFF  }
0xbf: {  	[dreg:$0x0] =	wrdreg $0xFFFFFFFF;
	(pc) =	sbr.abs _section_cstart, $3  }
0xc0: {  	[dreg:$0x1] =	wrdreg $0xFFFFFFFF  }
0xc1: {  	_ =	task.clear_ibuf [dreg:s6], $0x2FFFF;
	_ =	strace $0x9FFFFFFF  }
0xc2: {  	(tm) =	ssettm $0x7FFFFFFF  }
0xc3: {  	_ =	shalt  }
tec
execute0_lowered:
.L_overlay_start_1:
0x0: {  	(tag) =	ssettag $0x1  }
0x1: {  	s0 =	srdreg.scid  }
0x2: {  	s3 =	rddreg [dreg:$0x0];
	s8 =	stileid.u32  }
0x3: {  	s1 =	rddreg [dreg:$0x1];
	s2 =	simm.s32 $0x0;
	s19 =	simm.s32 $0x48  }
0x4: {  	s20 =	simm.s32 $0x90;
	s21 =	simm.s32 $0x320;
	s22 =	simm.s32 $0x0  }
0x5: {  	s4 =	sand.u32 $0x1, s0;
	s6 =	smul.u32 $0x1C200, s8;
	s0 =	rddreg [dreg:$0x2]  }
0x6: {  	[smem:$0x7FF] =	sst s2;
	s30 =	smul.u32 $0x64, s8;
	s10 =	sadd.s32 $0x11940, s1  }
0x7: {  	s11 =	sadd.s32 $0x23280, s1;
	s12 =	sadd.s32 $0x34BC0, s1;
	s13 =	sadd.s32 $0x46500, s1  }
0x8: {  	s14 =	sadd.s32 $0x57E40, s1;
	s15 =	sadd.s32 $0x69780, s1;
	s16 =	sadd.s32 $0x7B0C0, s1  }
0x9: {  	s17 =	sadd.s32 $0x8CA00, s1;
	s18 =	sadd.s32 $0x9E340, s1;
	s5 =	smul.u32 $0x48, s4  }
0xa: {  	p0 =	sne.s32 s8, $0x0;
	s7 =	smul.u32 $0x9, s4;
	s4 =	ssub.s32 $0x2, s4  }
0xb: {  	_ =	strace $0x80000059;
	s8 =	sshrl.u32 @!p0 s1, $0x3;
	s5 =	sor.u32 s5, s6  }
0xc: {  	s31 =	sshrl.u32 s4, $0x1;
	s6 =	sadd.s32 s30, s3;
	s5 =	sshrl.u32 s5, $0x3  }
0xd: {  	s7 =	sadd.s32 s7, s3;
	s6 =	sadd.s32 $0x4A200, s6;
	s9 =	sadd.s32 s5, s3  }
0xe: {  	s5 =	ssub.s32 s4, s31;
	s3 =	sadd.s32 $0x10400, s3;
	s4 =	sadd.s32 $0x54000, s7  }
0xf: {  	s5 =	smax.u32 s5, $0x1;
	s7 =	sadd.s32 $0x81800, s9;
	s9 =	sshrl.u32 @!p0 s10, $0x3  }
0x10: {  	s10 =	sshrl.u32 @!p0 s11, $0x3;
	s11 =	sshrl.u32 @!p0 s12, $0x3;
	s12 =	sshrl.u32 @!p0 s13, $0x3  }
0x11: {  	s13 =	sshrl.u32 @!p0 s14, $0x3;
	s14 =	sshrl.u32 @!p0 s15, $0x3;
	s15 =	sshrl.u32 @!p0 s16, $0x3  }
0x12: {  	s16 =	sshrl.u32 @!p0 s17, $0x3;
	s17 =	sshrl.u32 @!p0 s18, $0x3;
	s18 =	simm.s32 $0x1  }
.LBB2_1:
0x13: {  	s23 =	simm.s32 @!p0 $0x1C01;
	s24 =	simm.s32 @!p0 $0x1  }
0x14: {  	[spmem:s8], [sflag:s23] =	dma.local @!p0 [hbm:s3], $0x2328  }
0x15: {  	_ =	swait.ge @!p0 [sflag:s24], $0x2328  }
0x16: {  	[sflag:s24] =	ssyncset.done @!p0 $0x0  }
0x17: {  	[sflag:s24] =	ssyncadd.s32 @!p0 $0xFFFFDCD8  }
0x18: {  	[spmem:s9], [sflag:s23] =	dma.local @!p0 [hbm:s3], $0x2328  }
0x19: {  	_ =	swait.ge @!p0 [sflag:s24], $0x2328  }
0x1a: {  	[sflag:s24] =	ssyncset.done @!p0 $0x0  }
0x1b: {  	[sflag:s24] =	ssyncadd.s32 @!p0 $0xFFFFDCD8  }
0x1c: {  	[spmem:s10], [sflag:s23] =	dma.local @!p0 [hbm:s3], $0x2328  }
0x1d: {  	_ =	swait.ge @!p0 [sflag:s24], $0x2328  }
0x1e: {  	[sflag:s24] =	ssyncset.done @!p0 $0x0  }
0x1f: {  	[sflag:s24] =	ssyncadd.s32 @!p0 $0xFFFFDCD8  }
0x20: {  	[spmem:s11], [sflag:s23] =	dma.local @!p0 [hbm:s3], $0x2328  }
0x21: {  	_ =	swait.ge @!p0 [sflag:s24], $0x2328  }
0x22: {  	[sflag:s24] =	ssyncset.done @!p0 $0x0  }
0x23: {  	[sflag:s24] =	ssyncadd.s32 @!p0 $0xFFFFDCD8  }
0x24: {  	[spmem:s12], [sflag:s23] =	dma.local @!p0 [hbm:s3], $0x2328  }
0x25: {  	_ =	swait.ge @!p0 [sflag:s24], $0x2328  }
0x26: {  	[sflag:s24] =	ssyncset.done @!p0 $0x0  }
0x27: {  	[sflag:s24] =	ssyncadd.s32 @!p0 $0xFFFFDCD8  }
0x28: {  	[spmem:s13], [sflag:s23] =	dma.local @!p0 [hbm:s3], $0x2328  }
0x29: {  	_ =	swait.ge @!p0 [sflag:s24], $0x2328  }
0x2a: {  	[sflag:s24] =	ssyncset.done @!p0 $0x0  }
0x2b: {  	[sflag:s24] =	ssyncadd.s32 @!p0 $0xFFFFDCD8  }
0x2c: {  	[spmem:s14], [sflag:s23] =	dma.local @!p0 [hbm:s3], $0x2328  }
0x2d: {  	_ =	swait.ge @!p0 [sflag:s24], $0x2328  }
0x2e: {  	[sflag:s24] =	ssyncset.done @!p0 $0x0  }
0x2f: {  	[sflag:s24] =	ssyncadd.s32 @!p0 $0xFFFFDCD8  }
0x30: {  	[spmem:s15], [sflag:s23] =	dma.local @!p0 [hbm:s3], $0x2328  }
0x31: {  	_ =	swait.ge @!p0 [sflag:s24], $0x2328  }
0x32: {  	[sflag:s24] =	ssyncset.done @!p0 $0x0  }
0x33: {  	[sflag:s24] =	ssyncadd.s32 @!p0 $0xFFFFDCD8  }
0x34: {  	[spmem:s16], [sflag:s23] =	dma.local @!p0 [hbm:s3], $0x2328  }
0x35: {  	_ =	swait.ge @!p0 [sflag:s24], $0x2328  }
0x36: {  	[sflag:s24] =	ssyncset.done @!p0 $0x0  }
0x37: {  	[sflag:s24] =	ssyncadd.s32 @!p0 $0xFFFFDCD8  }
0x38: {  	[spmem:s17], [sflag:s23] =	dma.local @!p0 [hbm:s3], $0x2328  }
0x39: {  	_ =	swait.ge @!p0 [sflag:s24], $0x2328  }
0x3a: {  	[sflag:s24] =	ssyncset.done @!p0 $0x0  }
0x3b: {  	[sflag:s24] =	ssyncadd.s32 @!p0 $0xFFFFDCD8  }
0x3c: {  	s31 =	sadd.s32 $0x0, s6;
	[bflag:$0x0] =	sbarrier.arrive $0xFFFF  }
0x3d: {  	[tilespmem:s2], [sflag:$0x1] =	stream.linear.gather [hbm4b:s31+s2], $0x320, $0x38;
	[tilespmem:$0x193E8] =	vst v63  }
0x3e: {  	_ =	swait.ge [sflag:s18], $0x320  }
0x3f: {  	[sflag:s18] =	ssyncset.done $0x0  }
0x40: {  	[sflag:s18] =	ssyncadd.s32 $0xFFFFFCE0  }
0x41: {  	[tilespmem:s21], [sflag:$0x1] =	stream.strided.gather [hbm4b:s7+s19], $0xE100, s20, s19, $0x38;
	[tilespmem:$0x193E8] =	vst v63  }
0x42: {  	_ =	swait.ge [sflag:s18], $0xE100  }
0x43: {  	[sflag:s18] =	ssyncset.done $0x0  }
0x44: {  	[sflag:s18] =	ssyncadd.s32 $0xFFFF1F00  }
0x45: {  	[spmem:s1] =	stream.indirect.scatter.add.f32 [tilespmem:s21], [sflag:$0x1], $0x48, s2, s21, $0xb8;
	[tilespmem:$0x193E8] =	vst v63  }
0x46: {  	s25 =	simm.s32 $0xC80;
	_ =	swait.ge [sflag:s18], $0xE100  }
0x47: {  	s23 =	sadd.s32 $0x38400, s7;
	s24 =	simm.s32 $0x640;
	[sflag:s18] =	ssyncset.done $0x0  }
.LBB2_2:
0x48: {  	s26 =	sadd.s32 s24, s6  }
0x49: {  	[sflag:s18] =	ssyncadd.s32 $0xFFFF1F00;
	s24 =	smov.u32 s25;
	s28 =	sadd.s32 $0x640, s25  }
0x4a: {  	[tilespmem:s2], [sflag:$0x1] =	stream.linear.gather [hbm4b:s26+s2], $0x320, $0x38;
	[tilespmem:$0x193E8] =	vst v63  }
0x4b: {  	p1 =	sne.s32 s25, $0x9600;
	_ =	swait.ge [sflag:s18], $0x320  }
0x4c: {  	[sflag:s18] =	ssyncset.done $0x0  }
0x4d: {  	[sflag:s18] =	ssyncadd.s32 $0xFFFFFCE0  }
0x4e: {  	[tilespmem:s21], [sflag:$0x1] =	stream.strided.gather [hbm4b:s23+s19], $0xE100, s20, s19, $0x38;
	[tilespmem:$0x193E8] =	vst v63  }
0x4f: {  	_ =	swait.ge [sflag:s18], $0xE100  }
.Ltmp0:
0x50: {  	[sflag:s18] =	ssyncset.done $0x0;
	(pc) =	sbr.rel @p1 .LBB2_2-.Ltmp0, $4  }
0x51: {  	[sflag:s18] =	ssyncadd.s32 $0xFFFF1F00  }
0x52: {  	[spmem:s1] =	stream.indirect.scatter.add.f32 [tilespmem:s21], [sflag:$0x1], $0x48, s2, s21, $0xb8;
	[tilespmem:$0x193E8] =	vst v63  }
0x53: {  	_ =	swait.ge [sflag:s18], $0xE100  }
0x54: {  	s25 =	smov.u32 s28;
	s23 =	sadd.s32 $0x38400, s23;
	[sflag:s18] =	ssyncset.done $0x0  }
0x55: {  	s24 =	sadd.s32 s24, s6;
	[sflag:s18] =	ssyncadd.s32 $0xFFFF1F00  }
0x56: {  	[tilespmem:s2], [sflag:$0x1] =	stream.linear.gather [hbm4b:s24+s2], $0x320, $0x38;
	[tilespmem:$0x193E8] =	vst v63  }
0x57: {  	_ =	swait.ge [sflag:s18], $0x320  }
0x58: {  	[sflag:s18] =	ssyncset.done $0x0  }
0x59: {  	[sflag:s18] =	ssyncadd.s32 $0xFFFFFCE0  }
0x5a: {  	[tilespmem:s21], [sflag:$0x1] =	stream.strided.gather [hbm4b:s23+s19], $0xE100, s20, s19, $0x38;
	[tilespmem:$0x193E8] =	vst v63  }
0x5b: {  	_ =	swait.ge [sflag:s18], $0xE100  }
0x5c: {  	[sflag:s18] =	ssyncset.done $0x0  }
0x5d: {  	[sflag:s18] =	ssyncadd.s32 $0xFFFF1F00  }
0x5e: {  	[spmem:s1] =	stream.indirect.scatter.add.f32 [tilespmem:s21], [sflag:$0x1], $0x48, s2, s21, $0xb8;
	[tilespmem:$0x193E8] =	vst v63  }
0x5f: {  	s25 =	simm.s32 @!p0 $0x9;
	_ =	swait.ge [sflag:s18], $0xE100  }
0x60: {  	s26 =	simm.s32 @!p0 $0x1C01;
	s22 =	sadd.s32 $0x1, s22;
	[sflag:s18] =	ssyncset.done $0x0  }
0x61: {  	s24 =	simm.s32 @!p0 $0x12;
	p1 =	sne.s32 s22, s5;
	[sflag:s18] =	ssyncadd.s32 $0xFFFF1F00  }
.Ltmp1:
0x62: {  	s23 =	simm.s32 @!p0 $0x1;
	[bflag:$0x0] =	sbarrier.arrive $0xFFFF;
	(pc) =	sbr.rel @p1 .LBB2_1-.Ltmp1, $4  }
0x63: {  	[hbm:s4@s24], [sflag:s26] =	dma.strided @!p0 [spmem:s8@s25], $0x15F90, s23, $0x9   }
0x64: {  	_ =	swait.ge @!p0 [sflag:s23], $0x15F90  }
0x65: {  	[sflag:s23] =	ssyncset.done @!p0 $0x0  }
0x66: {  	[sflag:s23] =	ssyncadd.s32 @!p0 $0xFFFEA070  }
0x67: {  	_ =	sfence.sel $0x180000  }
0x68: {  	[bflag:$0x0] =	sbarrier.arrive $0xFFFF  }
0x69: {  	_ =	strace $0x90000059  }
0x6a: {  	s0 =	sadd.s32 @!p0 $0x100000, s0;
	[bflag:$0x2] =	sbarrier.arrive $0xFFFF  }
0x6b: {  	[sflag:s0] =	ssyncadd.tile.s32 @!p0 $0x1;
	_ =	shalt  }
.Lfunc_end2:
_tile_overlayer_lowered:
.L_overlay_start_2:
0x6c: {  	(tag) =	ssettag $0x2  }
0x6d: {  	s0 =	rddreg [dreg:$0x0];
	s2 =	stileid.u32  }
0x6e: {  	s1 =	rddreg [dreg:$0x1];
	p0 =	sne.s32 s2, $0x0  }
0x6f: {  	s3 =	rddreg [dreg:$0x2];
	[bflag:$0x3] =	sbarrier.arrive $0xFFFF;
	s2 =	simm.s32 @!p0 $0x1C01  }
0x70: {  	[timem:s3], [sflag:s2] =	dma.local @!p0 [hbm:s0], s1  }
0x71: {  	s0 =	simm.s32 @!p0 $0x1  }
0x72: {  	_ =	swait.ge @!p0 [sflag:s0], s1  }
0x73: {  	s1 =	ssub.s32 @!p0 $0x0, s1;
	[sflag:s0] =	ssyncset.done @!p0 $0x0  }
0x74: {  	[sflag:s0] =	ssyncadd.s32 @!p0 s1  }
0x75: {  	[bflag:$0x3] =	sbarrier.arrive $0xFFFF  }
0x76: {  	_ =	shalt  }

</sc_bundles>
